<compile_context>
chip_gen: v7x
topology: tpu7x:2x2x1
jax: 0.10.2.dev20260603
libtpu: 0.0.44.dev20260713+nightly
codegen_flags: <defaults>
</compile_context>

<pallas_src>
import functools

import jax
import jax.numpy as jnp
from jax import lax
from jax.experimental import pallas as pl
from jax.experimental.pallas import tpu as pltpu
from jax.experimental.pallas import tpu_sc as plsc

N_STATES = 1000000
OUTPUT_DIM = 16
BATCH = 16384

_info = plsc.get_sparse_core_info()
_NC, _NS = _info.num_cores, _info.num_subcores
_NW = _NC * _NS
_B_PER_W = BATCH // _NW
_VB = 16
_NB = _B_PER_W // _VB

_mesh = plsc.VectorSubcoreMesh(core_axis_name="c", subcore_axis_name="s")


@functools.partial(
    pl.kernel,
    mesh=_mesh,
    out_type=jax.ShapeDtypeStruct((OUTPUT_DIM, BATCH), jnp.float32),
    scratch_types=[
        pltpu.VMEM((_B_PER_W,), jnp.int32),
        pltpu.VMEM((_VB, OUTPUT_DIM, 128), jnp.float32),
        pltpu.VMEM((_VB, OUTPUT_DIM, 128), jnp.float32),
        pltpu.VMEM((OUTPUT_DIM, _B_PER_W), jnp.float32),
        pltpu.SemaphoreType.DMA,
        pltpu.SemaphoreType.DMA,
    ],
    compiler_params=pltpu.CompilerParams(needs_layout_passes=False),
)
def _gather_kernel(table_t_hbm, idx_hbm, out_t_hbm,
                   idx_v, bufs0, bufs1, stage_v, sem0, sem1):
    wid = lax.axis_index("s") * _NC + lax.axis_index("c")
    base = wid * _B_PER_W
    pltpu.sync_copy(idx_hbm.at[pl.ds(base, _B_PER_W)], idx_v)

    rows = lax.iota(jnp.int32, 16)

    def fire(g, bufs, sem):
        iv = idx_v[pl.ds(g * _VB, _VB)]
        for k in range(_VB):
            g128 = pl.multiple_of((iv[k] >> 7) * 128, 128)
            pltpu.async_copy(
                table_t_hbm.at[:, pl.ds(g128, 128)], bufs.at[k], sem)

    def drain(bufs, sem):
        for k in range(_VB):
            pltpu.make_async_copy(
                table_t_hbm.at[:, pl.ds(0, 128)], bufs.at[k], sem).wait()

    def extract(g, bufs):
        iv = idx_v[pl.ds(g * _VB, _VB)]
        for k in range(_VB):
            s_k = iv[k]
            vals = plsc.load_gather(
                bufs.at[k], [rows, jnp.full((16,), s_k & 127, jnp.int32)])
            plsc.store_scatter(
                stage_v,
                [rows, jnp.full((16,), g * _VB + k, jnp.int32)],
                vals)

    fire(0, bufs0, sem0)

    def body(j, carry):
        g0 = j * 2
        fire(g0 + 1, bufs1, sem1)
        drain(bufs0, sem0)
        extract(g0, bufs0)

        @pl.when(j < _NB // 2 - 1)
        def _():
            fire(g0 + 2, bufs0, sem0)

        drain(bufs1, sem1)
        extract(g0 + 1, bufs1)
        return carry

    lax.fori_loop(0, _NB // 2, body, 0)
    pltpu.sync_copy(stage_v, out_t_hbm.at[:, pl.ds(base, _B_PER_W)])


def kernel(preprocessed_states, table):
    idx = preprocessed_states.reshape(BATCH)
    out_t = _gather_kernel(table.T, idx)
    return out_t.T

# --- scband reference (transcript-rebuilt; emitter-appended) ---
"""Pipeline reference for scband-tabular-4020089389504 (READ-ONLY COPY).

The authoritative reference and input builder live on the scoring server;
editing this copy changes nothing except your own understanding.
"""

import jax, jax.numpy as jnp
import numpy as np

N_STATES = 1000000
OUTPUT_DIM = 16
BATCH = 16384

def setup_inputs(seed: int = 0) -> dict:
    key = jax.random.key(seed)
    k_idx, k_tab = jax.random.split(key)
    preprocessed_states = jax.random.randint(k_idx, (BATCH, 1), 0, N_STATES, dtype=jnp.int64 if jax.config.jax_enable_x64 else jnp.int32).astype(jnp.int32)
    table = jax.random.normal(k_tab, (N_STATES, OUTPUT_DIM), dtype=jnp.float32)
    return {"preprocessed_states": preprocessed_states, "table": table}

def reference(preprocessed_states, table):
    # Tabular.forward: outputs = self.table[preprocessed_states.squeeze(-1)]
    idx = jnp.squeeze(preprocessed_states, axis=-1)
    outputs = jnp.take(table, idx, axis=0)
    return outputs

if __name__ == "__main__":
    import jax
    _d = setup_inputs()
    print(jax.jit(kernel)(*tuple(_d.values())))

</pallas_src>

<mosaic_0001>
#map = affine_map<(d0, d1) -> (0, 0)>
#map1 = affine_map<(d0, d1) -> (0)>
module attributes {stable_mosaic.version = 14 : i64} {
  func.func @_gather_kernel(%arg0: i32, %arg1: i32, %arg2: memref<16x1000000xf32, #tpu.memory_space<hbm>>, %arg3: memref<16384xi32, #tpu.memory_space<hbm>>, %arg4: memref<16x16384xf32, #tpu.memory_space<hbm>>, %arg5: memref<512xi32, #tpu.memory_space<vmem>>, %arg6: memref<16x16x128xf32, #tpu.memory_space<vmem>>, %arg7: memref<16x16x128xf32, #tpu.memory_space<vmem>>, %arg8: memref<16x512xf32, #tpu.memory_space<vmem>>, %arg9: memref<!tpu.dma_semaphore, #tpu.memory_space<semaphore_mem>>, %arg10: memref<!tpu.dma_semaphore, #tpu.memory_space<semaphore_mem>>) attributes {dimension_semantics = [#tpu.dimension_semantics<core_parallel>, #tpu.dimension_semantics<subcore_parallel>], iteration_bounds = array<i64: 2, 16>, scalar_prefetch = 0 : i64, scratch_operands = 6 : i64, tpu.core_type = #tpu.core_type<sc_vector_subcore>, window_params = [{transform_indices = #map}, {transform_indices = #map1}, {transform_indices = #map}]} {
    %mul3A = arith.constant 2 : i32
    %mul3A_0 = arith.muli %arg1, %mul3A : i32
    %add3A = arith.addi %mul3A_0, %arg0 : i32
    %mul3A_1 = arith.constant 512 : i32
    %mul3A_2 = arith.muli %add3A, %mul3A_1 : i32
    "tpu.region"() ({
      %run_scoped3A = tpu.sem_alloc : memref<!tpu.dma_semaphore, #tpu.memory_space<semaphore_mem>>
      %dma_start3A_324 = tpu.memref_slice %arg3[%mul3A_2] : memref<16384xi32, #tpu.memory_space<hbm>> -> memref<512xi32, #tpu.memory_space<hbm>>
      %dma_start3A_325 = tpu.memref_slice %arg3[%mul3A_2] : memref<16384xi32, #tpu.memory_space<hbm>> -> memref<512xi32, #tpu.memory_space<hbm>>
      tpu.enqueue_dma source(%dma_start3A_325 : memref<512xi32, #tpu.memory_space<hbm>>) target(%arg5 : memref<512xi32, #tpu.memory_space<vmem>>) target_semaphore(%run_scoped3A : memref<!tpu.dma_semaphore, #tpu.memory_space<semaphore_mem>>)
      %dma_wait3A = tpu.memref_slice %arg3[%mul3A_2] : memref<16384xi32, #tpu.memory_space<hbm>> -> memref<512xi32, #tpu.memory_space<hbm>>
      %dma_wait3A_326 = tpu.memref_slice %arg3[%mul3A_2] : memref<16384xi32, #tpu.memory_space<hbm>> -> memref<512xi32, #tpu.memory_space<hbm>>
      tpu.wait_dma2 semaphore(%run_scoped3A : memref<!tpu.dma_semaphore, #tpu.memory_space<semaphore_mem>>) src(%dma_wait3A_326 : memref<512xi32, #tpu.memory_space<hbm>>) dst(%arg5 : memref<512xi32, #tpu.memory_space<vmem>>)
      tpu.yield
    }) : () -> ()
    %iota3A = tpu.iota {dimensions = array<i32: 0>} : vector<16xi32>
    %get3A = arith.constant 0 : index
    %get3A_3 = tpu.vector_load %arg5[%get3A] {strides = array<i32>} : memref<512xi32, #tpu.memory_space<vmem>>, vector<16xi32>,
    %slice3A = vector.extract_strided_slice %get3A_3 {offsets = [0], sizes = [1], strides = [1]} : vector<16xi32> to vector<1xi32>
    %squeeze3A = vector.extract %slice3A[0] : i32 from vector<1xi32>
    %shift_right_arithmetic3A = arith.constant 7 : i32
    %shift_right_arithmetic3A_4 = arith.shrsi %squeeze3A, %shift_right_arithmetic3A : i32
    %mul3A_5 = arith.constant 128 : i32
    %mul3A_6 = arith.muli %shift_right_arithmetic3A_4, %mul3A_5 : i32
    %multiple_of3A = tpu.assume_multiple %mul3A_6, 128 : i32
    %dma_start3A = arith.constant 0 : i32
    %dma_start3A_7 = arith.constant 0 : i32
    %dma_start3A_8 = arith.constant 0 : i32
    %dma_start3A_9 = tpu.memref_slice %arg6[%dma_start3A, %dma_start3A_7, %dma_start3A_8] : memref<16x16x128xf32, #tpu.memory_space<vmem>> -> memref<1x16x128xf32, #tpu.memory_space<vmem>>
    %dma_start3A_10 = tpu.memref_squeeze %dma_start3A_9 : memref<1x16x128xf32, #tpu.memory_space<vmem>> -> memref<16x128xf32, #tpu.memory_space<vmem>>
    %dma_start3A_11 = arith.constant 0 : i32
    %dma_start3A_12 = tpu.memref_slice %arg2[%dma_start3A_11, %multiple_of3A] : memref<16x1000000xf32, #tpu.memory_space<hbm>> -> memref<16x128xf32, #tpu.memory_space<hbm>>
    %dma_start3A_13 = arith.constant 0 : i32
    %dma_start3A_14 = arith.constant 0 : i32
    %dma_start3A_15 = tpu.memref_slice %arg6[%dma_start3A, %dma_start3A_13, %dma_start3A_14] : memref<16x16x128xf32, #tpu.memory_space<vmem>> -> memref<1x16x128xf32, #tpu.memory_space<vmem>>
    %dma_start3A_16 = tpu.memref_squeeze %dma_start3A_15 : memref<1x16x128xf32, #tpu.memory_space<vmem>> -> memref<16x128xf32, #tpu.memory_space<vmem>>
    %dma_start3A_17 = arith.constant 0 : i32
    %dma_start3A_18 = tpu.memref_slice %arg2[%dma_start3A_17, %multiple_of3A] : memref<16x1000000xf32, #tpu.memory_space<hbm>> -> memref<16x128xf32, #tpu.memory_space<hbm>>
    tpu.enqueue_dma source(%dma_start3A_18 : memref<16x128xf32, #tpu.memory_space<hbm>>) target(%dma_start3A_16 : memref<16x128xf32, #tpu.memory_space<vmem>>) target_semaphore(%arg9 : memref<!tpu.dma_semaphore, #tpu.memory_space<semaphore_mem>>)
    %slice3A_19 = vector.extract_strided_slice %get3A_3 {offsets = [1], sizes = [1], strides = [1]} : vector<16xi32> to vector<1xi32>
    %squeeze3A_20 = vector.extract %slice3A_19[0] : i32 from vector<1xi32>
    %shift_right_arithmetic3A_21 = arith.constant 7 : i32
    %shift_right_arithmetic3A_22 = arith.shrsi %squeeze3A_20, %shift_right_arithmetic3A_21 : i32
    %mul3A_23 = arith.constant 128 : i32
    %mul3A_24 = arith.muli %shift_right_arithmetic3A_22, %mul3A_23 : i32
    %multiple_of3A_25 = tpu.assume_multiple %mul3A_24, 128 : i32
    %dma_start3A_26 = arith.constant 1 : i32
    %dma_start3A_27 = arith.constant 0 : i32
    %dma_start3A_28 = arith.constant 0 : i32
    %dma_start3A_29 = tpu.memref_slice %arg6[%dma_start3A_26, %dma_start3A_27, %dma_start3A_28] : memref<16x16x128xf32, #tpu.memory_space<vmem>> -> memref<1x16x128xf32, #tpu.memory_space<vmem>>
    %dma_start3A_30 = tpu.memref_squeeze %dma_start3A_29 : memref<1x16x128xf32, #tpu.memory_space<vmem>> -> memref<16x128xf32, #tpu.memory_space<vmem>>
    %dma_start3A_31 = arith.constant 0 : i32
    %dma_start3A_32 = tpu.memref_slice %arg2[%dma_start3A_31, %multiple_of3A_25] : memref<16x1000000xf32, #tpu.memory_space<hbm>> -> memref<16x128xf32, #tpu.memory_space<hbm>>
    %dma_start3A_33 = arith.constant 0 : i32
    %dma_start3A_34 = arith.constant 0 : i32
    %dma_start3A_35 = tpu.memref_slice %arg6[%dma_start3A_26, %dma_start3A_33, %dma_start3A_34] : memref<16x16x128xf32, #tpu.memory_space<vmem>> -> memref<1x16x128xf32, #tpu.memory_space<vmem>>
    %dma_start3A_36 = tpu.memref_squeeze %dma_start3A_35 : memref<1x16x128xf32, #tpu.memory_space<vmem>> -> memref<16x128xf32, #tpu.memory_space<vmem>>
    %dma_start3A_37 = arith.constant 0 : i32
    %dma_start3A_38 = tpu.memref_slice %arg2[%dma_start3A_37, %multiple_of3A_25] : memref<16x1000000xf32, #tpu.memory_space<hbm>> -> memref<16x128xf32, #tpu.memory_space<hbm>>
    tpu.enqueue_dma source(%dma_start3A_38 : memref<16x128xf32, #tpu.memory_space<hbm>>) target(%dma_start3A_36 : memref<16x128xf32, #tpu.memory_space<vmem>>) target_semaphore(%arg9 : memref<!tpu.dma_semaphore, #tpu.memory_space<semaphore_mem>>)
    %slice3A_39 = vector.extract_strided_slice %get3A_3 {offsets = [2], sizes = [1], strides = [1]} : vector<16xi32> to vector<1xi32>
    %squeeze3A_40 = vector.extract %slice3A_39[0] : i32 from vector<1xi32>
    %shift_right_arithmetic3A_41 = arith.constant 7 : i32
    %shift_right_arithmetic3A_42 = arith.shrsi %squeeze3A_40, %shift_right_arithmetic3A_41 : i32
    %mul3A_43 = arith.constant 128 : i32
    %mul3A_44 = arith.muli %shift_right_arithmetic3A_42, %mul3A_43 : i32
    %multiple_of3A_45 = tpu.assume_multiple %mul3A_44, 128 : i32
    %dma_start3A_46 = arith.constant 2 : i32
    %dma_start3A_47 = arith.constant 0 : i32
    %dma_start3A_48 = arith.constant 0 : i32
    %dma_start3A_49 = tpu.memref_slice %arg6[%dma_start3A_46, %dma_start3A_47, %dma_start3A_48] : memref<16x16x128xf32, #tpu.memory_space<vmem>> -> memref<1x16x128xf32, #tpu.memory_space<vmem>>
    %dma_start3A_50 = tpu.memref_squeeze %dma_start3A_49 : memref<1x16x128xf32, #tpu.memory_space<vmem>> -> memref<16x128xf32, #tpu.memory_space<vmem>>
    %dma_start3A_51 = arith.constant 0 : i32
    %dma_start3A_52 = tpu.memref_slice %arg2[%dma_start3A_51, %multiple_of3A_45] : memref<16x1000000xf32, #tpu.memory_space<hbm>> -> memref<16x128xf32, #tpu.memory_space<hbm>>
    %dma_start3A_53 = arith.constant 0 : i32
    %dma_start3A_54 = arith.constant 0 : i32
    %dma_start3A_55 = tpu.memref_slice %arg6[%dma_start3A_46, %dma_start3A_53, %dma_start3A_54] : memref<16x16x128xf32, #tpu.memory_space<vmem>> -> memref<1x16x128xf32, #tpu.memory_space<vmem>>
    %dma_start3A_56 = tpu.memref_squeeze %dma_start3A_55 : memref<1x16x128xf32, #tpu.memory_space<vmem>> -> memref<16x128xf32, #tpu.memory_space<vmem>>
    %dma_start3A_57 = arith.constant 0 : i32
    %dma_start3A_58 = tpu.memref_slice %arg2[%dma_start3A_57, %multiple_of3A_45] : memref<16x1000000xf32, #tpu.memory_space<hbm>> -> memref<16x128xf32, #tpu.memory_space<hbm>>
    tpu.enqueue_dma source(%dma_start3A_58 : memref<16x128xf32, #tpu.memory_space<hbm>>) target(%dma_start3A_56 : memref<16x128xf32, #tpu.memory_space<vmem>>) target_semaphore(%arg9 : memref<!tpu.dma_semaphore, #tpu.memory_space<semaphore_mem>>)
    %slice3A_59 = vector.extract_strided_slice %get3A_3 {offsets = [3], sizes = [1], strides = [1]} : vector<16xi32> to vector<1xi32>
    %squeeze3A_60 = vector.extract %slice3A_59[0] : i32 from vector<1xi32>
    %shift_right_arithmetic3A_61 = arith.constant 7 : i32
    %shift_right_arithmetic3A_62 = arith.shrsi %squeeze3A_60, %shift_right_arithmetic3A_61 : i32
    %mul3A_63 = arith.constant 128 : i32
    %mul3A_64 = arith.muli %shift_right_arithmetic3A_62, %mul3A_63 : i32
    %multiple_of3A_65 = tpu.assume_multiple %mul3A_64, 128 : i32
    %dma_start3A_66 = arith.constant 3 : i32
    %dma_start3A_67 = arith.constant 0 : i32
    %dma_start3A_68 = arith.constant 0 : i32
    %dma_start3A_69 = tpu.memref_slice %arg6[%dma_start3A_66, %dma_start3A_67, %dma_start3A_68] : memref<16x16x128xf32, #tpu.memory_space<vmem>> -> memref<1x16x128xf32, #tpu.memory_space<vmem>>
    %dma_start3A_70 = tpu.memref_squeeze %dma_start3A_69 : memref<1x16x128xf32, #tpu.memory_space<vmem>> -> memref<16x128xf32, #tpu.memory_space<vmem>>
    %dma_start3A_71 = arith.constant 0 : i32
    %dma_start3A_72 = tpu.memref_slice %arg2[%dma_start3A_71, %multiple_of3A_65] : memref<16x1000000xf32, #tpu.memory_space<hbm>> -> memref<16x128xf32, #tpu.memory_space<hbm>>
    %dma_start3A_73 = arith.constant 0 : i32
    %dma_start3A_74 = arith.constant 0 : i32
    %dma_start3A_75 = tpu.memref_slice %arg6[%dma_start3A_66, %dma_start3A_73, %dma_start3A_74] : memref<16x16x128xf32, #tpu.memory_space<vmem>> -> memref<1x16x128xf32, #tpu.memory_space<vmem>>
    %dma_start3A_76 = tpu.memref_squeeze %dma_start3A_75 : memref<1x16x128xf32, #tpu.memory_space<vmem>> -> memref<16x128xf32, #tpu.memory_space<vmem>>
    %dma_start3A_77 = arith.constant 0 : i32
    %dma_start3A_78 = tpu.memref_slice %arg2[%dma_start3A_77, %multiple_of3A_65] : memref<16x1000000xf32, #tpu.memory_space<hbm>> -> memref<16x128xf32, #tpu.memory_space<hbm>>
    tpu.enqueue_dma source(%dma_start3A_78 : memref<16x128xf32, #tpu.memory_space<hbm>>) target(%dma_start3A_76 : memref<16x128xf32, #tpu.memory_space<vmem>>) target_semaphore(%arg9 : memref<!tpu.dma_semaphore, #tpu.memory_space<semaphore_mem>>)
    %slice3A_79 = vector.extract_strided_slice %get3A_3 {offsets = [4], sizes = [1], strides = [1]} : vector<16xi32> to vector<1xi32>
    %squeeze3A_80 = vector.extract %slice3A_79[0] : i32 from vector<1xi32>
    %shift_right_arithmetic3A_81 = arith.constant 7 : i32
    %shift_right_arithmetic3A_82 = arith.shrsi %squeeze3A_80, %shift_right_arithmetic3A_81 : i32
    %mul3A_83 = arith.constant 128 : i32
    %mul3A_84 = arith.muli %shift_right_arithmetic3A_82, %mul3A_83 : i32
    %multiple_of3A_85 = tpu.assume_multiple %mul3A_84, 128 : i32
    %dma_start3A_86 = arith.constant 4 : i32
    %dma_start3A_87 = arith.constant 0 : i32
    %dma_start3A_88 = arith.constant 0 : i32
    %dma_start3A_89 = tpu.memref_slice %arg6[%dma_start3A_86, %dma_start3A_87, %dma_start3A_88] : memref<16x16x128xf32, #tpu.memory_space<vmem>> -> memref<1x16x128xf32, #tpu.memory_space<vmem>>
    %dma_start3A_90 = tpu.memref_squeeze %dma_start3A_89 : memref<1x16x128xf32, #tpu.memory_space<vmem>> -> memref<16x128xf32, #tpu.memory_space<vmem>>
    %dma_start3A_91 = arith.constant 0 : i32
    %dma_start3A_92 = tpu.memref_slice %arg2[%dma_start3A_91, %multiple_of3A_85] : memref<16x1000000xf32, #tpu.memory_space<hbm>> -> memref<16x128xf32, #tpu.memory_space<hbm>>
    %dma_start3A_93 = arith.constant 0 : i32
    %dma_start3A_94 = arith.constant 0 : i32
    %dma_start3A_95 = tpu.memref_slice %arg6[%dma_start3A_86, %dma_start3A_93, %dma_start3A_94] : memref<16x16x128xf32, #tpu.memory_space<vmem>> -> memref<1x16x128xf32, #tpu.memory_space<vmem>>
    %dma_start3A_96 = tpu.memref_squeeze %dma_start3A_95 : memref<1x16x128xf32, #tpu.memory_space<vmem>> -> memref<16x128xf32, #tpu.memory_space<vmem>>
    %dma_start3A_97 = arith.constant 0 : i32
    %dma_start3A_98 = tpu.memref_slice %arg2[%dma_start3A_97, %multiple_of3A_85] : memref<16x1000000xf32, #tpu.memory_space<hbm>> -> memref<16x128xf32, #tpu.memory_space<hbm>>
    tpu.enqueue_dma source(%dma_start3A_98 : memref<16x128xf32, #tpu.memory_space<hbm>>) target(%dma_start3A_96 : memref<16x128xf32, #tpu.memory_space<vmem>>) target_semaphore(%arg9 : memref<!tpu.dma_semaphore, #tpu.memory_space<semaphore_mem>>)
    %slice3A_99 = vector.extract_strided_slice %get3A_3 {offsets = [5], sizes = [1], strides = [1]} : vector<16xi32> to vector<1xi32>
    %squeeze3A_100 = vector.extract %slice3A_99[0] : i32 from vector<1xi32>
    %shift_right_arithmetic3A_101 = arith.constant 7 : i32
    %shift_right_arithmetic3A_102 = arith.shrsi %squeeze3A_100, %shift_right_arithmetic3A_101 : i32
    %mul3A_103 = arith.constant 128 : i32
    %mul3A_104 = arith.muli %shift_right_arithmetic3A_102, %mul3A_103 : i32
    %multiple_of3A_105 = tpu.assume_multiple %mul3A_104, 128 : i32
    %dma_start3A_106 = arith.constant 5 : i32
    %dma_start3A_107 = arith.constant 0 : i32
    %dma_start3A_108 = arith.constant 0 : i32
    %dma_start3A_109 = tpu.memref_slice %arg6[%dma_start3A_106, %dma_start3A_107, %dma_start3A_108] : memref<16x16x128xf32, #tpu.memory_space<vmem>> -> memref<1x16x128xf32, #tpu.memory_space<vmem>>
    %dma_start3A_110 = tpu.memref_squeeze %dma_start3A_109 : memref<1x16x128xf32, #tpu.memory_space<vmem>> -> memref<16x128xf32, #tpu.memory_space<vmem>>
    %dma_start3A_111 = arith.constant 0 : i32
    %dma_start3A_112 = tpu.memref_slice %arg2[%dma_start3A_111, %multiple_of3A_105] : memref<16x1000000xf32, #tpu.memory_space<hbm>> -> memref<16x128xf32, #tpu.memory_space<hbm>>
    %dma_start3A_113 = arith.constant 0 : i32
    %dma_start3A_114 = arith.constant 0 : i32
    %dma_start3A_115 = tpu.memref_slice %arg6[%dma_start3A_106, %dma_start3A_113, %dma_start3A_114] : memref<16x16x128xf32, #tpu.memory_space<vmem>> -> memref<1x16x128xf32, #tpu.memory_space<vmem>>
    %dma_start3A_116 = tpu.memref_squeeze %dma_start3A_115 : memref<1x16x128xf32, #tpu.memory_space<vmem>> -> memref<16x128xf32, #tpu.memory_space<vmem>>
    %dma_start3A_117 = arith.constant 0 : i32
    %dma_start3A_118 = tpu.memref_slice %arg2[%dma_start3A_117, %multiple_of3A_105] : memref<16x1000000xf32, #tpu.memory_space<hbm>> -> memref<16x128xf32, #tpu.memory_space<hbm>>
    tpu.enqueue_dma source(%dma_start3A_118 : memref<16x128xf32, #tpu.memory_space<hbm>>) target(%dma_start3A_116 : memref<16x128xf32, #tpu.memory_space<vmem>>) target_semaphore(%arg9 : memref<!tpu.dma_semaphore, #tpu.memory_space<semaphore_mem>>)
    %slice3A_119 = vector.extract_strided_slice %get3A_3 {offsets = [6], sizes = [1], strides = [1]} : vector<16xi32> to vector<1xi32>
    %squeeze3A_120 = vector.extract %slice3A_119[0] : i32 from vector<1xi32>
    %shift_right_arithmetic3A_121 = arith.constant 7 : i32
    %shift_right_arithmetic3A_122 = arith.shrsi %squeeze3A_120, %shift_right_arithmetic3A_121 : i32
    %mul3A_123 = arith.constant 128 : i32
    %mul3A_124 = arith.muli %shift_right_arithmetic3A_122, %mul3A_123 : i32
    %multiple_of3A_125 = tpu.assume_multiple %mul3A_124, 128 : i32
    %dma_start3A_126 = arith.constant 6 : i32
    %dma_start3A_127 = arith.constant 0 : i32
    %dma_start3A_128 = arith.constant 0 : i32
    %dma_start3A_129 = tpu.memref_slice %arg6[%dma_start3A_126, %dma_start3A_127, %dma_start3A_128] : memref<16x16x128xf32, #tpu.memory_space<vmem>> -> memref<1x16x128xf32, #tpu.memory_space<vmem>>
    %dma_start3A_130 = tpu.memref_squeeze %dma_start3A_129 : memref<1x16x128xf32, #tpu.memory_space<vmem>> -> memref<16x128xf32, #tpu.memory_space<vmem>>
    %dma_start3A_131 = arith.constant 0 : i32
    %dma_start3A_132 = tpu.memref_slice %arg2[%dma_start3A_131, %multiple_of3A_125] : memref<16x1000000xf32, #tpu.memory_space<hbm>> -> memref<16x128xf32, #tpu.memory_space<hbm>>
    %dma_start3A_133 = arith.constant 0 : i32
    %dma_start3A_134 = arith.constant 0 : i32
    %dma_start3A_135 = tpu.memref_slice %arg6[%dma_start3A_126, %dma_start3A_133, %dma_start3A_134] : memref<16x16x128xf32, #tpu.memory_space<vmem>> -> memref<1x16x128xf32, #tpu.memory_space<vmem>>
    %dma_start3A_136 = tpu.memref_squeeze %dma_start3A_135 : memref<1x16x128xf32, #tpu.memory_space<vmem>> -> memref<16x128xf32, #tpu.memory_space<vmem>>
    %dma_start3A_137 = arith.constant 0 : i32
    %dma_start3A_138 = tpu.memref_slice %arg2[%dma_start3A_137, %multiple_of3A_125] : memref<16x1000000xf32, #tpu.memory_space<hbm>> -> memref<16x128xf32, #tpu.memory_space<hbm>>
    tpu.enqueue_dma source(%dma_start3A_138 : memref<16x128xf32, #tpu.memory_space<hbm>>) target(%dma_start3A_136 : memref<16x128xf32, #tpu.memory_space<vmem>>) target_semaphore(%arg9 : memref<!tpu.dma_semaphore, #tpu.memory_space<semaphore_mem>>)
    %slice3A_139 = vector.extract_strided_slice %get3A_3 {offsets = [7], sizes = [1], strides = [1]} : vector<16xi32> to vector<1xi32>
    %squeeze3A_140 = vector.extract %slice3A_139[0] : i32 from vector<1xi32>
    %shift_right_arithmetic3A_141 = arith.constant 7 : i32
    %shift_right_arithmetic3A_142 = arith.shrsi %squeeze3A_140, %shift_right_arithmetic3A_141 : i32
    %mul3A_143 = arith.constant 128 : i32
    %mul3A_144 = arith.muli %shift_right_arithmetic3A_142, %mul3A_143 : i32
    %multiple_of3A_145 = tpu.assume_multiple %mul3A_144, 128 : i32
    %dma_start3A_146 = arith.constant 7 : i32
    %dma_start3A_147 = arith.constant 0 : i32
    %dma_start3A_148 = arith.constant 0 : i32
    %dma_start3A_149 = tpu.memref_slice %arg6[%dma_start3A_146, %dma_start3A_147, %dma_start3A_148] : memref<16x16x128xf32, #tpu.memory_space<vmem>> -> memref<1x16x128xf32, #tpu.memory_space<vmem>>
    %dma_start3A_150 = tpu.memref_squeeze %dma_start3A_149 : memref<1x16x128xf32, #tpu.memory_space<vmem>> -> memref<16x128xf32, #tpu.memory_space<vmem>>
    %dma_start3A_151 = arith.constant 0 : i32
    %dma_start3A_152 = tpu.memref_slice %arg2[%dma_start3A_151, %multiple_of3A_145] : memref<16x1000000xf32, #tpu.memory_space<hbm>> -> memref<16x128xf32, #tpu.memory_space<hbm>>
    %dma_start3A_153 = arith.constant 0 : i32
    %dma_start3A_154 = arith.constant 0 : i32
    %dma_start3A_155 = tpu.memref_slice %arg6[%dma_start3A_146, %dma_start3A_153, %dma_start3A_154] : memref<16x16x128xf32, #tpu.memory_space<vmem>> -> memref<1x16x128xf32, #tpu.memory_space<vmem>>
    %dma_start3A_156 = tpu.memref_squeeze %dma_start3A_155 : memref<1x16x128xf32, #tpu.memory_space<vmem>> -> memref<16x128xf32, #tpu.memory_space<vmem>>
    %dma_start3A_157 = arith.constant 0 : i32
    %dma_start3A_158 = tpu.memref_slice %arg2[%dma_start3A_157, %multiple_of3A_145] : memref<16x1000000xf32, #tpu.memory_space<hbm>> -> memref<16x128xf32, #tpu.memory_space<hbm>>
    tpu.enqueue_dma source(%dma_start3A_158 : memref<16x128xf32, #tpu.memory_space<hbm>>) target(%dma_start3A_156 : memref<16x128xf32, #tpu.memory_space<vmem>>) target_semaphore(%arg9 : memref<!tpu.dma_semaphore, #tpu.memory_space<semaphore_mem>>)
    %slice3A_159 = vector.extract_strided_slice %get3A_3 {offsets = [8], sizes = [1], strides = [1]} : vector<16xi32> to vector<1xi32>
    %squeeze3A_160 = vector.extract %slice3A_159[0] : i32 from vector<1xi32>
    %shift_right_arithmetic3A_161 = arith.constant 7 : i32
    %shift_right_arithmetic3A_162 = arith.shrsi %squeeze3A_160, %shift_right_arithmetic3A_161 : i32
    %mul3A_163 = arith.constant 128 : i32
    %mul3A_164 = arith.muli %shift_right_arithmetic3A_162, %mul3A_163 : i32
    %multiple_of3A_165 = tpu.assume_multiple %mul3A_164, 128 : i32
    %dma_start3A_166 = arith.constant 8 : i32
    %dma_start3A_167 = arith.constant 0 : i32
    %dma_start3A_168 = arith.constant 0 : i32
    %dma_start3A_169 = tpu.memref_slice %arg6[%dma_start3A_166, %dma_start3A_167, %dma_start3A_168] : memref<16x16x128xf32, #tpu.memory_space<vmem>> -> memref<1x16x128xf32, #tpu.memory_space<vmem>>
    %dma_start3A_170 = tpu.memref_squeeze %dma_start3A_169 : memref<1x16x128xf32, #tpu.memory_space<vmem>> -> memref<16x128xf32, #tpu.memory_space<vmem>>
    %dma_start3A_171 = arith.constant 0 : i32
    %dma_start3A_172 = tpu.memref_slice %arg2[%dma_start3A_171, %multiple_of3A_165] : memref<16x1000000xf32, #tpu.memory_space<hbm>> -> memref<16x128xf32, #tpu.memory_space<hbm>>
    %dma_start3A_173 = arith.constant 0 : i32
    %dma_start3A_174 = arith.constant 0 : i32
    %dma_start3A_175 = tpu.memref_slice %arg6[%dma_start3A_166, %dma_start3A_173, %dma_start3A_174] : memref<16x16x128xf32, #tpu.memory_space<vmem>> -> memref<1x16x128xf32, #tpu.memory_space<vmem>>
    %dma_start3A_176 = tpu.memref_squeeze %dma_start3A_175 : memref<1x16x128xf32, #tpu.memory_space<vmem>> -> memref<16x128xf32, #tpu.memory_space<vmem>>
    %dma_start3A_177 = arith.constant 0 : i32
    %dma_start3A_178 = tpu.memref_slice %arg2[%dma_start3A_177, %multiple_of3A_165] : memref<16x1000000xf32, #tpu.memory_space<hbm>> -> memref<16x128xf32, #tpu.memory_space<hbm>>
    tpu.enqueue_dma source(%dma_start3A_178 : memref<16x128xf32, #tpu.memory_space<hbm>>) target(%dma_start3A_176 : memref<16x128xf32, #tpu.memory_space<vmem>>) target_semaphore(%arg9 : memref<!tpu.dma_semaphore, #tpu.memory_space<semaphore_mem>>)
    %slice3A_179 = vector.extract_strided_slice %get3A_3 {offsets = [9], sizes = [1], strides = [1]} : vector<16xi32> to vector<1xi32>
    %squeeze3A_180 = vector.extract %slice3A_179[0] : i32 from vector<1xi32>
    %shift_right_arithmetic3A_181 = arith.constant 7 : i32
    %shift_right_arithmetic3A_182 = arith.shrsi %squeeze3A_180, %shift_right_arithmetic3A_181 : i32
    %mul3A_183 = arith.constant 128 : i32
    %mul3A_184 = arith.muli %shift_right_arithmetic3A_182, %mul3A_183 : i32
    %multiple_of3A_185 = tpu.assume_multiple %mul3A_184, 128 : i32
    %dma_start3A_186 = arith.constant 9 : i32
    %dma_start3A_187 = arith.constant 0 : i32
    %dma_start3A_188 = arith.constant 0 : i32
    %dma_start3A_189 = tpu.memref_slice %arg6[%dma_start3A_186, %dma_start3A_187, %dma_start3A_188] : memref<16x16x128xf32, #tpu.memory_space<vmem>> -> memref<1x16x128xf32, #tpu.memory_space<vmem>>
    %dma_start3A_190 = tpu.memref_squeeze %dma_start3A_189 : memref<1x16x128xf32, #tpu.memory_space<vmem>> -> memref<16x128xf32, #tpu.memory_space<vmem>>
    %dma_start3A_191 = arith.constant 0 : i32
    %dma_start3A_192 = tpu.memref_slice %arg2[%dma_start3A_191, %multiple_of3A_185] : memref<16x1000000xf32, #tpu.memory_space<hbm>> -> memref<16x128xf32, #tpu.memory_space<hbm>>
    %dma_start3A_193 = arith.constant 0 : i32
    %dma_start3A_194 = arith.constant 0 : i32
    %dma_start3A_195 = tpu.memref_slice %arg6[%dma_start3A_186, %dma_start3A_193, %dma_start3A_194] : memref<16x16x128xf32, #tpu.memory_space<vmem>> -> memref<1x16x128xf32, #tpu.memory_space<vmem>>
    %dma_start3A_196 = tpu.memref_squeeze %dma_start3A_195 : memref<1x16x128xf32, #tpu.memory_space<vmem>> -> memref<16x128xf32, #tpu.memory_space<vmem>>
    %dma_start3A_197 = arith.constant 0 : i32
    %dma_start3A_198 = tpu.memref_slice %arg2[%dma_start3A_197, %multiple_of3A_185] : memref<16x1000000xf32, #tpu.memory_space<hbm>> -> memref<16x128xf32, #tpu.memory_space<hbm>>
    tpu.enqueue_dma source(%dma_start3A_198 : memref<16x128xf32, #tpu.memory_space<hbm>>) target(%dma_start3A_196 : memref<16x128xf32, #tpu.memory_space<vmem>>) target_semaphore(%arg9 : memref<!tpu.dma_semaphore, #tpu.memory_space<semaphore_mem>>)
    %slice3A_199 = vector.extract_strided_slice %get3A_3 {offsets = [10], sizes = [1], strides = [1]} : vector<16xi32> to vector<1xi32>
    %squeeze3A_200 = vector.extract %slice3A_199[0] : i32 from vector<1xi32>
    %shift_right_arithmetic3A_201 = arith.constant 7 : i32
    %shift_right_arithmetic3A_202 = arith.shrsi %squeeze3A_200, %shift_right_arithmetic3A_201 : i32
    %mul3A_203 = arith.constant 128 : i32
    %mul3A_204 = arith.muli %shift_right_arithmetic3A_202, %mul3A_203 : i32
    %multiple_of3A_205 = tpu.assume_multiple %mul3A_204, 128 : i32
    %dma_start3A_206 = arith.constant 10 : i32
    %dma_start3A_207 = arith.constant 0 : i32
    %dma_start3A_208 = arith.constant 0 : i32
    %dma_start3A_209 = tpu.memref_slice %arg6[%dma_start3A_206, %dma_start3A_207, %dma_start3A_208] : memref<16x16x128xf32, #tpu.memory_space<vmem>> -> memref<1x16x128xf32, #tpu.memory_space<vmem>>
    %dma_start3A_210 = tpu.memref_squeeze %dma_start3A_209 : memref<1x16x128xf32, #tpu.memory_space<vmem>> -> memref<16x128xf32, #tpu.memory_space<vmem>>
    %dma_start3A_211 = arith.constant 0 : i32
    %dma_start3A_212 = tpu.memref_slice %arg2[%dma_start3A_211, %multiple_of3A_205] : memref<16x1000000xf32, #tpu.memory_space<hbm>> -> memref<16x128xf32, #tpu.memory_space<hbm>>
    %dma_start3A_213 = arith.constant 0 : i32
    %dma_start3A_214 = arith.constant 0 : i32
    %dma_start3A_215 = tpu.memref_slice %arg6[%dma_start3A_206, %dma_start3A_213, %dma_start3A_214] : memref<16x16x128xf32, #tpu.memory_space<vmem>> -> memref<1x16x128xf32, #tpu.memory_space<vmem>>
    %dma_start3A_216 = tpu.memref_squeeze %dma_start3A_215 : memref<1x16x128xf32, #tpu.memory_space<vmem>> -> memref<16x128xf32, #tpu.memory_space<vmem>>
    %dma_start3A_217 = arith.constant 0 : i32
    %dma_start3A_218 = tpu.memref_slice %arg2[%dma_start3A_217, %multiple_of3A_205] : memref<16x1000000xf32, #tpu.memory_space<hbm>> -> memref<16x128xf32, #tpu.memory_space<hbm>>
    tpu.enqueue_dma source(%dma_start3A_218 : memref<16x128xf32, #tpu.memory_space<hbm>>) target(%dma_start3A_216 : memref<16x128xf32, #tpu.memory_space<vmem>>) target_semaphore(%arg9 : memref<!tpu.dma_semaphore, #tpu.memory_space<semaphore_mem>>)
    %slice3A_219 = vector.extract_strided_slice %get3A_3 {offsets = [11], sizes = [1], strides = [1]} : vector<16xi32> to vector<1xi32>
    %squeeze3A_220 = vector.extract %slice3A_219[0] : i32 from vector<1xi32>
    %shift_right_arithmetic3A_221 = arith.constant 7 : i32
    %shift_right_arithmetic3A_222 = arith.shrsi %squeeze3A_220, %shift_right_arithmetic3A_221 : i32
    %mul3A_223 = arith.constant 128 : i32
    %mul3A_224 = arith.muli %shift_right_arithmetic3A_222, %mul3A_223 : i32
    %multiple_of3A_225 = tpu.assume_multiple %mul3A_224, 128 : i32
    %dma_start3A_226 = arith.constant 11 : i32
    %dma_start3A_227 = arith.constant 0 : i32
    %dma_start3A_228 = arith.constant 0 : i32
    %dma_start3A_229 = tpu.memref_slice %arg6[%dma_start3A_226, %dma_start3A_227, %dma_start3A_228] : memref<16x16x128xf32, #tpu.memory_space<vmem>> -> memref<1x16x128xf32, #tpu.memory_space<vmem>>
    %dma_start3A_230 = tpu.memref_squeeze %dma_start3A_229 : memref<1x16x128xf32, #tpu.memory_space<vmem>> -> memref<16x128xf32, #tpu.memory_space<vmem>>
    %dma_start3A_231 = arith.constant 0 : i32
    %dma_start3A_232 = tpu.memref_slice %arg2[%dma_start3A_231, %multiple_of3A_225] : memref<16x1000000xf32, #tpu.memory_space<hbm>> -> memref<16x128xf32, #tpu.memory_space<hbm>>
    %dma_start3A_233 = arith.constant 0 : i32
    %dma_start3A_234 = arith.constant 0 : i32
    %dma_start3A_235 = tpu.memref_slice %arg6[%dma_start3A_226, %dma_start3A_233, %dma_start3A_234] : memref<16x16x128xf32, #tpu.memory_space<vmem>> -> memref<1x16x128xf32, #tpu.memory_space<vmem>>
    %dma_start3A_236 = tpu.memref_squeeze %dma_start3A_235 : memref<1x16x128xf32, #tpu.memory_space<vmem>> -> memref<16x128xf32, #tpu.memory_space<vmem>>
    %dma_start3A_237 = arith.constant 0 : i32
    %dma_start3A_238 = tpu.memref_slice %arg2[%dma_start3A_237, %multiple_of3A_225] : memref<16x1000000xf32, #tpu.memory_space<hbm>> -> memref<16x128xf32, #tpu.memory_space<hbm>>
    tpu.enqueue_dma source(%dma_start3A_238 : memref<16x128xf32, #tpu.memory_space<hbm>>) target(%dma_start3A_236 : memref<16x128xf32, #tpu.memory_space<vmem>>) target_semaphore(%arg9 : memref<!tpu.dma_semaphore, #tpu.memory_space<semaphore_mem>>)
    %slice3A_239 = vector.extract_strided_slice %get3A_3 {offsets = [12], sizes = [1], strides = [1]} : vector<16xi32> to vector<1xi32>
    %squeeze3A_240 = vector.extract %slice3A_239[0] : i32 from vector<1xi32>
    %shift_right_arithmetic3A_241 = arith.constant 7 : i32
    %shift_right_arithmetic3A_242 = arith.shrsi %squeeze3A_240, %shift_right_arithmetic3A_241 : i32
    %mul3A_243 = arith.constant 128 : i32
    %mul3A_244 = arith.muli %shift_right_arithmetic3A_242, %mul3A_243 : i32
    %multiple_of3A_245 = tpu.assume_multiple %mul3A_244, 128 : i32
    %dma_start3A_246 = arith.constant 12 : i32
    %dma_start3A_247 = arith.constant 0 : i32
    %dma_start3A_248 = arith.constant 0 : i32
    %dma_start3A_249 = tpu.memref_slice %arg6[%dma_start3A_246, %dma_start3A_247, %dma_start3A_248] : memref<16x16x128xf32, #tpu.memory_space<vmem>> -> memref<1x16x128xf32, #tpu.memory_space<vmem>>
    %dma_start3A_250 = tpu.memref_squeeze %dma_start3A_249 : memref<1x16x128xf32, #tpu.memory_space<vmem>> -> memref<16x128xf32, #tpu.memory_space<vmem>>
    %dma_start3A_251 = arith.constant 0 : i32
    %dma_start3A_252 = tpu.memref_slice %arg2[%dma_start3A_251, %multiple_of3A_245] : memref<16x1000000xf32, #tpu.memory_space<hbm>> -> memref<16x128xf32, #tpu.memory_space<hbm>>
    %dma_start3A_253 = arith.constant 0 : i32
    %dma_start3A_254 = arith.constant 0 : i32
    %dma_start3A_255 = tpu.memref_slice %arg6[%dma_start3A_246, %dma_start3A_253, %dma_start3A_254] : memref<16x16x128xf32, #tpu.memory_space<vmem>> -> memref<1x16x128xf32, #tpu.memory_space<vmem>>
    %dma_start3A_256 = tpu.memref_squeeze %dma_start3A_255 : memref<1x16x128xf32, #tpu.memory_space<vmem>> -> memref<16x128xf32, #tpu.memory_space<vmem>>
    %dma_start3A_257 = arith.constant 0 : i32
    %dma_start3A_258 = tpu.memref_slice %arg2[%dma_start3A_257, %multiple_of3A_245] : memref<16x1000000xf32, #tpu.memory_space<hbm>> -> memref<16x128xf32, #tpu.memory_space<hbm>>
    tpu.enqueue_dma source(%dma_start3A_258 : memref<16x128xf32, #tpu.memory_space<hbm>>) target(%dma_start3A_256 : memref<16x128xf32, #tpu.memory_space<vmem>>) target_semaphore(%arg9 : memref<!tpu.dma_semaphore, #tpu.memory_space<semaphore_mem>>)
    %slice3A_259 = vector.extract_strided_slice %get3A_3 {offsets = [13], sizes = [1], strides = [1]} : vector<16xi32> to vector<1xi32>
    %squeeze3A_260 = vector.extract %slice3A_259[0] : i32 from vector<1xi32>
    %shift_right_arithmetic3A_261 = arith.constant 7 : i32
    %shift_right_arithmetic3A_262 = arith.shrsi %squeeze3A_260, %shift_right_arithmetic3A_261 : i32
    %mul3A_263 = arith.constant 128 : i32
    %mul3A_264 = arith.muli %shift_right_arithmetic3A_262, %mul3A_263 : i32
    %multiple_of3A_265 = tpu.assume_multiple %mul3A_264, 128 : i32
    %dma_start3A_266 = arith.constant 13 : i32
    %dma_start3A_267 = arith.constant 0 : i32
    %dma_start3A_268 = arith.constant 0 : i32
    %dma_start3A_269 = tpu.memref_slice %arg6[%dma_start3A_266, %dma_start3A_267, %dma_start3A_268] : memref<16x16x128xf32, #tpu.memory_space<vmem>> -> memref<1x16x128xf32, #tpu.memory_space<vmem>>
    %dma_start3A_270 = tpu.memref_squeeze %dma_start3A_269 : memref<1x16x128xf32, #tpu.memory_space<vmem>> -> memref<16x128xf32, #tpu.memory_space<vmem>>
    %dma_start3A_271 = arith.constant 0 : i32
    %dma_start3A_272 = tpu.memref_slice %arg2[%dma_start3A_271, %multiple_of3A_265] : memref<16x1000000xf32, #tpu.memory_space<hbm>> -> memref<16x128xf32, #tpu.memory_space<hbm>>
    %dma_start3A_273 = arith.constant 0 : i32
    %dma_start3A_274 = arith.constant 0 : i32
    %dma_start3A_275 = tpu.memref_slice %arg6[%dma_start3A_266, %dma_start3A_273, %dma_start3A_274] : memref<16x16x128xf32, #tpu.memory_space<vmem>> -> memref<1x16x128xf32, #tpu.memory_space<vmem>>
    %dma_start3A_276 = tpu.memref_squeeze %dma_start3A_275 : memref<1x16x128xf32, #tpu.memory_space<vmem>> -> memref<16x128xf32, #tpu.memory_space<vmem>>
    %dma_start3A_277 = arith.constant 0 : i32
    %dma_start3A_278 = tpu.memref_slice %arg2[%dma_start3A_277, %multiple_of3A_265] : memref<16x1000000xf32, #tpu.memory_space<hbm>> -> memref<16x128xf32, #tpu.memory_space<hbm>>
    tpu.enqueue_dma source(%dma_start3A_278 : memref<16x128xf32, #tpu.memory_space<hbm>>) target(%dma_start3A_276 : memref<16x128xf32, #tpu.memory_space<vmem>>) target_semaphore(%arg9 : memref<!tpu.dma_semaphore, #tpu.memory_space<semaphore_mem>>)
    %slice3A_279 = vector.extract_strided_slice %get3A_3 {offsets = [14], sizes = [1], strides = [1]} : vector<16xi32> to vector<1xi32>
    %squeeze3A_280 = vector.extract %slice3A_279[0] : i32 from vector<1xi32>
    %shift_right_arithmetic3A_281 = arith.constant 7 : i32
    %shift_right_arithmetic3A_282 = arith.shrsi %squeeze3A_280, %shift_right_arithmetic3A_281 : i32
    %mul3A_283 = arith.constant 128 : i32
    %mul3A_284 = arith.muli %shift_right_arithmetic3A_282, %mul3A_283 : i32
    %multiple_of3A_285 = tpu.assume_multiple %mul3A_284, 128 : i32
    %dma_start3A_286 = arith.constant 14 : i32
    %dma_start3A_287 = arith.constant 0 : i32
    %dma_start3A_288 = arith.constant 0 : i32
    %dma_start3A_289 = tpu.memref_slice %arg6[%dma_start3A_286, %dma_start3A_287, %dma_start3A_288] : memref<16x16x128xf32, #tpu.memory_space<vmem>> -> memref<1x16x128xf32, #tpu.memory_space<vmem>>
    %dma_start3A_290 = tpu.memref_squeeze %dma_start3A_289 : memref<1x16x128xf32, #tpu.memory_space<vmem>> -> memref<16x128xf32, #tpu.memory_space<vmem>>
    %dma_start3A_291 = arith.constant 0 : i32
    %dma_start3A_292 = tpu.memref_slice %arg2[%dma_start3A_291, %multiple_of3A_285] : memref<16x1000000xf32, #tpu.memory_space<hbm>> -> memref<16x128xf32, #tpu.memory_space<hbm>>
    %dma_start3A_293 = arith.constant 0 : i32
    %dma_start3A_294 = arith.constant 0 : i32
    %dma_start3A_295 = tpu.memref_slice %arg6[%dma_start3A_286, %dma_start3A_293, %dma_start3A_294] : memref<16x16x128xf32, #tpu.memory_space<vmem>> -> memref<1x16x128xf32, #tpu.memory_space<vmem>>
    %dma_start3A_296 = tpu.memref_squeeze %dma_start3A_295 : memref<1x16x128xf32, #tpu.memory_space<vmem>> -> memref<16x128xf32, #tpu.memory_space<vmem>>
    %dma_start3A_297 = arith.constant 0 : i32
    %dma_start3A_298 = tpu.memref_slice %arg2[%dma_start3A_297, %multiple_of3A_285] : memref<16x1000000xf32, #tpu.memory_space<hbm>> -> memref<16x128xf32, #tpu.memory_space<hbm>>
    tpu.enqueue_dma source(%dma_start3A_298 : memref<16x128xf32, #tpu.memory_space<hbm>>) target(%dma_start3A_296 : memref<16x128xf32, #tpu.memory_space<vmem>>) target_semaphore(%arg9 : memref<!tpu.dma_semaphore, #tpu.memory_space<semaphore_mem>>)
    %slice3A_299 = vector.extract_strided_slice %get3A_3 {offsets = [15], sizes = [1], strides = [1]} : vector<16xi32> to vector<1xi32>
    %squeeze3A_300 = vector.extract %slice3A_299[0] : i32 from vector<1xi32>
    %shift_right_arithmetic3A_301 = arith.constant 7 : i32
    %shift_right_arithmetic3A_302 = arith.shrsi %squeeze3A_300, %shift_right_arithmetic3A_301 : i32
    %mul3A_303 = arith.constant 128 : i32
    %mul3A_304 = arith.muli %shift_right_arithmetic3A_302, %mul3A_303 : i32
    %multiple_of3A_305 = tpu.assume_multiple %mul3A_304, 128 : i32
    %dma_start3A_306 = arith.constant 15 : i32
    %dma_start3A_307 = arith.constant 0 : i32
    %dma_start3A_308 = arith.constant 0 : i32
    %dma_start3A_309 = tpu.memref_slice %arg6[%dma_start3A_306, %dma_start3A_307, %dma_start3A_308] : memref<16x16x128xf32, #tpu.memory_space<vmem>> -> memref<1x16x128xf32, #tpu.memory_space<vmem>>
    %dma_start3A_310 = tpu.memref_squeeze %dma_start3A_309 : memref<1x16x128xf32, #tpu.memory_space<vmem>> -> memref<16x128xf32, #tpu.memory_space<vmem>>
    %dma_start3A_311 = arith.constant 0 : i32
    %dma_start3A_312 = tpu.memref_slice %arg2[%dma_start3A_311, %multiple_of3A_305] : memref<16x1000000xf32, #tpu.memory_space<hbm>> -> memref<16x128xf32, #tpu.memory_space<hbm>>
    %dma_start3A_313 = arith.constant 0 : i32
    %dma_start3A_314 = arith.constant 0 : i32
    %dma_start3A_315 = tpu.memref_slice %arg6[%dma_start3A_306, %dma_start3A_313, %dma_start3A_314] : memref<16x16x128xf32, #tpu.memory_space<vmem>> -> memref<1x16x128xf32, #tpu.memory_space<vmem>>
    %dma_start3A_316 = tpu.memref_squeeze %dma_start3A_315 : memref<1x16x128xf32, #tpu.memory_space<vmem>> -> memref<16x128xf32, #tpu.memory_space<vmem>>
    %dma_start3A_317 = arith.constant 0 : i32
    %dma_start3A_318 = tpu.memref_slice %arg2[%dma_start3A_317, %multiple_of3A_305] : memref<16x1000000xf32, #tpu.memory_space<hbm>> -> memref<16x128xf32, #tpu.memory_space<hbm>>
    tpu.enqueue_dma source(%dma_start3A_318 : memref<16x128xf32, #tpu.memory_space<hbm>>) target(%dma_start3A_316 : memref<16x128xf32, #tpu.memory_space<vmem>>) target_semaphore(%arg9 : memref<!tpu.dma_semaphore, #tpu.memory_space<semaphore_mem>>)
    %scan3A = arith.constant 0 : i32
    %scan3A_319 = arith.constant 0 : i32
    %scan3A_320 = arith.constant 16 : i32
    %scan3A_321 = arith.addi %scan3A_319, %scan3A_320 : i32
    %scan3A_322 = arith.constant 1 : i32
    scf.for %scan3A_324 = %scan3A_319 to %scan3A_321 step %scan3A_322  : i32 {
      %mul3A_325 = arith.constant 2 : i32
      %mul3A_326 = arith.muli %scan3A_324, %mul3A_325 : i32
      %add3A_327 = arith.constant 1 : i32
      %add3A_328 = arith.addi %mul3A_326, %add3A_327 : i32
      %mul3A_329 = arith.constant 16 : i32
      %mul3A_330 = arith.muli %add3A_328, %mul3A_329 : i32
      %get3A_331 = arith.index_cast %mul3A_330 : i32 to index
      %get3A_332 = tpu.vector_load %arg5[%get3A_331] {strides = array<i32>} : memref<512xi32, #tpu.memory_space<vmem>>, vector<16xi32>,
      %slice3A_333 = vector.extract_strided_slice %get3A_332 {offsets = [0], sizes = [1], strides = [1]} : vector<16xi32> to vector<1xi32>
      %squeeze3A_334 = vector.extract %slice3A_333[0] : i32 from vector<1xi32>
      %shift_right_arithmetic3A_335 = arith.constant 7 : i32
      %shift_right_arithmetic3A_336 = arith.shrsi %squeeze3A_334, %shift_right_arithmetic3A_335 : i32
      %mul3A_337 = arith.constant 128 : i32
      %mul3A_338 = arith.muli %shift_right_arithmetic3A_336, %mul3A_337 : i32
      %multiple_of3A_339 = tpu.assume_multiple %mul3A_338, 128 : i32
      %dma_start3A_340 = arith.constant 0 : i32
      %dma_start3A_341 = arith.constant 0 : i32
      %dma_start3A_342 = arith.constant 0 : i32
      %dma_start3A_343 = tpu.memref_slice %arg7[%dma_start3A_340, %dma_start3A_341, %dma_start3A_342] : memref<16x16x128xf32, #tpu.memory_space<vmem>> -> memref<1x16x128xf32, #tpu.memory_space<vmem>>
      %dma_start3A_344 = tpu.memref_squeeze %dma_start3A_343 : memref<1x16x128xf32, #tpu.memory_space<vmem>> -> memref<16x128xf32, #tpu.memory_space<vmem>>
      %dma_start3A_345 = arith.constant 0 : i32
      %dma_start3A_346 = tpu.memref_slice %arg2[%dma_start3A_345, %multiple_of3A_339] : memref<16x1000000xf32, #tpu.memory_space<hbm>> -> memref<16x128xf32, #tpu.memory_space<hbm>>
      %dma_start3A_347 = arith.constant 0 : i32
      %dma_start3A_348 = arith.constant 0 : i32
      %dma_start3A_349 = tpu.memref_slice %arg7[%dma_start3A_340, %dma_start3A_347, %dma_start3A_348] : memref<16x16x128xf32, #tpu.memory_space<vmem>> -> memref<1x16x128xf32, #tpu.memory_space<vmem>>
      %dma_start3A_350 = tpu.memref_squeeze %dma_start3A_349 : memref<1x16x128xf32, #tpu.memory_space<vmem>> -> memref<16x128xf32, #tpu.memory_space<vmem>>
      %dma_start3A_351 = arith.constant 0 : i32
      %dma_start3A_352 = tpu.memref_slice %arg2[%dma_start3A_351, %multiple_of3A_339] : memref<16x1000000xf32, #tpu.memory_space<hbm>> -> memref<16x128xf32, #tpu.memory_space<hbm>>
      tpu.enqueue_dma source(%dma_start3A_352 : memref<16x128xf32, #tpu.memory_space<hbm>>) target(%dma_start3A_350 : memref<16x128xf32, #tpu.memory_space<vmem>>) target_semaphore(%arg10 : memref<!tpu.dma_semaphore, #tpu.memory_space<semaphore_mem>>)
      %slice3A_353 = vector.extract_strided_slice %get3A_332 {offsets = [1], sizes = [1], strides = [1]} : vector<16xi32> to vector<1xi32>
      %squeeze3A_354 = vector.extract %slice3A_353[0] : i32 from vector<1xi32>
      %shift_right_arithmetic3A_355 = arith.constant 7 : i32
      %shift_right_arithmetic3A_356 = arith.shrsi %squeeze3A_354, %shift_right_arithmetic3A_355 : i32
      %mul3A_357 = arith.constant 128 : i32
      %mul3A_358 = arith.muli %shift_right_arithmetic3A_356, %mul3A_357 : i32
      %multiple_of3A_359 = tpu.assume_multiple %mul3A_358, 128 : i32
      %dma_start3A_360 = arith.constant 1 : i32
      %dma_start3A_361 = arith.constant 0 : i32
      %dma_start3A_362 = arith.constant 0 : i32
      %dma_start3A_363 = tpu.memref_slice %arg7[%dma_start3A_360, %dma_start3A_361, %dma_start3A_362] : memref<16x16x128xf32, #tpu.memory_space<vmem>> -> memref<1x16x128xf32, #tpu.memory_space<vmem>>
      %dma_start3A_364 = tpu.memref_squeeze %dma_start3A_363 : memref<1x16x128xf32, #tpu.memory_space<vmem>> -> memref<16x128xf32, #tpu.memory_space<vmem>>
      %dma_start3A_365 = arith.constant 0 : i32
      %dma_start3A_366 = tpu.memref_slice %arg2[%dma_start3A_365, %multiple_of3A_359] : memref<16x1000000xf32, #tpu.memory_space<hbm>> -> memref<16x128xf32, #tpu.memory_space<hbm>>
      %dma_start3A_367 = arith.constant 0 : i32
      %dma_start3A_368 = arith.constant 0 : i32
      %dma_start3A_369 = tpu.memref_slice %arg7[%dma_start3A_360, %dma_start3A_367, %dma_start3A_368] : memref<16x16x128xf32, #tpu.memory_space<vmem>> -> memref<1x16x128xf32, #tpu.memory_space<vmem>>
      %dma_start3A_370 = tpu.memref_squeeze %dma_start3A_369 : memref<1x16x128xf32, #tpu.memory_space<vmem>> -> memref<16x128xf32, #tpu.memory_space<vmem>>
      %dma_start3A_371 = arith.constant 0 : i32
      %dma_start3A_372 = tpu.memref_slice %arg2[%dma_start3A_371, %multiple_of3A_359] : memref<16x1000000xf32, #tpu.memory_space<hbm>> -> memref<16x128xf32, #tpu.memory_space<hbm>>
      tpu.enqueue_dma source(%dma_start3A_372 : memref<16x128xf32, #tpu.memory_space<hbm>>) target(%dma_start3A_370 : memref<16x128xf32, #tpu.memory_space<vmem>>) target_semaphore(%arg10 : memref<!tpu.dma_semaphore, #tpu.memory_space<semaphore_mem>>)
      %slice3A_373 = vector.extract_strided_slice %get3A_332 {offsets = [2], sizes = [1], strides = [1]} : vector<16xi32> to vector<1xi32>
      %squeeze3A_374 = vector.extract %slice3A_373[0] : i32 from vector<1xi32>
      %shift_right_arithmetic3A_375 = arith.constant 7 : i32
      %shift_right_arithmetic3A_376 = arith.shrsi %squeeze3A_374, %shift_right_arithmetic3A_375 : i32
      %mul3A_377 = arith.constant 128 : i32
      %mul3A_378 = arith.muli %shift_right_arithmetic3A_376, %mul3A_377 : i32
      %multiple_of3A_379 = tpu.assume_multiple %mul3A_378, 128 : i32
      %dma_start3A_380 = arith.constant 2 : i32
      %dma_start3A_381 = arith.constant 0 : i32
      %dma_start3A_382 = arith.constant 0 : i32
      %dma_start3A_383 = tpu.memref_slice %arg7[%dma_start3A_380, %dma_start3A_381, %dma_start3A_382] : memref<16x16x128xf32, #tpu.memory_space<vmem>> -> memref<1x16x128xf32, #tpu.memory_space<vmem>>
      %dma_start3A_384 = tpu.memref_squeeze %dma_start3A_383 : memref<1x16x128xf32, #tpu.memory_space<vmem>> -> memref<16x128xf32, #tpu.memory_space<vmem>>
      %dma_start3A_385 = arith.constant 0 : i32
      %dma_start3A_386 = tpu.memref_slice %arg2[%dma_start3A_385, %multiple_of3A_379] : memref<16x1000000xf32, #tpu.memory_space<hbm>> -> memref<16x128xf32, #tpu.memory_space<hbm>>
      %dma_start3A_387 = arith.constant 0 : i32
      %dma_start3A_388 = arith.constant 0 : i32
      %dma_start3A_389 = tpu.memref_slice %arg7[%dma_start3A_380, %dma_start3A_387, %dma_start3A_388] : memref<16x16x128xf32, #tpu.memory_space<vmem>> -> memref<1x16x128xf32, #tpu.memory_space<vmem>>
      %dma_start3A_390 = tpu.memref_squeeze %dma_start3A_389 : memref<1x16x128xf32, #tpu.memory_space<vmem>> -> memref<16x128xf32, #tpu.memory_space<vmem>>
      %dma_start3A_391 = arith.constant 0 : i32
      %dma_start3A_392 = tpu.memref_slice %arg2[%dma_start3A_391, %multiple_of3A_379] : memref<16x1000000xf32, #tpu.memory_space<hbm>> -> memref<16x128xf32, #tpu.memory_space<hbm>>
      tpu.enqueue_dma source(%dma_start3A_392 : memref<16x128xf32, #tpu.memory_space<hbm>>) target(%dma_start3A_390 : memref<16x128xf32, #tpu.memory_space<vmem>>) target_semaphore(%arg10 : memref<!tpu.dma_semaphore, #tpu.memory_space<semaphore_mem>>)
      %slice3A_393 = vector.extract_strided_slice %get3A_332 {offsets = [3], sizes = [1], strides = [1]} : vector<16xi32> to vector<1xi32>
      %squeeze3A_394 = vector.extract %slice3A_393[0] : i32 from vector<1xi32>
      %shift_right_arithmetic3A_395 = arith.constant 7 : i32
      %shift_right_arithmetic3A_396 = arith.shrsi %squeeze3A_394, %shift_right_arithmetic3A_395 : i32
      %mul3A_397 = arith.constant 128 : i32
      %mul3A_398 = arith.muli %shift_right_arithmetic3A_396, %mul3A_397 : i32
      %multiple_of3A_399 = tpu.assume_multiple %mul3A_398, 128 : i32
      %dma_start3A_400 = arith.constant 3 : i32
      %dma_start3A_401 = arith.constant 0 : i32
      %dma_start3A_402 = arith.constant 0 : i32
      %dma_start3A_403 = tpu.memref_slice %arg7[%dma_start3A_400, %dma_start3A_401, %dma_start3A_402] : memref<16x16x128xf32, #tpu.memory_space<vmem>> -> memref<1x16x128xf32, #tpu.memory_space<vmem>>
      %dma_start3A_404 = tpu.memref_squeeze %dma_start3A_403 : memref<1x16x128xf32, #tpu.memory_space<vmem>> -> memref<16x128xf32, #tpu.memory_space<vmem>>
      %dma_start3A_405 = arith.constant 0 : i32
      %dma_start3A_406 = tpu.memref_slice %arg2[%dma_start3A_405, %multiple_of3A_399] : memref<16x1000000xf32, #tpu.memory_space<hbm>> -> memref<16x128xf32, #tpu.memory_space<hbm>>
      %dma_start3A_407 = arith.constant 0 : i32
      %dma_start3A_408 = arith.constant 0 : i32
      %dma_start3A_409 = tpu.memref_slice %arg7[%dma_start3A_400, %dma_start3A_407, %dma_start3A_408] : memref<16x16x128xf32, #tpu.memory_space<vmem>> -> memref<1x16x128xf32, #tpu.memory_space<vmem>>
      %dma_start3A_410 = tpu.memref_squeeze %dma_start3A_409 : memref<1x16x128xf32, #tpu.memory_space<vmem>> -> memref<16x128xf32, #tpu.memory_space<vmem>>
      %dma_start3A_411 = arith.constant 0 : i32
      %dma_start3A_412 = tpu.memref_slice %arg2[%dma_start3A_411, %multiple_of3A_399] : memref<16x1000000xf32, #tpu.memory_space<hbm>> -> memref<16x128xf32, #tpu.memory_space<hbm>>
      tpu.enqueue_dma source(%dma_start3A_412 : memref<16x128xf32, #tpu.memory_space<hbm>>) target(%dma_start3A_410 : memref<16x128xf32, #tpu.memory_space<vmem>>) target_semaphore(%arg10 : memref<!tpu.dma_semaphore, #tpu.memory_space<semaphore_mem>>)
      %slice3A_413 = vector.extract_strided_slice %get3A_332 {offsets = [4], sizes = [1], strides = [1]} : vector<16xi32> to vector<1xi32>
      %squeeze3A_414 = vector.extract %slice3A_413[0] : i32 from vector<1xi32>
      %shift_right_arithmetic3A_415 = arith.constant 7 : i32
      %shift_right_arithmetic3A_416 = arith.shrsi %squeeze3A_414, %shift_right_arithmetic3A_415 : i32
      %mul3A_417 = arith.constant 128 : i32
      %mul3A_418 = arith.muli %shift_right_arithmetic3A_416, %mul3A_417 : i32
      %multiple_of3A_419 = tpu.assume_multiple %mul3A_418, 128 : i32
      %dma_start3A_420 = arith.constant 4 : i32
      %dma_start3A_421 = arith.constant 0 : i32
      %dma_start3A_422 = arith.constant 0 : i32
      %dma_start3A_423 = tpu.memref_slice %arg7[%dma_start3A_420, %dma_start3A_421, %dma_start3A_422] : memref<16x16x128xf32, #tpu.memory_space<vmem>> -> memref<1x16x128xf32, #tpu.memory_space<vmem>>
      %dma_start3A_424 = tpu.memref_squeeze %dma_start3A_423 : memref<1x16x128xf32, #tpu.memory_space<vmem>> -> memref<16x128xf32, #tpu.memory_space<vmem>>
      %dma_start3A_425 = arith.constant 0 : i32
      %dma_start3A_426 = tpu.memref_slice %arg2[%dma_start3A_425, %multiple_of3A_419] : memref<16x1000000xf32, #tpu.memory_space<hbm>> -> memref<16x128xf32, #tpu.memory_space<hbm>>
      %dma_start3A_427 = arith.constant 0 : i32
      %dma_start3A_428 = arith.constant 0 : i32
      %dma_start3A_429 = tpu.memref_slice %arg7[%dma_start3A_420, %dma_start3A_427, %dma_start3A_428] : memref<16x16x128xf32, #tpu.memory_space<vmem>> -> memref<1x16x128xf32, #tpu.memory_space<vmem>>
      %dma_start3A_430 = tpu.memref_squeeze %dma_start3A_429 : memref<1x16x128xf32, #tpu.memory_space<vmem>> -> memref<16x128xf32, #tpu.memory_space<vmem>>
      %dma_start3A_431 = arith.constant 0 : i32
      %dma_start3A_432 = tpu.memref_slice %arg2[%dma_start3A_431, %multiple_of3A_419] : memref<16x1000000xf32, #tpu.memory_space<hbm>> -> memref<16x128xf32, #tpu.memory_space<hbm>>
      tpu.enqueue_dma source(%dma_start3A_432 : memref<16x128xf32, #tpu.memory_space<hbm>>) target(%dma_start3A_430 : memref<16x128xf32, #tpu.memory_space<vmem>>) target_semaphore(%arg10 : memref<!tpu.dma_semaphore, #tpu.memory_space<semaphore_mem>>)
      %slice3A_433 = vector.extract_strided_slice %get3A_332 {offsets = [5], sizes = [1], strides = [1]} : vector<16xi32> to vector<1xi32>
      %squeeze3A_434 = vector.extract %slice3A_433[0] : i32 from vector<1xi32>
      %shift_right_arithmetic3A_435 = arith.constant 7 : i32
      %shift_right_arithmetic3A_436 = arith.shrsi %squeeze3A_434, %shift_right_arithmetic3A_435 : i32
      %mul3A_437 = arith.constant 128 : i32
      %mul3A_438 = arith.muli %shift_right_arithmetic3A_436, %mul3A_437 : i32
      %multiple_of3A_439 = tpu.assume_multiple %mul3A_438, 128 : i32
      %dma_start3A_440 = arith.constant 5 : i32
      %dma_start3A_441 = arith.constant 0 : i32
      %dma_start3A_442 = arith.constant 0 : i32
      %dma_start3A_443 = tpu.memref_slice %arg7[%dma_start3A_440, %dma_start3A_441, %dma_start3A_442] : memref<16x16x128xf32, #tpu.memory_space<vmem>> -> memref<1x16x128xf32, #tpu.memory_space<vmem>>
      %dma_start3A_444 = tpu.memref_squeeze %dma_start3A_443 : memref<1x16x128xf32, #tpu.memory_space<vmem>> -> memref<16x128xf32, #tpu.memory_space<vmem>>
      %dma_start3A_445 = arith.constant 0 : i32
      %dma_start3A_446 = tpu.memref_slice %arg2[%dma_start3A_445, %multiple_of3A_439] : memref<16x1000000xf32, #tpu.memory_space<hbm>> -> memref<16x128xf32, #tpu.memory_space<hbm>>
      %dma_start3A_447 = arith.constant 0 : i32
      %dma_start3A_448 = arith.constant 0 : i32
      %dma_start3A_449 = tpu.memref_slice %arg7[%dma_start3A_440, %dma_start3A_447, %dma_start3A_448] : memref<16x16x128xf32, #tpu.memory_space<vmem>> -> memref<1x16x128xf32, #tpu.memory_space<vmem>>
      %dma_start3A_450 = tpu.memref_squeeze %dma_start3A_449 : memref<1x16x128xf32, #tpu.memory_space<vmem>> -> memref<16x128xf32, #tpu.memory_space<vmem>>
      %dma_start3A_451 = arith.constant 0 : i32
      %dma_start3A_452 = tpu.memref_slice %arg2[%dma_start3A_451, %multiple_of3A_439] : memref<16x1000000xf32, #tpu.memory_space<hbm>> -> memref<16x128xf32, #tpu.memory_space<hbm>>
      tpu.enqueue_dma source(%dma_start3A_452 : memref<16x128xf32, #tpu.memory_space<hbm>>) target(%dma_start3A_450 : memref<16x128xf32, #tpu.memory_space<vmem>>) target_semaphore(%arg10 : memref<!tpu.dma_semaphore, #tpu.memory_space<semaphore_mem>>)
      %slice3A_453 = vector.extract_strided_slice %get3A_332 {offsets = [6], sizes = [1], strides = [1]} : vector<16xi32> to vector<1xi32>
      %squeeze3A_454 = vector.extract %slice3A_453[0] : i32 from vector<1xi32>
      %shift_right_arithmetic3A_455 = arith.constant 7 : i32
      %shift_right_arithmetic3A_456 = arith.shrsi %squeeze3A_454, %shift_right_arithmetic3A_455 : i32
      %mul3A_457 = arith.constant 128 : i32
      %mul3A_458 = arith.muli %shift_right_arithmetic3A_456, %mul3A_457 : i32
      %multiple_of3A_459 = tpu.assume_multiple %mul3A_458, 128 : i32
      %dma_start3A_460 = arith.constant 6 : i32
      %dma_start3A_461 = arith.constant 0 : i32
      %dma_start3A_462 = arith.constant 0 : i32
      %dma_start3A_463 = tpu.memref_slice %arg7[%dma_start3A_460, %dma_start3A_461, %dma_start3A_462] : memref<16x16x128xf32, #tpu.memory_space<vmem>> -> memref<1x16x128xf32, #tpu.memory_space<vmem>>
      %dma_start3A_464 = tpu.memref_squeeze %dma_start3A_463 : memref<1x16x128xf32, #tpu.memory_space<vmem>> -> memref<16x128xf32, #tpu.memory_space<vmem>>
      %dma_start3A_465 = arith.constant 0 : i32
      %dma_start3A_466 = tpu.memref_slice %arg2[%dma_start3A_465, %multiple_of3A_459] : memref<16x1000000xf32, #tpu.memory_space<hbm>> -> memref<16x128xf32, #tpu.memory_space<hbm>>
      %dma_start3A_467 = arith.constant 0 : i32
      %dma_start3A_468 = arith.constant 0 : i32
      %dma_start3A_469 = tpu.memref_slice %arg7[%dma_start3A_460, %dma_start3A_467, %dma_start3A_468] : memref<16x16x128xf32, #tpu.memory_space<vmem>> -> memref<1x16x128xf32, #tpu.memory_space<vmem>>
      %dma_start3A_470 = tpu.memref_squeeze %dma_start3A_469 : memref<1x16x128xf32, #tpu.memory_space<vmem>> -> memref<16x128xf32, #tpu.memory_space<vmem>>
      %dma_start3A_471 = arith.constant 0 : i32
      %dma_start3A_472 = tpu.memref_slice %arg2[%dma_start3A_471, %multiple_of3A_459] : memref<16x1000000xf32, #tpu.memory_space<hbm>> -> memref<16x128xf32, #tpu.memory_space<hbm>>
      tpu.enqueue_dma source(%dma_start3A_472 : memref<16x128xf32, #tpu.memory_space<hbm>>) target(%dma_start3A_470 : memref<16x128xf32, #tpu.memory_space<vmem>>) target_semaphore(%arg10 : memref<!tpu.dma_semaphore, #tpu.memory_space<semaphore_mem>>)
      %slice3A_473 = vector.extract_strided_slice %get3A_332 {offsets = [7], sizes = [1], strides = [1]} : vector<16xi32> to vector<1xi32>
      %squeeze3A_474 = vector.extract %slice3A_473[0] : i32 from vector<1xi32>
      %shift_right_arithmetic3A_475 = arith.constant 7 : i32
      %shift_right_arithmetic3A_476 = arith.shrsi %squeeze3A_474, %shift_right_arithmetic3A_475 : i32
      %mul3A_477 = arith.constant 128 : i32
      %mul3A_478 = arith.muli %shift_right_arithmetic3A_476, %mul3A_477 : i32
      %multiple_of3A_479 = tpu.assume_multiple %mul3A_478, 128 : i32
      %dma_start3A_480 = arith.constant 7 : i32
      %dma_start3A_481 = arith.constant 0 : i32
      %dma_start3A_482 = arith.constant 0 : i32
      %dma_start3A_483 = tpu.memref_slice %arg7[%dma_start3A_480, %dma_start3A_481, %dma_start3A_482] : memref<16x16x128xf32, #tpu.memory_space<vmem>> -> memref<1x16x128xf32, #tpu.memory_space<vmem>>
      %dma_start3A_484 = tpu.memref_squeeze %dma_start3A_483 : memref<1x16x128xf32, #tpu.memory_space<vmem>> -> memref<16x128xf32, #tpu.memory_space<vmem>>
      %dma_start3A_485 = arith.constant 0 : i32
      %dma_start3A_486 = tpu.memref_slice %arg2[%dma_start3A_485, %multiple_of3A_479] : memref<16x1000000xf32, #tpu.memory_space<hbm>> -> memref<16x128xf32, #tpu.memory_space<hbm>>
      %dma_start3A_487 = arith.constant 0 : i32
      %dma_start3A_488 = arith.constant 0 : i32
      %dma_start3A_489 = tpu.memref_slice %arg7[%dma_start3A_480, %dma_start3A_487, %dma_start3A_488] : memref<16x16x128xf32, #tpu.memory_space<vmem>> -> memref<1x16x128xf32, #tpu.memory_space<vmem>>
      %dma_start3A_490 = tpu.memref_squeeze %dma_start3A_489 : memref<1x16x128xf32, #tpu.memory_space<vmem>> -> memref<16x128xf32, #tpu.memory_space<vmem>>
      %dma_start3A_491 = arith.constant 0 : i32
      %dma_start3A_492 = tpu.memref_slice %arg2[%dma_start3A_491, %multiple_of3A_479] : memref<16x1000000xf32, #tpu.memory_space<hbm>> -> memref<16x128xf32, #tpu.memory_space<hbm>>
      tpu.enqueue_dma source(%dma_start3A_492 : memref<16x128xf32, #tpu.memory_space<hbm>>) target(%dma_start3A_490 : memref<16x128xf32, #tpu.memory_space<vmem>>) target_semaphore(%arg10 : memref<!tpu.dma_semaphore, #tpu.memory_space<semaphore_mem>>)
      %slice3A_493 = vector.extract_strided_slice %get3A_332 {offsets = [8], sizes = [1], strides = [1]} : vector<16xi32> to vector<1xi32>
      %squeeze3A_494 = vector.extract %slice3A_493[0] : i32 from vector<1xi32>
      %shift_right_arithmetic3A_495 = arith.constant 7 : i32
      %shift_right_arithmetic3A_496 = arith.shrsi %squeeze3A_494, %shift_right_arithmetic3A_495 : i32
      %mul3A_497 = arith.constant 128 : i32
      %mul3A_498 = arith.muli %shift_right_arithmetic3A_496, %mul3A_497 : i32
      %multiple_of3A_499 = tpu.assume_multiple %mul3A_498, 128 : i32
      %dma_start3A_500 = arith.constant 8 : i32
      %dma_start3A_501 = arith.constant 0 : i32
      %dma_start3A_502 = arith.constant 0 : i32
      %dma_start3A_503 = tpu.memref_slice %arg7[%dma_start3A_500, %dma_start3A_501, %dma_start3A_502] : memref<16x16x128xf32, #tpu.memory_space<vmem>> -> memref<1x16x128xf32, #tpu.memory_space<vmem>>
      %dma_start3A_504 = tpu.memref_squeeze %dma_start3A_503 : memref<1x16x128xf32, #tpu.memory_space<vmem>> -> memref<16x128xf32, #tpu.memory_space<vmem>>
      %dma_start3A_505 = arith.constant 0 : i32
      %dma_start3A_506 = tpu.memref_slice %arg2[%dma_start3A_505, %multiple_of3A_499] : memref<16x1000000xf32, #tpu.memory_space<hbm>> -> memref<16x128xf32, #tpu.memory_space<hbm>>
      %dma_start3A_507 = arith.constant 0 : i32
      %dma_start3A_508 = arith.constant 0 : i32
      %dma_start3A_509 = tpu.memref_slice %arg7[%dma_start3A_500, %dma_start3A_507, %dma_start3A_508] : memref<16x16x128xf32, #tpu.memory_space<vmem>> -> memref<1x16x128xf32, #tpu.memory_space<vmem>>
      %dma_start3A_510 = tpu.memref_squeeze %dma_start3A_509 : memref<1x16x128xf32, #tpu.memory_space<vmem>> -> memref<16x128xf32, #tpu.memory_space<vmem>>
      %dma_start3A_511 = arith.constant 0 : i32
      %dma_start3A_512 = tpu.memref_slice %arg2[%dma_start3A_511, %multiple_of3A_499] : memref<16x1000000xf32, #tpu.memory_space<hbm>> -> memref<16x128xf32, #tpu.memory_space<hbm>>
      tpu.enqueue_dma source(%dma_start3A_512 : memref<16x128xf32, #tpu.memory_space<hbm>>) target(%dma_start3A_510 : memref<16x128xf32, #tpu.memory_space<vmem>>) target_semaphore(%arg10 : memref<!tpu.dma_semaphore, #tpu.memory_space<semaphore_mem>>)
      %slice3A_513 = vector.extract_strided_slice %get3A_332 {offsets = [9], sizes = [1], strides = [1]} : vector<16xi32> to vector<1xi32>
      %squeeze3A_514 = vector.extract %slice3A_513[0] : i32 from vector<1xi32>
      %shift_right_arithmetic3A_515 = arith.constant 7 : i32
      %shift_right_arithmetic3A_516 = arith.shrsi %squeeze3A_514, %shift_right_arithmetic3A_515 : i32
      %mul3A_517 = arith.constant 128 : i32
      %mul3A_518 = arith.muli %shift_right_arithmetic3A_516, %mul3A_517 : i32
      %multiple_of3A_519 = tpu.assume_multiple %mul3A_518, 128 : i32
      %dma_start3A_520 = arith.constant 9 : i32
      %dma_start3A_521 = arith.constant 0 : i32
      %dma_start3A_522 = arith.constant 0 : i32
      %dma_start3A_523 = tpu.memref_slice %arg7[%dma_start3A_520, %dma_start3A_521, %dma_start3A_522] : memref<16x16x128xf32, #tpu.memory_space<vmem>> -> memref<1x16x128xf32, #tpu.memory_space<vmem>>
      %dma_start3A_524 = tpu.memref_squeeze %dma_start3A_523 : memref<1x16x128xf32, #tpu.memory_space<vmem>> -> memref<16x128xf32, #tpu.memory_space<vmem>>
      %dma_start3A_525 = arith.constant 0 : i32
      %dma_start3A_526 = tpu.memref_slice %arg2[%dma_start3A_525, %multiple_of3A_519] : memref<16x1000000xf32, #tpu.memory_space<hbm>> -> memref<16x128xf32, #tpu.memory_space<hbm>>
      %dma_start3A_527 = arith.constant 0 : i32
      %dma_start3A_528 = arith.constant 0 : i32
      %dma_start3A_529 = tpu.memref_slice %arg7[%dma_start3A_520, %dma_start3A_527, %dma_start3A_528] : memref<16x16x128xf32, #tpu.memory_space<vmem>> -> memref<1x16x128xf32, #tpu.memory_space<vmem>>
      %dma_start3A_530 = tpu.memref_squeeze %dma_start3A_529 : memref<1x16x128xf32, #tpu.memory_space<vmem>> -> memref<16x128xf32, #tpu.memory_space<vmem>>
      %dma_start3A_531 = arith.constant 0 : i32
      %dma_start3A_532 = tpu.memref_slice %arg2[%dma_start3A_531, %multiple_of3A_519] : memref<16x1000000xf32, #tpu.memory_space<hbm>> -> memref<16x128xf32, #tpu.memory_space<hbm>>
      tpu.enqueue_dma source(%dma_start3A_532 : memref<16x128xf32, #tpu.memory_space<hbm>>) target(%dma_start3A_530 : memref<16x128xf32, #tpu.memory_space<vmem>>) target_semaphore(%arg10 : memref<!tpu.dma_semaphore, #tpu.memory_space<semaphore_mem>>)
      %slice3A_533 = vector.extract_strided_slice %get3A_332 {offsets = [10], sizes = [1], strides = [1]} : vector<16xi32> to vector<1xi32>
      %squeeze3A_534 = vector.extract %slice3A_533[0] : i32 from vector<1xi32>
      %shift_right_arithmetic3A_535 = arith.constant 7 : i32
      %shift_right_arithmetic3A_536 = arith.shrsi %squeeze3A_534, %shift_right_arithmetic3A_535 : i32
      %mul3A_537 = arith.constant 128 : i32
      %mul3A_538 = arith.muli %shift_right_arithmetic3A_536, %mul3A_537 : i32
      %multiple_of3A_539 = tpu.assume_multiple %mul3A_538, 128 : i32
      %dma_start3A_540 = arith.constant 10 : i32
      %dma_start3A_541 = arith.constant 0 : i32
      %dma_start3A_542 = arith.constant 0 : i32
      %dma_start3A_543 = tpu.memref_slice %arg7[%dma_start3A_540, %dma_start3A_541, %dma_start3A_542] : memref<16x16x128xf32, #tpu.memory_space<vmem>> -> memref<1x16x128xf32, #tpu.memory_space<vmem>>
      %dma_start3A_544 = tpu.memref_squeeze %dma_start3A_543 : memref<1x16x128xf32, #tpu.memory_space<vmem>> -> memref<16x128xf32, #tpu.memory_space<vmem>>
      %dma_start3A_545 = arith.constant 0 : i32
      %dma_start3A_546 = tpu.memref_slice %arg2[%dma_start3A_545, %multiple_of3A_539] : memref<16x1000000xf32, #tpu.memory_space<hbm>> -> memref<16x128xf32, #tpu.memory_space<hbm>>
      %dma_start3A_547 = arith.constant 0 : i32
      %dma_start3A_548 = arith.constant 0 : i32
      %dma_start3A_549 = tpu.memref_slice %arg7[%dma_start3A_540, %dma_start3A_547, %dma_start3A_548] : memref<16x16x128xf32, #tpu.memory_space<vmem>> -> memref<1x16x128xf32, #tpu.memory_space<vmem>>
      %dma_start3A_550 = tpu.memref_squeeze %dma_start3A_549 : memref<1x16x128xf32, #tpu.memory_space<vmem>> -> memref<16x128xf32, #tpu.memory_space<vmem>>
      %dma_start3A_551 = arith.constant 0 : i32
      %dma_start3A_552 = tpu.memref_slice %arg2[%dma_start3A_551, %multiple_of3A_539] : memref<16x1000000xf32, #tpu.memory_space<hbm>> -> memref<16x128xf32, #tpu.memory_space<hbm>>
      tpu.enqueue_dma source(%dma_start3A_552 : memref<16x128xf32, #tpu.memory_space<hbm>>) target(%dma_start3A_550 : memref<16x128xf32, #tpu.memory_space<vmem>>) target_semaphore(%arg10 : memref<!tpu.dma_semaphore, #tpu.memory_space<semaphore_mem>>)
      %slice3A_553 = vector.extract_strided_slice %get3A_332 {offsets = [11], sizes = [1], strides = [1]} : vector<16xi32> to vector<1xi32>
      %squeeze3A_554 = vector.extract %slice3A_553[0] : i32 from vector<1xi32>
      %shift_right_arithmetic3A_555 = arith.constant 7 : i32
      %shift_right_arithmetic3A_556 = arith.shrsi %squeeze3A_554, %shift_right_arithmetic3A_555 : i32
      %mul3A_557 = arith.constant 128 : i32
      %mul3A_558 = arith.muli %shift_right_arithmetic3A_556, %mul3A_557 : i32
      %multiple_of3A_559 = tpu.assume_multiple %mul3A_558, 128 : i32
      %dma_start3A_560 = arith.constant 11 : i32
      %dma_start3A_561 = arith.constant 0 : i32
      %dma_start3A_562 = arith.constant 0 : i32
      %dma_start3A_563 = tpu.memref_slice %arg7[%dma_start3A_560, %dma_start3A_561, %dma_start3A_562] : memref<16x16x128xf32, #tpu.memory_space<vmem>> -> memref<1x16x128xf32, #tpu.memory_space<vmem>>
      %dma_start3A_564 = tpu.memref_squeeze %dma_start3A_563 : memref<1x16x128xf32, #tpu.memory_space<vmem>> -> memref<16x128xf32, #tpu.memory_space<vmem>>
      %dma_start3A_565 = arith.constant 0 : i32
      %dma_start3A_566 = tpu.memref_slice %arg2[%dma_start3A_565, %multiple_of3A_559] : memref<16x1000000xf32, #tpu.memory_space<hbm>> -> memref<16x128xf32, #tpu.memory_space<hbm>>
      %dma_start3A_567 = arith.constant 0 : i32
      %dma_start3A_568 = arith.constant 0 : i32
      %dma_start3A_569 = tpu.memref_slice %arg7[%dma_start3A_560, %dma_start3A_567, %dma_start3A_568] : memref<16x16x128xf32, #tpu.memory_space<vmem>> -> memref<1x16x128xf32, #tpu.memory_space<vmem>>
      %dma_start3A_570 = tpu.memref_squeeze %dma_start3A_569 : memref<1x16x128xf32, #tpu.memory_space<vmem>> -> memref<16x128xf32, #tpu.memory_space<vmem>>
      %dma_start3A_571 = arith.constant 0 : i32
      %dma_start3A_572 = tpu.memref_slice %arg2[%dma_start3A_571, %multiple_of3A_559] : memref<16x1000000xf32, #tpu.memory_space<hbm>> -> memref<16x128xf32, #tpu.memory_space<hbm>>
      tpu.enqueue_dma source(%dma_start3A_572 : memref<16x128xf32, #tpu.memory_space<hbm>>) target(%dma_start3A_570 : memref<16x128xf32, #tpu.memory_space<vmem>>) target_semaphore(%arg10 : memref<!tpu.dma_semaphore, #tpu.memory_space<semaphore_mem>>)
      %slice3A_573 = vector.extract_strided_slice %get3A_332 {offsets = [12], sizes = [1], strides = [1]} : vector<16xi32> to vector<1xi32>
      %squeeze3A_574 = vector.extract %slice3A_573[0] : i32 from vector<1xi32>
      %shift_right_arithmetic3A_575 = arith.constant 7 : i32
      %shift_right_arithmetic3A_576 = arith.shrsi %squeeze3A_574, %shift_right_arithmetic3A_575 : i32
      %mul3A_577 = arith.constant 128 : i32
      %mul3A_578 = arith.muli %shift_right_arithmetic3A_576, %mul3A_577 : i32
      %multiple_of3A_579 = tpu.assume_multiple %mul3A_578, 128 : i32
      %dma_start3A_580 = arith.constant 12 : i32
      %dma_start3A_581 = arith.constant 0 : i32
      %dma_start3A_582 = arith.constant 0 : i32
      %dma_start3A_583 = tpu.memref_slice %arg7[%dma_start3A_580, %dma_start3A_581, %dma_start3A_582] : memref<16x16x128xf32, #tpu.memory_space<vmem>> -> memref<1x16x128xf32, #tpu.memory_space<vmem>>
      %dma_start3A_584 = tpu.memref_squeeze %dma_start3A_583 : memref<1x16x128xf32, #tpu.memory_space<vmem>> -> memref<16x128xf32, #tpu.memory_space<vmem>>
      %dma_start3A_585 = arith.constant 0 : i32
      %dma_start3A_586 = tpu.memref_slice %arg2[%dma_start3A_585, %multiple_of3A_579] : memref<16x1000000xf32, #tpu.memory_space<hbm>> -> memref<16x128xf32, #tpu.memory_space<hbm>>
      %dma_start3A_587 = arith.constant 0 : i32
      %dma_start3A_588 = arith.constant 0 : i32
      %dma_start3A_589 = tpu.memref_slice %arg7[%dma_start3A_580, %dma_start3A_587, %dma_start3A_588] : memref<16x16x128xf32, #tpu.memory_space<vmem>> -> memref<1x16x128xf32, #tpu.memory_space<vmem>>
      %dma_start3A_590 = tpu.memref_squeeze %dma_start3A_589 : memref<1x16x128xf32, #tpu.memory_space<vmem>> -> memref<16x128xf32, #tpu.memory_space<vmem>>
      %dma_start3A_591 = arith.constant 0 : i32
      %dma_start3A_592 = tpu.memref_slice %arg2[%dma_start3A_591, %multiple_of3A_579] : memref<16x1000000xf32, #tpu.memory_space<hbm>> -> memref<16x128xf32, #tpu.memory_space<hbm>>
      tpu.enqueue_dma source(%dma_start3A_592 : memref<16x128xf32, #tpu.memory_space<hbm>>) target(%dma_start3A_590 : memref<16x128xf32, #tpu.memory_space<vmem>>) target_semaphore(%arg10 : memref<!tpu.dma_semaphore, #tpu.memory_space<semaphore_mem>>)
      %slice3A_593 = vector.extract_strided_slice %get3A_332 {offsets = [13], sizes = [1], strides = [1]} : vector<16xi32> to vector<1xi32>
      %squeeze3A_594 = vector.extract %slice3A_593[0] : i32 from vector<1xi32>
      %shift_right_arithmetic3A_595 = arith.constant 7 : i32
      %shift_right_arithmetic3A_596 = arith.shrsi %squeeze3A_594, %shift_right_arithmetic3A_595 : i32
      %mul3A_597 = arith.constant 128 : i32
      %mul3A_598 = arith.muli %shift_right_arithmetic3A_596, %mul3A_597 : i32
      %multiple_of3A_599 = tpu.assume_multiple %mul3A_598, 128 : i32
      %dma_start3A_600 = arith.constant 13 : i32
      %dma_start3A_601 = arith.constant 0 : i32
      %dma_start3A_602 = arith.constant 0 : i32
      %dma_start3A_603 = tpu.memref_slice %arg7[%dma_start3A_600, %dma_start3A_601, %dma_start3A_602] : memref<16x16x128xf32, #tpu.memory_space<vmem>> -> memref<1x16x128xf32, #tpu.memory_space<vmem>>
      %dma_start3A_604 = tpu.memref_squeeze %dma_start3A_603 : memref<1x16x128xf32, #tpu.memory_space<vmem>> -> memref<16x128xf32, #tpu.memory_space<vmem>>
      %dma_start3A_605 = arith.constant 0 : i32
      %dma_start3A_606 = tpu.memref_slice %arg2[%dma_start3A_605, %multiple_of3A_599] : memref<16x1000000xf32, #tpu.memory_space<hbm>> -> memref<16x128xf32, #tpu.memory_space<hbm>>
      %dma_start3A_607 = arith.constant 0 : i32
      %dma_start3A_608 = arith.constant 0 : i32
      %dma_start3A_609 = tpu.memref_slice %arg7[%dma_start3A_600, %dma_start3A_607, %dma_start3A_608] : memref<16x16x128xf32, #tpu.memory_space<vmem>> -> memref<1x16x128xf32, #tpu.memory_space<vmem>>
      %dma_start3A_610 = tpu.memref_squeeze %dma_start3A_609 : memref<1x16x128xf32, #tpu.memory_space<vmem>> -> memref<16x128xf32, #tpu.memory_space<vmem>>
      %dma_start3A_611 = arith.constant 0 : i32
      %dma_start3A_612 = tpu.memref_slice %arg2[%dma_start3A_611, %multiple_of3A_599] : memref<16x1000000xf32, #tpu.memory_space<hbm>> -> memref<16x128xf32, #tpu.memory_space<hbm>>
      tpu.enqueue_dma source(%dma_start3A_612 : memref<16x128xf32, #tpu.memory_space<hbm>>) target(%dma_start3A_610 : memref<16x128xf32, #tpu.memory_space<vmem>>) target_semaphore(%arg10 : memref<!tpu.dma_semaphore, #tpu.memory_space<semaphore_mem>>)
      %slice3A_613 = vector.extract_strided_slice %get3A_332 {offsets = [14], sizes = [1], strides = [1]} : vector<16xi32> to vector<1xi32>
      %squeeze3A_614 = vector.extract %slice3A_613[0] : i32 from vector<1xi32>
      %shift_right_arithmetic3A_615 = arith.constant 7 : i32
      %shift_right_arithmetic3A_616 = arith.shrsi %squeeze3A_614, %shift_right_arithmetic3A_615 : i32
      %mul3A_617 = arith.constant 128 : i32
      %mul3A_618 = arith.muli %shift_right_arithmetic3A_616, %mul3A_617 : i32
      %multiple_of3A_619 = tpu.assume_multiple %mul3A_618, 128 : i32
      %dma_start3A_620 = arith.constant 14 : i32
      %dma_start3A_621 = arith.constant 0 : i32
      %dma_start3A_622 = arith.constant 0 : i32
      %dma_start3A_623 = tpu.memref_slice %arg7[%dma_start3A_620, %dma_start3A_621, %dma_start3A_622] : memref<16x16x128xf32, #tpu.memory_space<vmem>> -> memref<1x16x128xf32, #tpu.memory_space<vmem>>
      %dma_start3A_624 = tpu.memref_squeeze %dma_start3A_623 : memref<1x16x128xf32, #tpu.memory_space<vmem>> -> memref<16x128xf32, #tpu.memory_space<vmem>>
      %dma_start3A_625 = arith.constant 0 : i32
      %dma_start3A_626 = tpu.memref_slice %arg2[%dma_start3A_625, %multiple_of3A_619] : memref<16x1000000xf32, #tpu.memory_space<hbm>> -> memref<16x128xf32, #tpu.memory_space<hbm>>
      %dma_start3A_627 = arith.constant 0 : i32
      %dma_start3A_628 = arith.constant 0 : i32
      %dma_start3A_629 = tpu.memref_slice %arg7[%dma_start3A_620, %dma_start3A_627, %dma_start3A_628] : memref<16x16x128xf32, #tpu.memory_space<vmem>> -> memref<1x16x128xf32, #tpu.memory_space<vmem>>
      %dma_start3A_630 = tpu.memref_squeeze %dma_start3A_629 : memref<1x16x128xf32, #tpu.memory_space<vmem>> -> memref<16x128xf32, #tpu.memory_space<vmem>>
      %dma_start3A_631 = arith.constant 0 : i32
      %dma_start3A_632 = tpu.memref_slice %arg2[%dma_start3A_631, %multiple_of3A_619] : memref<16x1000000xf32, #tpu.memory_space<hbm>> -> memref<16x128xf32, #tpu.memory_space<hbm>>
      tpu.enqueue_dma source(%dma_start3A_632 : memref<16x128xf32, #tpu.memory_space<hbm>>) target(%dma_start3A_630 : memref<16x128xf32, #tpu.memory_space<vmem>>) target_semaphore(%arg10 : memref<!tpu.dma_semaphore, #tpu.memory_space<semaphore_mem>>)
      %slice3A_633 = vector.extract_strided_slice %get3A_332 {offsets = [15], sizes = [1], strides = [1]} : vector<16xi32> to vector<1xi32>
      %squeeze3A_634 = vector.extract %slice3A_633[0] : i32 from vector<1xi32>
      %shift_right_arithmetic3A_635 = arith.constant 7 : i32
      %shift_right_arithmetic3A_636 = arith.shrsi %squeeze3A_634, %shift_right_arithmetic3A_635 : i32
      %mul3A_637 = arith.constant 128 : i32
      %mul3A_638 = arith.muli %shift_right_arithmetic3A_636, %mul3A_637 : i32
      %multiple_of3A_639 = tpu.assume_multiple %mul3A_638, 128 : i32
      %dma_start3A_640 = arith.constant 15 : i32
      %dma_start3A_641 = arith.constant 0 : i32
      %dma_start3A_642 = arith.constant 0 : i32
      %dma_start3A_643 = tpu.memref_slice %arg7[%dma_start3A_640, %dma_start3A_641, %dma_start3A_642] : memref<16x16x128xf32, #tpu.memory_space<vmem>> -> memref<1x16x128xf32, #tpu.memory_space<vmem>>
      %dma_start3A_644 = tpu.memref_squeeze %dma_start3A_643 : memref<1x16x128xf32, #tpu.memory_space<vmem>> -> memref<16x128xf32, #tpu.memory_space<vmem>>
      %dma_start3A_645 = arith.constant 0 : i32
      %dma_start3A_646 = tpu.memref_slice %arg2[%dma_start3A_645, %multiple_of3A_639] : memref<16x1000000xf32, #tpu.memory_space<hbm>> -> memref<16x128xf32, #tpu.memory_space<hbm>>
      %dma_start3A_647 = arith.constant 0 : i32
      %dma_start3A_648 = arith.constant 0 : i32
      %dma_start3A_649 = tpu.memref_slice %arg7[%dma_start3A_640, %dma_start3A_647, %dma_start3A_648] : memref<16x16x128xf32, #tpu.memory_space<vmem>> -> memref<1x16x128xf32, #tpu.memory_space<vmem>>
      %dma_start3A_650 = tpu.memref_squeeze %dma_start3A_649 : memref<1x16x128xf32, #tpu.memory_space<vmem>> -> memref<16x128xf32, #tpu.memory_space<vmem>>
      %dma_start3A_651 = arith.constant 0 : i32
      %dma_start3A_652 = tpu.memref_slice %arg2[%dma_start3A_651, %multiple_of3A_639] : memref<16x1000000xf32, #tpu.memory_space<hbm>> -> memref<16x128xf32, #tpu.memory_space<hbm>>
      tpu.enqueue_dma source(%dma_start3A_652 : memref<16x128xf32, #tpu.memory_space<hbm>>) target(%dma_start3A_650 : memref<16x128xf32, #tpu.memory_space<vmem>>) target_semaphore(%arg10 : memref<!tpu.dma_semaphore, #tpu.memory_space<semaphore_mem>>)
      %dma_wait3A = arith.constant 0 : i32
      %dma_wait3A_653 = arith.constant 0 : i32
      %dma_wait3A_654 = arith.constant 0 : i32
      %dma_wait3A_655 = tpu.memref_slice %arg6[%dma_wait3A, %dma_wait3A_653, %dma_wait3A_654] : memref<16x16x128xf32, #tpu.memory_space<vmem>> -> memref<1x16x128xf32, #tpu.memory_space<vmem>>
      %dma_wait3A_656 = tpu.memref_squeeze %dma_wait3A_655 : memref<1x16x128xf32, #tpu.memory_space<vmem>> -> memref<16x128xf32, #tpu.memory_space<vmem>>
      %dma_wait3A_657 = arith.constant 0 : i32
      %dma_wait3A_658 = arith.constant 0 : i32
      %dma_wait3A_659 = tpu.memref_slice %arg2[%dma_wait3A_657, %dma_wait3A_658] : memref<16x1000000xf32, #tpu.memory_space<hbm>> -> memref<16x128xf32, #tpu.memory_space<hbm>>
      %dma_wait3A_660 = arith.constant 0 : i32
      %dma_wait3A_661 = arith.constant 0 : i32
      %dma_wait3A_662 = tpu.memref_slice %arg6[%dma_wait3A, %dma_wait3A_660, %dma_wait3A_661] : memref<16x16x128xf32, #tpu.memory_space<vmem>> -> memref<1x16x128xf32, #tpu.memory_space<vmem>>
      %dma_wait3A_663 = tpu.memref_squeeze %dma_wait3A_662 : memref<1x16x128xf32, #tpu.memory_space<vmem>> -> memref<16x128xf32, #tpu.memory_space<vmem>>
      %dma_wait3A_664 = arith.constant 0 : i32
      %dma_wait3A_665 = arith.constant 0 : i32
      %dma_wait3A_666 = tpu.memref_slice %arg2[%dma_wait3A_664, %dma_wait3A_665] : memref<16x1000000xf32, #tpu.memory_space<hbm>> -> memref<16x128xf32, #tpu.memory_space<hbm>>
      tpu.wait_dma2 semaphore(%arg9 : memref<!tpu.dma_semaphore, #tpu.memory_space<semaphore_mem>>) src(%dma_wait3A_666 : memref<16x128xf32, #tpu.memory_space<hbm>>) dst(%dma_wait3A_663 : memref<16x128xf32, #tpu.memory_space<vmem>>)
      %dma_wait3A_667 = arith.constant 1 : i32
      %dma_wait3A_668 = arith.constant 0 : i32
      %dma_wait3A_669 = arith.constant 0 : i32
      %dma_wait3A_670 = tpu.memref_slice %arg6[%dma_wait3A_667, %dma_wait3A_668, %dma_wait3A_669] : memref<16x16x128xf32, #tpu.memory_space<vmem>> -> memref<1x16x128xf32, #tpu.memory_space<vmem>>
      %dma_wait3A_671 = tpu.memref_squeeze %dma_wait3A_670 : memref<1x16x128xf32, #tpu.memory_space<vmem>> -> memref<16x128xf32, #tpu.memory_space<vmem>>
      %dma_wait3A_672 = arith.constant 0 : i32
      %dma_wait3A_673 = arith.constant 0 : i32
      %dma_wait3A_674 = tpu.memref_slice %arg2[%dma_wait3A_672, %dma_wait3A_673] : memref<16x1000000xf32, #tpu.memory_space<hbm>> -> memref<16x128xf32, #tpu.memory_space<hbm>>
      %dma_wait3A_675 = arith.constant 0 : i32
      %dma_wait3A_676 = arith.constant 0 : i32
      %dma_wait3A_677 = tpu.memref_slice %arg6[%dma_wait3A_667, %dma_wait3A_675, %dma_wait3A_676] : memref<16x16x128xf32, #tpu.memory_space<vmem>> -> memref<1x16x128xf32, #tpu.memory_space<vmem>>
      %dma_wait3A_678 = tpu.memref_squeeze %dma_wait3A_677 : memref<1x16x128xf32, #tpu.memory_space<vmem>> -> memref<16x128xf32, #tpu.memory_space<vmem>>
      %dma_wait3A_679 = arith.constant 0 : i32
      %dma_wait3A_680 = arith.constant 0 : i32
      %dma_wait3A_681 = tpu.memref_slice %arg2[%dma_wait3A_679, %dma_wait3A_680] : memref<16x1000000xf32, #tpu.memory_space<hbm>> -> memref<16x128xf32, #tpu.memory_space<hbm>>
      tpu.wait_dma2 semaphore(%arg9 : memref<!tpu.dma_semaphore, #tpu.memory_space<semaphore_mem>>) src(%dma_wait3A_681 : memref<16x128xf32, #tpu.memory_space<hbm>>) dst(%dma_wait3A_678 : memref<16x128xf32, #tpu.memory_space<vmem>>)
      %dma_wait3A_682 = arith.constant 2 : i32
      %dma_wait3A_683 = arith.constant 0 : i32
      %dma_wait3A_684 = arith.constant 0 : i32
      %dma_wait3A_685 = tpu.memref_slice %arg6[%dma_wait3A_682, %dma_wait3A_683, %dma_wait3A_684] : memref<16x16x128xf32, #tpu.memory_space<vmem>> -> memref<1x16x128xf32, #tpu.memory_space<vmem>>
      %dma_wait3A_686 = tpu.memref_squeeze %dma_wait3A_685 : memref<1x16x128xf32, #tpu.memory_space<vmem>> -> memref<16x128xf32, #tpu.memory_space<vmem>>
      %dma_wait3A_687 = arith.constant 0 : i32
      %dma_wait3A_688 = arith.constant 0 : i32
      %dma_wait3A_689 = tpu.memref_slice %arg2[%dma_wait3A_687, %dma_wait3A_688] : memref<16x1000000xf32, #tpu.memory_space<hbm>> -> memref<16x128xf32, #tpu.memory_space<hbm>>
      %dma_wait3A_690 = arith.constant 0 : i32
      %dma_wait3A_691 = arith.constant 0 : i32
      %dma_wait3A_692 = tpu.memref_slice %arg6[%dma_wait3A_682, %dma_wait3A_690, %dma_wait3A_691] : memref<16x16x128xf32, #tpu.memory_space<vmem>> -> memref<1x16x128xf32, #tpu.memory_space<vmem>>
      %dma_wait3A_693 = tpu.memref_squeeze %dma_wait3A_692 : memref<1x16x128xf32, #tpu.memory_space<vmem>> -> memref<16x128xf32, #tpu.memory_space<vmem>>
      %dma_wait3A_694 = arith.constant 0 : i32
      %dma_wait3A_695 = arith.constant 0 : i32
      %dma_wait3A_696 = tpu.memref_slice %arg2[%dma_wait3A_694, %dma_wait3A_695] : memref<16x1000000xf32, #tpu.memory_space<hbm>> -> memref<16x128xf32, #tpu.memory_space<hbm>>
      tpu.wait_dma2 semaphore(%arg9 : memref<!tpu.dma_semaphore, #tpu.memory_space<semaphore_mem>>) src(%dma_wait3A_696 : memref<16x128xf32, #tpu.memory_space<hbm>>) dst(%dma_wait3A_693 : memref<16x128xf32, #tpu.memory_space<vmem>>)
      %dma_wait3A_697 = arith.constant 3 : i32
      %dma_wait3A_698 = arith.constant 0 : i32
      %dma_wait3A_699 = arith.constant 0 : i32
      %dma_wait3A_700 = tpu.memref_slice %arg6[%dma_wait3A_697, %dma_wait3A_698, %dma_wait3A_699] : memref<16x16x128xf32, #tpu.memory_space<vmem>> -> memref<1x16x128xf32, #tpu.memory_space<vmem>>
      %dma_wait3A_701 = tpu.memref_squeeze %dma_wait3A_700 : memref<1x16x128xf32, #tpu.memory_space<vmem>> -> memref<16x128xf32, #tpu.memory_space<vmem>>
      %dma_wait3A_702 = arith.constant 0 : i32
      %dma_wait3A_703 = arith.constant 0 : i32
      %dma_wait3A_704 = tpu.memref_slice %arg2[%dma_wait3A_702, %dma_wait3A_703] : memref<16x1000000xf32, #tpu.memory_space<hbm>> -> memref<16x128xf32, #tpu.memory_space<hbm>>
      %dma_wait3A_705 = arith.constant 0 : i32
      %dma_wait3A_706 = arith.constant 0 : i32
      %dma_wait3A_707 = tpu.memref_slice %arg6[%dma_wait3A_697, %dma_wait3A_705, %dma_wait3A_706] : memref<16x16x128xf32, #tpu.memory_space<vmem>> -> memref<1x16x128xf32, #tpu.memory_space<vmem>>
      %dma_wait3A_708 = tpu.memref_squeeze %dma_wait3A_707 : memref<1x16x128xf32, #tpu.memory_space<vmem>> -> memref<16x128xf32, #tpu.memory_space<vmem>>
      %dma_wait3A_709 = arith.constant 0 : i32
      %dma_wait3A_710 = arith.constant 0 : i32
      %dma_wait3A_711 = tpu.memref_slice %arg2[%dma_wait3A_709, %dma_wait3A_710] : memref<16x1000000xf32, #tpu.memory_space<hbm>> -> memref<16x128xf32, #tpu.memory_space<hbm>>
      tpu.wait_dma2 semaphore(%arg9 : memref<!tpu.dma_semaphore, #tpu.memory_space<semaphore_mem>>) src(%dma_wait3A_711 : memref<16x128xf32, #tpu.memory_space<hbm>>) dst(%dma_wait3A_708 : memref<16x128xf32, #tpu.memory_space<vmem>>)
      %dma_wait3A_712 = arith.constant 4 : i32
      %dma_wait3A_713 = arith.constant 0 : i32
      %dma_wait3A_714 = arith.constant 0 : i32
      %dma_wait3A_715 = tpu.memref_slice %arg6[%dma_wait3A_712, %dma_wait3A_713, %dma_wait3A_714] : memref<16x16x128xf32, #tpu.memory_space<vmem>> -> memref<1x16x128xf32, #tpu.memory_space<vmem>>
      %dma_wait3A_716 = tpu.memref_squeeze %dma_wait3A_715 : memref<1x16x128xf32, #tpu.memory_space<vmem>> -> memref<16x128xf32, #tpu.memory_space<vmem>>
      %dma_wait3A_717 = arith.constant 0 : i32
      %dma_wait3A_718 = arith.constant 0 : i32
      %dma_wait3A_719 = tpu.memref_slice %arg2[%dma_wait3A_717, %dma_wait3A_718] : memref<16x1000000xf32, #tpu.memory_space<hbm>> -> memref<16x128xf32, #tpu.memory_space<hbm>>
      %dma_wait3A_720 = arith.constant 0 : i32
      %dma_wait3A_721 = arith.constant 0 : i32
      %dma_wait3A_722 = tpu.memref_slice %arg6[%dma_wait3A_712, %dma_wait3A_720, %dma_wait3A_721] : memref<16x16x128xf32, #tpu.memory_space<vmem>> -> memref<1x16x128xf32, #tpu.memory_space<vmem>>
      %dma_wait3A_723 = tpu.memref_squeeze %dma_wait3A_722 : memref<1x16x128xf32, #tpu.memory_space<vmem>> -> memref<16x128xf32, #tpu.memory_space<vmem>>
      %dma_wait3A_724 = arith.constant 0 : i32
      %dma_wait3A_725 = arith.constant 0 : i32
      %dma_wait3A_726 = tpu.memref_slice %arg2[%dma_wait3A_724, %dma_wait3A_725] : memref<16x1000000xf32, #tpu.memory_space<hbm>> -> memref<16x128xf32, #tpu.memory_space<hbm>>
      tpu.wait_dma2 semaphore(%arg9 : memref<!tpu.dma_semaphore, #tpu.memory_space<semaphore_mem>>) src(%dma_wait3A_726 : memref<16x128xf32, #tpu.memory_space<hbm>>) dst(%dma_wait3A_723 : memref<16x128xf32, #tpu.memory_space<vmem>>)
      %dma_wait3A_727 = arith.constant 5 : i32
      %dma_wait3A_728 = arith.constant 0 : i32
      %dma_wait3A_729 = arith.constant 0 : i32
      %dma_wait3A_730 = tpu.memref_slice %arg6[%dma_wait3A_727, %dma_wait3A_728, %dma_wait3A_729] : memref<16x16x128xf32, #tpu.memory_space<vmem>> -> memref<1x16x128xf32, #tpu.memory_space<vmem>>
      %dma_wait3A_731 = tpu.memref_squeeze %dma_wait3A_730 : memref<1x16x128xf32, #tpu.memory_space<vmem>> -> memref<16x128xf32, #tpu.memory_space<vmem>>
      %dma_wait3A_732 = arith.constant 0 : i32
      %dma_wait3A_733 = arith.constant 0 : i32
      %dma_wait3A_734 = tpu.memref_slice %arg2[%dma_wait3A_732, %dma_wait3A_733] : memref<16x1000000xf32, #tpu.memory_space<hbm>> -> memref<16x128xf32, #tpu.memory_space<hbm>>
      %dma_wait3A_735 = arith.constant 0 : i32
      %dma_wait3A_736 = arith.constant 0 : i32
      %dma_wait3A_737 = tpu.memref_slice %arg6[%dma_wait3A_727, %dma_wait3A_735, %dma_wait3A_736] : memref<16x16x128xf32, #tpu.memory_space<vmem>> -> memref<1x16x128xf32, #tpu.memory_space<vmem>>
      %dma_wait3A_738 = tpu.memref_squeeze %dma_wait3A_737 : memref<1x16x128xf32, #tpu.memory_space<vmem>> -> memref<16x128xf32, #tpu.memory_space<vmem>>
      %dma_wait3A_739 = arith.constant 0 : i32
      %dma_wait3A_740 = arith.constant 0 : i32
      %dma_wait3A_741 = tpu.memref_slice %arg2[%dma_wait3A_739, %dma_wait3A_740] : memref<16x1000000xf32, #tpu.memory_space<hbm>> -> memref<16x128xf32, #tpu.memory_space<hbm>>
      tpu.wait_dma2 semaphore(%arg9 : memref<!tpu.dma_semaphore, #tpu.memory_space<semaphore_mem>>) src(%dma_wait3A_741 : memref<16x128xf32, #tpu.memory_space<hbm>>) dst(%dma_wait3A_738 : memref<16x128xf32, #tpu.memory_space<vmem>>)
      %dma_wait3A_742 = arith.constant 6 : i32
      %dma_wait3A_743 = arith.constant 0 : i32
      %dma_wait3A_744 = arith.constant 0 : i32
      %dma_wait3A_745 = tpu.memref_slice %arg6[%dma_wait3A_742, %dma_wait3A_743, %dma_wait3A_744] : memref<16x16x128xf32, #tpu.memory_space<vmem>> -> memref<1x16x128xf32, #tpu.memory_space<vmem>>
      %dma_wait3A_746 = tpu.memref_squeeze %dma_wait3A_745 : memref<1x16x128xf32, #tpu.memory_space<vmem>> -> memref<16x128xf32, #tpu.memory_space<vmem>>
      %dma_wait3A_747 = arith.constant 0 : i32
      %dma_wait3A_748 = arith.constant 0 : i32
      %dma_wait3A_749 = tpu.memref_slice %arg2[%dma_wait3A_747, %dma_wait3A_748] : memref<16x1000000xf32, #tpu.memory_space<hbm>> -> memref<16x128xf32, #tpu.memory_space<hbm>>
      %dma_wait3A_750 = arith.constant 0 : i32
      %dma_wait3A_751 = arith.constant 0 : i32
      %dma_wait3A_752 = tpu.memref_slice %arg6[%dma_wait3A_742, %dma_wait3A_750, %dma_wait3A_751] : memref<16x16x128xf32, #tpu.memory_space<vmem>> -> memref<1x16x128xf32, #tpu.memory_space<vmem>>
      %dma_wait3A_753 = tpu.memref_squeeze %dma_wait3A_752 : memref<1x16x128xf32, #tpu.memory_space<vmem>> -> memref<16x128xf32, #tpu.memory_space<vmem>>
      %dma_wait3A_754 = arith.constant 0 : i32
      %dma_wait3A_755 = arith.constant 0 : i32
      %dma_wait3A_756 = tpu.memref_slice %arg2[%dma_wait3A_754, %dma_wait3A_755] : memref<16x1000000xf32, #tpu.memory_space<hbm>> -> memref<16x128xf32, #tpu.memory_space<hbm>>
      tpu.wait_dma2 semaphore(%arg9 : memref<!tpu.dma_semaphore, #tpu.memory_space<semaphore_mem>>) src(%dma_wait3A_756 : memref<16x128xf32, #tpu.memory_space<hbm>>) dst(%dma_wait3A_753 : memref<16x128xf32, #tpu.memory_space<vmem>>)
      %dma_wait3A_757 = arith.constant 7 : i32
      %dma_wait3A_758 = arith.constant 0 : i32
      %dma_wait3A_759 = arith.constant 0 : i32
      %dma_wait3A_760 = tpu.memref_slice %arg6[%dma_wait3A_757, %dma_wait3A_758, %dma_wait3A_759] : memref<16x16x128xf32, #tpu.memory_space<vmem>> -> memref<1x16x128xf32, #tpu.memory_space<vmem>>
      %dma_wait3A_761 = tpu.memref_squeeze %dma_wait3A_760 : memref<1x16x128xf32, #tpu.memory_space<vmem>> -> memref<16x128xf32, #tpu.memory_space<vmem>>
      %dma_wait3A_762 = arith.constant 0 : i32
      %dma_wait3A_763 = arith.constant 0 : i32
      %dma_wait3A_764 = tpu.memref_slice %arg2[%dma_wait3A_762, %dma_wait3A_763] : memref<16x1000000xf32, #tpu.memory_space<hbm>> -> memref<16x128xf32, #tpu.memory_space<hbm>>
      %dma_wait3A_765 = arith.constant 0 : i32
      %dma_wait3A_766 = arith.constant 0 : i32
      %dma_wait3A_767 = tpu.memref_slice %arg6[%dma_wait3A_757, %dma_wait3A_765, %dma_wait3A_766] : memref<16x16x128xf32, #tpu.memory_space<vmem>> -> memref<1x16x128xf32, #tpu.memory_space<vmem>>
      %dma_wait3A_768 = tpu.memref_squeeze %dma_wait3A_767 : memref<1x16x128xf32, #tpu.memory_space<vmem>> -> memref<16x128xf32, #tpu.memory_space<vmem>>
      %dma_wait3A_769 = arith.constant 0 : i32
      %dma_wait3A_770 = arith.constant 0 : i32
      %dma_wait3A_771 = tpu.memref_slice %arg2[%dma_wait3A_769, %dma_wait3A_770] : memref<16x1000000xf32, #tpu.memory_space<hbm>> -> memref<16x128xf32, #tpu.memory_space<hbm>>
      tpu.wait_dma2 semaphore(%arg9 : memref<!tpu.dma_semaphore, #tpu.memory_space<semaphore_mem>>) src(%dma_wait3A_771 : memref<16x128xf32, #tpu.memory_space<hbm>>) dst(%dma_wait3A_768 : memref<16x128xf32, #tpu.memory_space<vmem>>)
      %dma_wait3A_772 = arith.constant 8 : i32
      %dma_wait3A_773 = arith.constant 0 : i32
      %dma_wait3A_774 = arith.constant 0 : i32
      %dma_wait3A_775 = tpu.memref_slice %arg6[%dma_wait3A_772, %dma_wait3A_773, %dma_wait3A_774] : memref<16x16x128xf32, #tpu.memory_space<vmem>> -> memref<1x16x128xf32, #tpu.memory_space<vmem>>
      %dma_wait3A_776 = tpu.memref_squeeze %dma_wait3A_775 : memref<1x16x128xf32, #tpu.memory_space<vmem>> -> memref<16x128xf32, #tpu.memory_space<vmem>>
      %dma_wait3A_777 = arith.constant 0 : i32
      %dma_wait3A_778 = arith.constant 0 : i32
      %dma_wait3A_779 = tpu.memref_slice %arg2[%dma_wait3A_777, %dma_wait3A_778] : memref<16x1000000xf32, #tpu.memory_space<hbm>> -> memref<16x128xf32, #tpu.memory_space<hbm>>
      %dma_wait3A_780 = arith.constant 0 : i32
      %dma_wait3A_781 = arith.constant 0 : i32
      %dma_wait3A_782 = tpu.memref_slice %arg6[%dma_wait3A_772, %dma_wait3A_780, %dma_wait3A_781] : memref<16x16x128xf32, #tpu.memory_space<vmem>> -> memref<1x16x128xf32, #tpu.memory_space<vmem>>
      %dma_wait3A_783 = tpu.memref_squeeze %dma_wait3A_782 : memref<1x16x128xf32, #tpu.memory_space<vmem>> -> memref<16x128xf32, #tpu.memory_space<vmem>>
      %dma_wait3A_784 = arith.constant 0 : i32
      %dma_wait3A_785 = arith.constant 0 : i32
      %dma_wait3A_786 = tpu.memref_slice %arg2[%dma_wait3A_784, %dma_wait3A_785] : memref<16x1000000xf32, #tpu.memory_space<hbm>> -> memref<16x128xf32, #tpu.memory_space<hbm>>
      tpu.wait_dma2 semaphore(%arg9 : memref<!tpu.dma_semaphore, #tpu.memory_space<semaphore_mem>>) src(%dma_wait3A_786 : memref<16x128xf32, #tpu.memory_space<hbm>>) dst(%dma_wait3A_783 : memref<16x128xf32, #tpu.memory_space<vmem>>)
      %dma_wait3A_787 = arith.constant 9 : i32
      %dma_wait3A_788 = arith.constant 0 : i32
      %dma_wait3A_789 = arith.constant 0 : i32
      %dma_wait3A_790 = tpu.memref_slice %arg6[%dma_wait3A_787, %dma_wait3A_788, %dma_wait3A_789] : memref<16x16x128xf32, #tpu.memory_space<vmem>> -> memref<1x16x128xf32, #tpu.memory_space<vmem>>
      %dma_wait3A_791 = tpu.memref_squeeze %dma_wait3A_790 : memref<1x16x128xf32, #tpu.memory_space<vmem>> -> memref<16x128xf32, #tpu.memory_space<vmem>>
      %dma_wait3A_792 = arith.constant 0 : i32
      %dma_wait3A_793 = arith.constant 0 : i32
      %dma_wait3A_794 = tpu.memref_slice %arg2[%dma_wait3A_792, %dma_wait3A_793] : memref<16x1000000xf32, #tpu.memory_space<hbm>> -> memref<16x128xf32, #tpu.memory_space<hbm>>
      %dma_wait3A_795 = arith.constant 0 : i32
      %dma_wait3A_796 = arith.constant 0 : i32
      %dma_wait3A_797 = tpu.memref_slice %arg6[%dma_wait3A_787, %dma_wait3A_795, %dma_wait3A_796] : memref<16x16x128xf32, #tpu.memory_space<vmem>> -> memref<1x16x128xf32, #tpu.memory_space<vmem>>
      %dma_wait3A_798 = tpu.memref_squeeze %dma_wait3A_797 : memref<1x16x128xf32, #tpu.memory_space<vmem>> -> memref<16x128xf32, #tpu.memory_space<vmem>>
      %dma_wait3A_799 = arith.constant 0 : i32
      %dma_wait3A_800 = arith.constant 0 : i32
      %dma_wait3A_801 = tpu.memref_slice %arg2[%dma_wait3A_799, %dma_wait3A_800] : memref<16x1000000xf32, #tpu.memory_space<hbm>> -> memref<16x128xf32, #tpu.memory_space<hbm>>
      tpu.wait_dma2 semaphore(%arg9 : memref<!tpu.dma_semaphore, #tpu.memory_space<semaphore_mem>>) src(%dma_wait3A_801 : memref<16x128xf32, #tpu.memory_space<hbm>>) dst(%dma_wait3A_798 : memref<16x128xf32, #tpu.memory_space<vmem>>)
      %dma_wait3A_802 = arith.constant 10 : i32
      %dma_wait3A_803 = arith.constant 0 : i32
      %dma_wait3A_804 = arith.constant 0 : i32
      %dma_wait3A_805 = tpu.memref_slice %arg6[%dma_wait3A_802, %dma_wait3A_803, %dma_wait3A_804] : memref<16x16x128xf32, #tpu.memory_space<vmem>> -> memref<1x16x128xf32, #tpu.memory_space<vmem>>
      %dma_wait3A_806 = tpu.memref_squeeze %dma_wait3A_805 : memref<1x16x128xf32, #tpu.memory_space<vmem>> -> memref<16x128xf32, #tpu.memory_space<vmem>>
      %dma_wait3A_807 = arith.constant 0 : i32
      %dma_wait3A_808 = arith.constant 0 : i32
      %dma_wait3A_809 = tpu.memref_slice %arg2[%dma_wait3A_807, %dma_wait3A_808] : memref<16x1000000xf32, #tpu.memory_space<hbm>> -> memref<16x128xf32, #tpu.memory_space<hbm>>
      %dma_wait3A_810 = arith.constant 0 : i32
      %dma_wait3A_811 = arith.constant 0 : i32
      %dma_wait3A_812 = tpu.memref_slice %arg6[%dma_wait3A_802, %dma_wait3A_810, %dma_wait3A_811] : memref<16x16x128xf32, #tpu.memory_space<vmem>> -> memref<1x16x128xf32, #tpu.memory_space<vmem>>
      %dma_wait3A_813 = tpu.memref_squeeze %dma_wait3A_812 : memref<1x16x128xf32, #tpu.memory_space<vmem>> -> memref<16x128xf32, #tpu.memory_space<vmem>>
      %dma_wait3A_814 = arith.constant 0 : i32
      %dma_wait3A_815 = arith.constant 0 : i32
      %dma_wait3A_816 = tpu.memref_slice %arg2[%dma_wait3A_814, %dma_wait3A_815] : memref<16x1000000xf32, #tpu.memory_space<hbm>> -> memref<16x128xf32, #tpu.memory_space<hbm>>
      tpu.wait_dma2 semaphore(%arg9 : memref<!tpu.dma_semaphore, #tpu.memory_space<semaphore_mem>>) src(%dma_wait3A_816 : memref<16x128xf32, #tpu.memory_space<hbm>>) dst(%dma_wait3A_813 : memref<16x128xf32, #tpu.memory_space<vmem>>)
      %dma_wait3A_817 = arith.constant 11 : i32
      %dma_wait3A_818 = arith.constant 0 : i32
      %dma_wait3A_819 = arith.constant 0 : i32
      %dma_wait3A_820 = tpu.memref_slice %arg6[%dma_wait3A_817, %dma_wait3A_818, %dma_wait3A_819] : memref<16x16x128xf32, #tpu.memory_space<vmem>> -> memref<1x16x128xf32, #tpu.memory_space<vmem>>
      %dma_wait3A_821 = tpu.memref_squeeze %dma_wait3A_820 : memref<1x16x128xf32, #tpu.memory_space<vmem>> -> memref<16x128xf32, #tpu.memory_space<vmem>>
      %dma_wait3A_822 = arith.constant 0 : i32
      %dma_wait3A_823 = arith.constant 0 : i32
      %dma_wait3A_824 = tpu.memref_slice %arg2[%dma_wait3A_822, %dma_wait3A_823] : memref<16x1000000xf32, #tpu.memory_space<hbm>> -> memref<16x128xf32, #tpu.memory_space<hbm>>
      %dma_wait3A_825 = arith.constant 0 : i32
      %dma_wait3A_826 = arith.constant 0 : i32
      %dma_wait3A_827 = tpu.memref_slice %arg6[%dma_wait3A_817, %dma_wait3A_825, %dma_wait3A_826] : memref<16x16x128xf32, #tpu.memory_space<vmem>> -> memref<1x16x128xf32, #tpu.memory_space<vmem>>
      %dma_wait3A_828 = tpu.memref_squeeze %dma_wait3A_827 : memref<1x16x128xf32, #tpu.memory_space<vmem>> -> memref<16x128xf32, #tpu.memory_space<vmem>>
      %dma_wait3A_829 = arith.constant 0 : i32
      %dma_wait3A_830 = arith.constant 0 : i32
      %dma_wait3A_831 = tpu.memref_slice %arg2[%dma_wait3A_829, %dma_wait3A_830] : memref<16x1000000xf32, #tpu.memory_space<hbm>> -> memref<16x128xf32, #tpu.memory_space<hbm>>
      tpu.wait_dma2 semaphore(%arg9 : memref<!tpu.dma_semaphore, #tpu.memory_space<semaphore_mem>>) src(%dma_wait3A_831 : memref<16x128xf32, #tpu.memory_space<hbm>>) dst(%dma_wait3A_828 : memref<16x128xf32, #tpu.memory_space<vmem>>)
      %dma_wait3A_832 = arith.constant 12 : i32
      %dma_wait3A_833 = arith.constant 0 : i32
      %dma_wait3A_834 = arith.constant 0 : i32
      %dma_wait3A_835 = tpu.memref_slice %arg6[%dma_wait3A_832, %dma_wait3A_833, %dma_wait3A_834] : memref<16x16x128xf32, #tpu.memory_space<vmem>> -> memref<1x16x128xf32, #tpu.memory_space<vmem>>
      %dma_wait3A_836 = tpu.memref_squeeze %dma_wait3A_835 : memref<1x16x128xf32, #tpu.memory_space<vmem>> -> memref<16x128xf32, #tpu.memory_space<vmem>>
      %dma_wait3A_837 = arith.constant 0 : i32
      %dma_wait3A_838 = arith.constant 0 : i32
      %dma_wait3A_839 = tpu.memref_slice %arg2[%dma_wait3A_837, %dma_wait3A_838] : memref<16x1000000xf32, #tpu.memory_space<hbm>> -> memref<16x128xf32, #tpu.memory_space<hbm>>
      %dma_wait3A_840 = arith.constant 0 : i32
      %dma_wait3A_841 = arith.constant 0 : i32
      %dma_wait3A_842 = tpu.memref_slice %arg6[%dma_wait3A_832, %dma_wait3A_840, %dma_wait3A_841] : memref<16x16x128xf32, #tpu.memory_space<vmem>> -> memref<1x16x128xf32, #tpu.memory_space<vmem>>
      %dma_wait3A_843 = tpu.memref_squeeze %dma_wait3A_842 : memref<1x16x128xf32, #tpu.memory_space<vmem>> -> memref<16x128xf32, #tpu.memory_space<vmem>>
      %dma_wait3A_844 = arith.constant 0 : i32
      %dma_wait3A_845 = arith.constant 0 : i32
      %dma_wait3A_846 = tpu.memref_slice %arg2[%dma_wait3A_844, %dma_wait3A_845] : memref<16x1000000xf32, #tpu.memory_space<hbm>> -> memref<16x128xf32, #tpu.memory_space<hbm>>
      tpu.wait_dma2 semaphore(%arg9 : memref<!tpu.dma_semaphore, #tpu.memory_space<semaphore_mem>>) src(%dma_wait3A_846 : memref<16x128xf32, #tpu.memory_space<hbm>>) dst(%dma_wait3A_843 : memref<16x128xf32, #tpu.memory_space<vmem>>)
      %dma_wait3A_847 = arith.constant 13 : i32
      %dma_wait3A_848 = arith.constant 0 : i32
      %dma_wait3A_849 = arith.constant 0 : i32
      %dma_wait3A_850 = tpu.memref_slice %arg6[%dma_wait3A_847, %dma_wait3A_848, %dma_wait3A_849] : memref<16x16x128xf32, #tpu.memory_space<vmem>> -> memref<1x16x128xf32, #tpu.memory_space<vmem>>
      %dma_wait3A_851 = tpu.memref_squeeze %dma_wait3A_850 : memref<1x16x128xf32, #tpu.memory_space<vmem>> -> memref<16x128xf32, #tpu.memory_space<vmem>>
      %dma_wait3A_852 = arith.constant 0 : i32
      %dma_wait3A_853 = arith.constant 0 : i32
      %dma_wait3A_854 = tpu.memref_slice %arg2[%dma_wait3A_852, %dma_wait3A_853] : memref<16x1000000xf32, #tpu.memory_space<hbm>> -> memref<16x128xf32, #tpu.memory_space<hbm>>
      %dma_wait3A_855 = arith.constant 0 : i32
      %dma_wait3A_856 = arith.constant 0 : i32
      %dma_wait3A_857 = tpu.memref_slice %arg6[%dma_wait3A_847, %dma_wait3A_855, %dma_wait3A_856] : memref<16x16x128xf32, #tpu.memory_space<vmem>> -> memref<1x16x128xf32, #tpu.memory_space<vmem>>
      %dma_wait3A_858 = tpu.memref_squeeze %dma_wait3A_857 : memref<1x16x128xf32, #tpu.memory_space<vmem>> -> memref<16x128xf32, #tpu.memory_space<vmem>>
      %dma_wait3A_859 = arith.constant 0 : i32
      %dma_wait3A_860 = arith.constant 0 : i32
      %dma_wait3A_861 = tpu.memref_slice %arg2[%dma_wait3A_859, %dma_wait3A_860] : memref<16x1000000xf32, #tpu.memory_space<hbm>> -> memref<16x128xf32, #tpu.memory_space<hbm>>
      tpu.wait_dma2 semaphore(%arg9 : memref<!tpu.dma_semaphore, #tpu.memory_space<semaphore_mem>>) src(%dma_wait3A_861 : memref<16x128xf32, #tpu.memory_space<hbm>>) dst(%dma_wait3A_858 : memref<16x128xf32, #tpu.memory_space<vmem>>)
      %dma_wait3A_862 = arith.constant 14 : i32
      %dma_wait3A_863 = arith.constant 0 : i32
      %dma_wait3A_864 = arith.constant 0 : i32
      %dma_wait3A_865 = tpu.memref_slice %arg6[%dma_wait3A_862, %dma_wait3A_863, %dma_wait3A_864] : memref<16x16x128xf32, #tpu.memory_space<vmem>> -> memref<1x16x128xf32, #tpu.memory_space<vmem>>
      %dma_wait3A_866 = tpu.memref_squeeze %dma_wait3A_865 : memref<1x16x128xf32, #tpu.memory_space<vmem>> -> memref<16x128xf32, #tpu.memory_space<vmem>>
      %dma_wait3A_867 = arith.constant 0 : i32
      %dma_wait3A_868 = arith.constant 0 : i32
      %dma_wait3A_869 = tpu.memref_slice %arg2[%dma_wait3A_867, %dma_wait3A_868] : memref<16x1000000xf32, #tpu.memory_space<hbm>> -> memref<16x128xf32, #tpu.memory_space<hbm>>
      %dma_wait3A_870 = arith.constant 0 : i32
      %dma_wait3A_871 = arith.constant 0 : i32
      %dma_wait3A_872 = tpu.memref_slice %arg6[%dma_wait3A_862, %dma_wait3A_870, %dma_wait3A_871] : memref<16x16x128xf32, #tpu.memory_space<vmem>> -> memref<1x16x128xf32, #tpu.memory_space<vmem>>
      %dma_wait3A_873 = tpu.memref_squeeze %dma_wait3A_872 : memref<1x16x128xf32, #tpu.memory_space<vmem>> -> memref<16x128xf32, #tpu.memory_space<vmem>>
      %dma_wait3A_874 = arith.constant 0 : i32
      %dma_wait3A_875 = arith.constant 0 : i32
      %dma_wait3A_876 = tpu.memref_slice %arg2[%dma_wait3A_874, %dma_wait3A_875] : memref<16x1000000xf32, #tpu.memory_space<hbm>> -> memref<16x128xf32, #tpu.memory_space<hbm>>
      tpu.wait_dma2 semaphore(%arg9 : memref<!tpu.dma_semaphore, #tpu.memory_space<semaphore_mem>>) src(%dma_wait3A_876 : memref<16x128xf32, #tpu.memory_space<hbm>>) dst(%dma_wait3A_873 : memref<16x128xf32, #tpu.memory_space<vmem>>)
      %dma_wait3A_877 = arith.constant 15 : i32
      %dma_wait3A_878 = arith.constant 0 : i32
      %dma_wait3A_879 = arith.constant 0 : i32
      %dma_wait3A_880 = tpu.memref_slice %arg6[%dma_wait3A_877, %dma_wait3A_878, %dma_wait3A_879] : memref<16x16x128xf32, #tpu.memory_space<vmem>> -> memref<1x16x128xf32, #tpu.memory_space<vmem>>
      %dma_wait3A_881 = tpu.memref_squeeze %dma_wait3A_880 : memref<1x16x128xf32, #tpu.memory_space<vmem>> -> memref<16x128xf32, #tpu.memory_space<vmem>>
      %dma_wait3A_882 = arith.constant 0 : i32
      %dma_wait3A_883 = arith.constant 0 : i32
      %dma_wait3A_884 = tpu.memref_slice %arg2[%dma_wait3A_882, %dma_wait3A_883] : memref<16x1000000xf32, #tpu.memory_space<hbm>> -> memref<16x128xf32, #tpu.memory_space<hbm>>
      %dma_wait3A_885 = arith.constant 0 : i32
      %dma_wait3A_886 = arith.constant 0 : i32
      %dma_wait3A_887 = tpu.memref_slice %arg6[%dma_wait3A_877, %dma_wait3A_885, %dma_wait3A_886] : memref<16x16x128xf32, #tpu.memory_space<vmem>> -> memref<1x16x128xf32, #tpu.memory_space<vmem>>
      %dma_wait3A_888 = tpu.memref_squeeze %dma_wait3A_887 : memref<1x16x128xf32, #tpu.memory_space<vmem>> -> memref<16x128xf32, #tpu.memory_space<vmem>>
      %dma_wait3A_889 = arith.constant 0 : i32
      %dma_wait3A_890 = arith.constant 0 : i32
      %dma_wait3A_891 = tpu.memref_slice %arg2[%dma_wait3A_889, %dma_wait3A_890] : memref<16x1000000xf32, #tpu.memory_space<hbm>> -> memref<16x128xf32, #tpu.memory_space<hbm>>
      tpu.wait_dma2 semaphore(%arg9 : memref<!tpu.dma_semaphore, #tpu.memory_space<semaphore_mem>>) src(%dma_wait3A_891 : memref<16x128xf32, #tpu.memory_space<hbm>>) dst(%dma_wait3A_888 : memref<16x128xf32, #tpu.memory_space<vmem>>)
      %mul3A_892 = arith.constant 16 : i32
      %mul3A_893 = arith.muli %mul3A_326, %mul3A_892 : i32
      %get3A_894 = arith.index_cast %mul3A_893 : i32 to index
      %get3A_895 = tpu.vector_load %arg5[%get3A_894] {strides = array<i32>} : memref<512xi32, #tpu.memory_space<vmem>>, vector<16xi32>,
      %slice3A_896 = vector.extract_strided_slice %get3A_895 {offsets = [0], sizes = [1], strides = [1]} : vector<16xi32> to vector<1xi32>
      %squeeze3A_897 = vector.extract %slice3A_896[0] : i32 from vector<1xi32>
      %and3A = arith.constant 127 : i32
      %and3A_898 = arith.andi %squeeze3A_897, %and3A : i32
      %broadcast_in_dim3A = vector.broadcast %and3A_898 : i32 to vector<16xi32>
      %gather3A = arith.constant 0 : i32
      %gather3A_899 = arith.constant 0 : i32
      %gather3A_900 = arith.constant 0 : i32
      %gather3A_901 = tpu.memref_slice %arg6[%gather3A, %gather3A_899, %gather3A_900] : memref<16x16x128xf32, #tpu.memory_space<vmem>> -> memref<1x16x128xf32, #tpu.memory_space<vmem>>
      %gather3A_902 = tpu.memref_squeeze %gather3A_901 : memref<1x16x128xf32, #tpu.memory_space<vmem>> -> memref<16x128xf32, #tpu.memory_space<vmem>>
      %gather3A_903 = tpu.vector_load_idx %gather3A_902[%iota3A, %broadcast_in_dim3A] : memref<16x128xf32, #tpu.memory_space<vmem>>[vector<16xi32>, vector<16xi32>], vector<16xf32>,
      %mul3A_904 = arith.constant 16 : i32
      %mul3A_905 = arith.muli %mul3A_326, %mul3A_904 : i32
      %add3A_906 = arith.constant 0 : i32
      %add3A_907 = arith.addi %mul3A_905, %add3A_906 : i32
      %broadcast_in_dim3A_908 = vector.broadcast %add3A_907 : i32 to vector<16xi32>
      tpu.vector_store_idx %arg8[%iota3A, %broadcast_in_dim3A_908], %gather3A_903 : memref<16x512xf32, #tpu.memory_space<vmem>>[vector<16xi32>, vector<16xi32>], vector<16xf32>,
      %slice3A_909 = vector.extract_strided_slice %get3A_895 {offsets = [1], sizes = [1], strides = [1]} : vector<16xi32> to vector<1xi32>
      %squeeze3A_910 = vector.extract %slice3A_909[0] : i32 from vector<1xi32>
      %and3A_911 = arith.constant 127 : i32
      %and3A_912 = arith.andi %squeeze3A_910, %and3A_911 : i32
      %broadcast_in_dim3A_913 = vector.broadcast %and3A_912 : i32 to vector<16xi32>
      %gather3A_914 = arith.constant 1 : i32
      %gather3A_915 = arith.constant 0 : i32
      %gather3A_916 = arith.constant 0 : i32
      %gather3A_917 = tpu.memref_slice %arg6[%gather3A_914, %gather3A_915, %gather3A_916] : memref<16x16x128xf32, #tpu.memory_space<vmem>> -> memref<1x16x128xf32, #tpu.memory_space<vmem>>
      %gather3A_918 = tpu.memref_squeeze %gather3A_917 : memref<1x16x128xf32, #tpu.memory_space<vmem>> -> memref<16x128xf32, #tpu.memory_space<vmem>>
      %gather3A_919 = tpu.vector_load_idx %gather3A_918[%iota3A, %broadcast_in_dim3A_913] : memref<16x128xf32, #tpu.memory_space<vmem>>[vector<16xi32>, vector<16xi32>], vector<16xf32>,
      %mul3A_920 = arith.constant 16 : i32
      %mul3A_921 = arith.muli %mul3A_326, %mul3A_920 : i32
      %add3A_922 = arith.constant 1 : i32
      %add3A_923 = arith.addi %mul3A_921, %add3A_922 : i32
      %broadcast_in_dim3A_924 = vector.broadcast %add3A_923 : i32 to vector<16xi32>
      tpu.vector_store_idx %arg8[%iota3A, %broadcast_in_dim3A_924], %gather3A_919 : memref<16x512xf32, #tpu.memory_space<vmem>>[vector<16xi32>, vector<16xi32>], vector<16xf32>,
      %slice3A_925 = vector.extract_strided_slice %get3A_895 {offsets = [2], sizes = [1], strides = [1]} : vector<16xi32> to vector<1xi32>
      %squeeze3A_926 = vector.extract %slice3A_925[0] : i32 from vector<1xi32>
      %and3A_927 = arith.constant 127 : i32
      %and3A_928 = arith.andi %squeeze3A_926, %and3A_927 : i32
      %broadcast_in_dim3A_929 = vector.broadcast %and3A_928 : i32 to vector<16xi32>
      %gather3A_930 = arith.constant 2 : i32
      %gather3A_931 = arith.constant 0 : i32
      %gather3A_932 = arith.constant 0 : i32
      %gather3A_933 = tpu.memref_slice %arg6[%gather3A_930, %gather3A_931, %gather3A_932] : memref<16x16x128xf32, #tpu.memory_space<vmem>> -> memref<1x16x128xf32, #tpu.memory_space<vmem>>
      %gather3A_934 = tpu.memref_squeeze %gather3A_933 : memref<1x16x128xf32, #tpu.memory_space<vmem>> -> memref<16x128xf32, #tpu.memory_space<vmem>>
      %gather3A_935 = tpu.vector_load_idx %gather3A_934[%iota3A, %broadcast_in_dim3A_929] : memref<16x128xf32, #tpu.memory_space<vmem>>[vector<16xi32>, vector<16xi32>], vector<16xf32>,
      %mul3A_936 = arith.constant 16 : i32
      %mul3A_937 = arith.muli %mul3A_326, %mul3A_936 : i32
      %add3A_938 = arith.constant 2 : i32
      %add3A_939 = arith.addi %mul3A_937, %add3A_938 : i32
      %broadcast_in_dim3A_940 = vector.broadcast %add3A_939 : i32 to vector<16xi32>
      tpu.vector_store_idx %arg8[%iota3A, %broadcast_in_dim3A_940], %gather3A_935 : memref<16x512xf32, #tpu.memory_space<vmem>>[vector<16xi32>, vector<16xi32>], vector<16xf32>,
      %slice3A_941 = vector.extract_strided_slice %get3A_895 {offsets = [3], sizes = [1], strides = [1]} : vector<16xi32> to vector<1xi32>
      %squeeze3A_942 = vector.extract %slice3A_941[0] : i32 from vector<1xi32>
      %and3A_943 = arith.constant 127 : i32
      %and3A_944 = arith.andi %squeeze3A_942, %and3A_943 : i32
      %broadcast_in_dim3A_945 = vector.broadcast %and3A_944 : i32 to vector<16xi32>
      %gather3A_946 = arith.constant 3 : i32
      %gather3A_947 = arith.constant 0 : i32
      %gather3A_948 = arith.constant 0 : i32
      %gather3A_949 = tpu.memref_slice %arg6[%gather3A_946, %gather3A_947, %gather3A_948] : memref<16x16x128xf32, #tpu.memory_space<vmem>> -> memref<1x16x128xf32, #tpu.memory_space<vmem>>
      %gather3A_950 = tpu.memref_squeeze %gather3A_949 : memref<1x16x128xf32, #tpu.memory_space<vmem>> -> memref<16x128xf32, #tpu.memory_space<vmem>>
      %gather3A_951 = tpu.vector_load_idx %gather3A_950[%iota3A, %broadcast_in_dim3A_945] : memref<16x128xf32, #tpu.memory_space<vmem>>[vector<16xi32>, vector<16xi32>], vector<16xf32>,
      %mul3A_952 = arith.constant 16 : i32
      %mul3A_953 = arith.muli %mul3A_326, %mul3A_952 : i32
      %add3A_954 = arith.constant 3 : i32
      %add3A_955 = arith.addi %mul3A_953, %add3A_954 : i32
      %broadcast_in_dim3A_956 = vector.broadcast %add3A_955 : i32 to vector<16xi32>
      tpu.vector_store_idx %arg8[%iota3A, %broadcast_in_dim3A_956], %gather3A_951 : memref<16x512xf32, #tpu.memory_space<vmem>>[vector<16xi32>, vector<16xi32>], vector<16xf32>,
      %slice3A_957 = vector.extract_strided_slice %get3A_895 {offsets = [4], sizes = [1], strides = [1]} : vector<16xi32> to vector<1xi32>
      %squeeze3A_958 = vector.extract %slice3A_957[0] : i32 from vector<1xi32>
      %and3A_959 = arith.constant 127 : i32
      %and3A_960 = arith.andi %squeeze3A_958, %and3A_959 : i32
      %broadcast_in_dim3A_961 = vector.broadcast %and3A_960 : i32 to vector<16xi32>
      %gather3A_962 = arith.constant 4 : i32
      %gather3A_963 = arith.constant 0 : i32
      %gather3A_964 = arith.constant 0 : i32
      %gather3A_965 = tpu.memref_slice %arg6[%gather3A_962, %gather3A_963, %gather3A_964] : memref<16x16x128xf32, #tpu.memory_space<vmem>> -> memref<1x16x128xf32, #tpu.memory_space<vmem>>
      %gather3A_966 = tpu.memref_squeeze %gather3A_965 : memref<1x16x128xf32, #tpu.memory_space<vmem>> -> memref<16x128xf32, #tpu.memory_space<vmem>>
      %gather3A_967 = tpu.vector_load_idx %gather3A_966[%iota3A, %broadcast_in_dim3A_961] : memref<16x128xf32, #tpu.memory_space<vmem>>[vector<16xi32>, vector<16xi32>], vector<16xf32>,
      %mul3A_968 = arith.constant 16 : i32
      %mul3A_969 = arith.muli %mul3A_326, %mul3A_968 : i32
      %add3A_970 = arith.constant 4 : i32
      %add3A_971 = arith.addi %mul3A_969, %add3A_970 : i32
      %broadcast_in_dim3A_972 = vector.broadcast %add3A_971 : i32 to vector<16xi32>
      tpu.vector_store_idx %arg8[%iota3A, %broadcast_in_dim3A_972], %gather3A_967 : memref<16x512xf32, #tpu.memory_space<vmem>>[vector<16xi32>, vector<16xi32>], vector<16xf32>,
      %slice3A_973 = vector.extract_strided_slice %get3A_895 {offsets = [5], sizes = [1], strides = [1]} : vector<16xi32> to vector<1xi32>
      %squeeze3A_974 = vector.extract %slice3A_973[0] : i32 from vector<1xi32>
      %and3A_975 = arith.constant 127 : i32
      %and3A_976 = arith.andi %squeeze3A_974, %and3A_975 : i32
      %broadcast_in_dim3A_977 = vector.broadcast %and3A_976 : i32 to vector<16xi32>
      %gather3A_978 = arith.constant 5 : i32
      %gather3A_979 = arith.constant 0 : i32
      %gather3A_980 = arith.constant 0 : i32
      %gather3A_981 = tpu.memref_slice %arg6[%gather3A_978, %gather3A_979, %gather3A_980] : memref<16x16x128xf32, #tpu.memory_space<vmem>> -> memref<1x16x128xf32, #tpu.memory_space<vmem>>
      %gather3A_982 = tpu.memref_squeeze %gather3A_981 : memref<1x16x128xf32, #tpu.memory_space<vmem>> -> memref<16x128xf32, #tpu.memory_space<vmem>>
      %gather3A_983 = tpu.vector_load_idx %gather3A_982[%iota3A, %broadcast_in_dim3A_977] : memref<16x128xf32, #tpu.memory_space<vmem>>[vector<16xi32>, vector<16xi32>], vector<16xf32>,
      %mul3A_984 = arith.constant 16 : i32
      %mul3A_985 = arith.muli %mul3A_326, %mul3A_984 : i32
      %add3A_986 = arith.constant 5 : i32
      %add3A_987 = arith.addi %mul3A_985, %add3A_986 : i32
      %broadcast_in_dim3A_988 = vector.broadcast %add3A_987 : i32 to vector<16xi32>
      tpu.vector_store_idx %arg8[%iota3A, %broadcast_in_dim3A_988], %gather3A_983 : memref<16x512xf32, #tpu.memory_space<vmem>>[vector<16xi32>, vector<16xi32>], vector<16xf32>,
      %slice3A_989 = vector.extract_strided_slice %get3A_895 {offsets = [6], sizes = [1], strides = [1]} : vector<16xi32> to vector<1xi32>
      %squeeze3A_990 = vector.extract %slice3A_989[0] : i32 from vector<1xi32>
      %and3A_991 = arith.constant 127 : i32
      %and3A_992 = arith.andi %squeeze3A_990, %and3A_991 : i32
      %broadcast_in_dim3A_993 = vector.broadcast %and3A_992 : i32 to vector<16xi32>
      %gather3A_994 = arith.constant 6 : i32
      %gather3A_995 = arith.constant 0 : i32
      %gather3A_996 = arith.constant 0 : i32
      %gather3A_997 = tpu.memref_slice %arg6[%gather3A_994, %gather3A_995, %gather3A_996] : memref<16x16x128xf32, #tpu.memory_space<vmem>> -> memref<1x16x128xf32, #tpu.memory_space<vmem>>
      %gather3A_998 = tpu.memref_squeeze %gather3A_997 : memref<1x16x128xf32, #tpu.memory_space<vmem>> -> memref<16x128xf32, #tpu.memory_space<vmem>>
      %gather3A_999 = tpu.vector_load_idx %gather3A_998[%iota3A, %broadcast_in_dim3A_993] : memref<16x128xf32, #tpu.memory_space<vmem>>[vector<16xi32>, vector<16xi32>], vector<16xf32>,
      %mul3A_1000 = arith.constant 16 : i32
      %mul3A_1001 = arith.muli %mul3A_326, %mul3A_1000 : i32
      %add3A_1002 = arith.constant 6 : i32
      %add3A_1003 = arith.addi %mul3A_1001, %add3A_1002 : i32
      %broadcast_in_dim3A_1004 = vector.broadcast %add3A_1003 : i32 to vector<16xi32>
      tpu.vector_store_idx %arg8[%iota3A, %broadcast_in_dim3A_1004], %gather3A_999 : memref<16x512xf32, #tpu.memory_space<vmem>>[vector<16xi32>, vector<16xi32>], vector<16xf32>,
      %slice3A_1005 = vector.extract_strided_slice %get3A_895 {offsets = [7], sizes = [1], strides = [1]} : vector<16xi32> to vector<1xi32>
      %squeeze3A_1006 = vector.extract %slice3A_1005[0] : i32 from vector<1xi32>
      %and3A_1007 = arith.constant 127 : i32
      %and3A_1008 = arith.andi %squeeze3A_1006, %and3A_1007 : i32
      %broadcast_in_dim3A_1009 = vector.broadcast %and3A_1008 : i32 to vector<16xi32>
      %gather3A_1010 = arith.constant 7 : i32
      %gather3A_1011 = arith.constant 0 : i32
      %gather3A_1012 = arith.constant 0 : i32
      %gather3A_1013 = tpu.memref_slice %arg6[%gather3A_1010, %gather3A_1011, %gather3A_1012] : memref<16x16x128xf32, #tpu.memory_space<vmem>> -> memref<1x16x128xf32, #tpu.memory_space<vmem>>
      %gather3A_1014 = tpu.memref_squeeze %gather3A_1013 : memref<1x16x128xf32, #tpu.memory_space<vmem>> -> memref<16x128xf32, #tpu.memory_space<vmem>>
      %gather3A_1015 = tpu.vector_load_idx %gather3A_1014[%iota3A, %broadcast_in_dim3A_1009] : memref<16x128xf32, #tpu.memory_space<vmem>>[vector<16xi32>, vector<16xi32>], vector<16xf32>,
      %mul3A_1016 = arith.constant 16 : i32
      %mul3A_1017 = arith.muli %mul3A_326, %mul3A_1016 : i32
      %add3A_1018 = arith.constant 7 : i32
      %add3A_1019 = arith.addi %mul3A_1017, %add3A_1018 : i32
      %broadcast_in_dim3A_1020 = vector.broadcast %add3A_1019 : i32 to vector<16xi32>
      tpu.vector_store_idx %arg8[%iota3A, %broadcast_in_dim3A_1020], %gather3A_1015 : memref<16x512xf32, #tpu.memory_space<vmem>>[vector<16xi32>, vector<16xi32>], vector<16xf32>,
      %slice3A_1021 = vector.extract_strided_slice %get3A_895 {offsets = [8], sizes = [1], strides = [1]} : vector<16xi32> to vector<1xi32>
      %squeeze3A_1022 = vector.extract %slice3A_1021[0] : i32 from vector<1xi32>
      %and3A_1023 = arith.constant 127 : i32
      %and3A_1024 = arith.andi %squeeze3A_1022, %and3A_1023 : i32
      %broadcast_in_dim3A_1025 = vector.broadcast %and3A_1024 : i32 to vector<16xi32>
      %gather3A_1026 = arith.constant 8 : i32
      %gather3A_1027 = arith.constant 0 : i32
      %gather3A_1028 = arith.constant 0 : i32
      %gather3A_1029 = tpu.memref_slice %arg6[%gather3A_1026, %gather3A_1027, %gather3A_1028] : memref<16x16x128xf32, #tpu.memory_space<vmem>> -> memref<1x16x128xf32, #tpu.memory_space<vmem>>
      %gather3A_1030 = tpu.memref_squeeze %gather3A_1029 : memref<1x16x128xf32, #tpu.memory_space<vmem>> -> memref<16x128xf32, #tpu.memory_space<vmem>>
      %gather3A_1031 = tpu.vector_load_idx %gather3A_1030[%iota3A, %broadcast_in_dim3A_1025] : memref<16x128xf32, #tpu.memory_space<vmem>>[vector<16xi32>, vector<16xi32>], vector<16xf32>,
      %mul3A_1032 = arith.constant 16 : i32
      %mul3A_1033 = arith.muli %mul3A_326, %mul3A_1032 : i32
      %add3A_1034 = arith.constant 8 : i32
      %add3A_1035 = arith.addi %mul3A_1033, %add3A_1034 : i32
      %broadcast_in_dim3A_1036 = vector.broadcast %add3A_1035 : i32 to vector<16xi32>
      tpu.vector_store_idx %arg8[%iota3A, %broadcast_in_dim3A_1036], %gather3A_1031 : memref<16x512xf32, #tpu.memory_space<vmem>>[vector<16xi32>, vector<16xi32>], vector<16xf32>,
      %slice3A_1037 = vector.extract_strided_slice %get3A_895 {offsets = [9], sizes = [1], strides = [1]} : vector<16xi32> to vector<1xi32>
      %squeeze3A_1038 = vector.extract %slice3A_1037[0] : i32 from vector<1xi32>
      %and3A_1039 = arith.constant 127 : i32
      %and3A_1040 = arith.andi %squeeze3A_1038, %and3A_1039 : i32
      %broadcast_in_dim3A_1041 = vector.broadcast %and3A_1040 : i32 to vector<16xi32>
      %gather3A_1042 = arith.constant 9 : i32
      %gather3A_1043 = arith.constant 0 : i32
      %gather3A_1044 = arith.constant 0 : i32
      %gather3A_1045 = tpu.memref_slice %arg6[%gather3A_1042, %gather3A_1043, %gather3A_1044] : memref<16x16x128xf32, #tpu.memory_space<vmem>> -> memref<1x16x128xf32, #tpu.memory_space<vmem>>
      %gather3A_1046 = tpu.memref_squeeze %gather3A_1045 : memref<1x16x128xf32, #tpu.memory_space<vmem>> -> memref<16x128xf32, #tpu.memory_space<vmem>>
      %gather3A_1047 = tpu.vector_load_idx %gather3A_1046[%iota3A, %broadcast_in_dim3A_1041] : memref<16x128xf32, #tpu.memory_space<vmem>>[vector<16xi32>, vector<16xi32>], vector<16xf32>,
      %mul3A_1048 = arith.constant 16 : i32
      %mul3A_1049 = arith.muli %mul3A_326, %mul3A_1048 : i32
      %add3A_1050 = arith.constant 9 : i32
      %add3A_1051 = arith.addi %mul3A_1049, %add3A_1050 : i32
      %broadcast_in_dim3A_1052 = vector.broadcast %add3A_1051 : i32 to vector<16xi32>
      tpu.vector_store_idx %arg8[%iota3A, %broadcast_in_dim3A_1052], %gather3A_1047 : memref<16x512xf32, #tpu.memory_space<vmem>>[vector<16xi32>, vector<16xi32>], vector<16xf32>,
      %slice3A_1053 = vector.extract_strided_slice %get3A_895 {offsets = [10], sizes = [1], strides = [1]} : vector<16xi32> to vector<1xi32>
      %squeeze3A_1054 = vector.extract %slice3A_1053[0] : i32 from vector<1xi32>
      %and3A_1055 = arith.constant 127 : i32
      %and3A_1056 = arith.andi %squeeze3A_1054, %and3A_1055 : i32
      %broadcast_in_dim3A_1057 = vector.broadcast %and3A_1056 : i32 to vector<16xi32>
      %gather3A_1058 = arith.constant 10 : i32
      %gather3A_1059 = arith.constant 0 : i32
      %gather3A_1060 = arith.constant 0 : i32
      %gather3A_1061 = tpu.memref_slice %arg6[%gather3A_1058, %gather3A_1059, %gather3A_1060] : memref<16x16x128xf32, #tpu.memory_space<vmem>> -> memref<1x16x128xf32, #tpu.memory_space<vmem>>
      %gather3A_1062 = tpu.memref_squeeze %gather3A_1061 : memref<1x16x128xf32, #tpu.memory_space<vmem>> -> memref<16x128xf32, #tpu.memory_space<vmem>>
      %gather3A_1063 = tpu.vector_load_idx %gather3A_1062[%iota3A, %broadcast_in_dim3A_1057] : memref<16x128xf32, #tpu.memory_space<vmem>>[vector<16xi32>, vector<16xi32>], vector<16xf32>,
      %mul3A_1064 = arith.constant 16 : i32
      %mul3A_1065 = arith.muli %mul3A_326, %mul3A_1064 : i32
      %add3A_1066 = arith.constant 10 : i32
      %add3A_1067 = arith.addi %mul3A_1065, %add3A_1066 : i32
      %broadcast_in_dim3A_1068 = vector.broadcast %add3A_1067 : i32 to vector<16xi32>
      tpu.vector_store_idx %arg8[%iota3A, %broadcast_in_dim3A_1068], %gather3A_1063 : memref<16x512xf32, #tpu.memory_space<vmem>>[vector<16xi32>, vector<16xi32>], vector<16xf32>,
      %slice3A_1069 = vector.extract_strided_slice %get3A_895 {offsets = [11], sizes = [1], strides = [1]} : vector<16xi32> to vector<1xi32>
      %squeeze3A_1070 = vector.extract %slice3A_1069[0] : i32 from vector<1xi32>
      %and3A_1071 = arith.constant 127 : i32
      %and3A_1072 = arith.andi %squeeze3A_1070, %and3A_1071 : i32
      %broadcast_in_dim3A_1073 = vector.broadcast %and3A_1072 : i32 to vector<16xi32>
      %gather3A_1074 = arith.constant 11 : i32
      %gather3A_1075 = arith.constant 0 : i32
      %gather3A_1076 = arith.constant 0 : i32
      %gather3A_1077 = tpu.memref_slice %arg6[%gather3A_1074, %gather3A_1075, %gather3A_1076] : memref<16x16x128xf32, #tpu.memory_space<vmem>> -> memref<1x16x128xf32, #tpu.memory_space<vmem>>
      %gather3A_1078 = tpu.memref_squeeze %gather3A_1077 : memref<1x16x128xf32, #tpu.memory_space<vmem>> -> memref<16x128xf32, #tpu.memory_space<vmem>>
      %gather3A_1079 = tpu.vector_load_idx %gather3A_1078[%iota3A, %broadcast_in_dim3A_1073] : memref<16x128xf32, #tpu.memory_space<vmem>>[vector<16xi32>, vector<16xi32>], vector<16xf32>,
      %mul3A_1080 = arith.constant 16 : i32
      %mul3A_1081 = arith.muli %mul3A_326, %mul3A_1080 : i32
      %add3A_1082 = arith.constant 11 : i32
      %add3A_1083 = arith.addi %mul3A_1081, %add3A_1082 : i32
      %broadcast_in_dim3A_1084 = vector.broadcast %add3A_1083 : i32 to vector<16xi32>
      tpu.vector_store_idx %arg8[%iota3A, %broadcast_in_dim3A_1084], %gather3A_1079 : memref<16x512xf32, #tpu.memory_space<vmem>>[vector<16xi32>, vector<16xi32>], vector<16xf32>,
      %slice3A_1085 = vector.extract_strided_slice %get3A_895 {offsets = [12], sizes = [1], strides = [1]} : vector<16xi32> to vector<1xi32>
      %squeeze3A_1086 = vector.extract %slice3A_1085[0] : i32 from vector<1xi32>
      %and3A_1087 = arith.constant 127 : i32
      %and3A_1088 = arith.andi %squeeze3A_1086, %and3A_1087 : i32
      %broadcast_in_dim3A_1089 = vector.broadcast %and3A_1088 : i32 to vector<16xi32>
      %gather3A_1090 = arith.constant 12 : i32
      %gather3A_1091 = arith.constant 0 : i32
      %gather3A_1092 = arith.constant 0 : i32
      %gather3A_1093 = tpu.memref_slice %arg6[%gather3A_1090, %gather3A_1091, %gather3A_1092] : memref<16x16x128xf32, #tpu.memory_space<vmem>> -> memref<1x16x128xf32, #tpu.memory_space<vmem>>
      %gather3A_1094 = tpu.memref_squeeze %gather3A_1093 : memref<1x16x128xf32, #tpu.memory_space<vmem>> -> memref<16x128xf32, #tpu.memory_space<vmem>>
      %gather3A_1095 = tpu.vector_load_idx %gather3A_1094[%iota3A, %broadcast_in_dim3A_1089] : memref<16x128xf32, #tpu.memory_space<vmem>>[vector<16xi32>, vector<16xi32>], vector<16xf32>,
      %mul3A_1096 = arith.constant 16 : i32
      %mul3A_1097 = arith.muli %mul3A_326, %mul3A_1096 : i32
      %add3A_1098 = arith.constant 12 : i32
      %add3A_1099 = arith.addi %mul3A_1097, %add3A_1098 : i32
      %broadcast_in_dim3A_1100 = vector.broadcast %add3A_1099 : i32 to vector<16xi32>
      tpu.vector_store_idx %arg8[%iota3A, %broadcast_in_dim3A_1100], %gather3A_1095 : memref<16x512xf32, #tpu.memory_space<vmem>>[vector<16xi32>, vector<16xi32>], vector<16xf32>,
      %slice3A_1101 = vector.extract_strided_slice %get3A_895 {offsets = [13], sizes = [1], strides = [1]} : vector<16xi32> to vector<1xi32>
      %squeeze3A_1102 = vector.extract %slice3A_1101[0] : i32 from vector<1xi32>
      %and3A_1103 = arith.constant 127 : i32
      %and3A_1104 = arith.andi %squeeze3A_1102, %and3A_1103 : i32
      %broadcast_in_dim3A_1105 = vector.broadcast %and3A_1104 : i32 to vector<16xi32>
      %gather3A_1106 = arith.constant 13 : i32
      %gather3A_1107 = arith.constant 0 : i32
      %gather3A_1108 = arith.constant 0 : i32
      %gather3A_1109 = tpu.memref_slice %arg6[%gather3A_1106, %gather3A_1107, %gather3A_1108] : memref<16x16x128xf32, #tpu.memory_space<vmem>> -> memref<1x16x128xf32, #tpu.memory_space<vmem>>
      %gather3A_1110 = tpu.memref_squeeze %gather3A_1109 : memref<1x16x128xf32, #tpu.memory_space<vmem>> -> memref<16x128xf32, #tpu.memory_space<vmem>>
      %gather3A_1111 = tpu.vector_load_idx %gather3A_1110[%iota3A, %broadcast_in_dim3A_1105] : memref<16x128xf32, #tpu.memory_space<vmem>>[vector<16xi32>, vector<16xi32>], vector<16xf32>,
      %mul3A_1112 = arith.constant 16 : i32
      %mul3A_1113 = arith.muli %mul3A_326, %mul3A_1112 : i32
      %add3A_1114 = arith.constant 13 : i32
      %add3A_1115 = arith.addi %mul3A_1113, %add3A_1114 : i32
      %broadcast_in_dim3A_1116 = vector.broadcast %add3A_1115 : i32 to vector<16xi32>
      tpu.vector_store_idx %arg8[%iota3A, %broadcast_in_dim3A_1116], %gather3A_1111 : memref<16x512xf32, #tpu.memory_space<vmem>>[vector<16xi32>, vector<16xi32>], vector<16xf32>,
      %slice3A_1117 = vector.extract_strided_slice %get3A_895 {offsets = [14], sizes = [1], strides = [1]} : vector<16xi32> to vector<1xi32>
      %squeeze3A_1118 = vector.extract %slice3A_1117[0] : i32 from vector<1xi32>
      %and3A_1119 = arith.constant 127 : i32
      %and3A_1120 = arith.andi %squeeze3A_1118, %and3A_1119 : i32
      %broadcast_in_dim3A_1121 = vector.broadcast %and3A_1120 : i32 to vector<16xi32>
      %gather3A_1122 = arith.constant 14 : i32
      %gather3A_1123 = arith.constant 0 : i32
      %gather3A_1124 = arith.constant 0 : i32
      %gather3A_1125 = tpu.memref_slice %arg6[%gather3A_1122, %gather3A_1123, %gather3A_1124] : memref<16x16x128xf32, #tpu.memory_space<vmem>> -> memref<1x16x128xf32, #tpu.memory_space<vmem>>
      %gather3A_1126 = tpu.memref_squeeze %gather3A_1125 : memref<1x16x128xf32, #tpu.memory_space<vmem>> -> memref<16x128xf32, #tpu.memory_space<vmem>>
      %gather3A_1127 = tpu.vector_load_idx %gather3A_1126[%iota3A, %broadcast_in_dim3A_1121] : memref<16x128xf32, #tpu.memory_space<vmem>>[vector<16xi32>, vector<16xi32>], vector<16xf32>,
      %mul3A_1128 = arith.constant 16 : i32
      %mul3A_1129 = arith.muli %mul3A_326, %mul3A_1128 : i32
      %add3A_1130 = arith.constant 14 : i32
      %add3A_1131 = arith.addi %mul3A_1129, %add3A_1130 : i32
      %broadcast_in_dim3A_1132 = vector.broadcast %add3A_1131 : i32 to vector<16xi32>
      tpu.vector_store_idx %arg8[%iota3A, %broadcast_in_dim3A_1132], %gather3A_1127 : memref<16x512xf32, #tpu.memory_space<vmem>>[vector<16xi32>, vector<16xi32>], vector<16xf32>,
      %slice3A_1133 = vector.extract_strided_slice %get3A_895 {offsets = [15], sizes = [1], strides = [1]} : vector<16xi32> to vector<1xi32>
      %squeeze3A_1134 = vector.extract %slice3A_1133[0] : i32 from vector<1xi32>
      %and3A_1135 = arith.constant 127 : i32
      %and3A_1136 = arith.andi %squeeze3A_1134, %and3A_1135 : i32
      %broadcast_in_dim3A_1137 = vector.broadcast %and3A_1136 : i32 to vector<16xi32>
      %gather3A_1138 = arith.constant 15 : i32
      %gather3A_1139 = arith.constant 0 : i32
      %gather3A_1140 = arith.constant 0 : i32
      %gather3A_1141 = tpu.memref_slice %arg6[%gather3A_1138, %gather3A_1139, %gather3A_1140] : memref<16x16x128xf32, #tpu.memory_space<vmem>> -> memref<1x16x128xf32, #tpu.memory_space<vmem>>
      %gather3A_1142 = tpu.memref_squeeze %gather3A_1141 : memref<1x16x128xf32, #tpu.memory_space<vmem>> -> memref<16x128xf32, #tpu.memory_space<vmem>>
      %gather3A_1143 = tpu.vector_load_idx %gather3A_1142[%iota3A, %broadcast_in_dim3A_1137] : memref<16x128xf32, #tpu.memory_space<vmem>>[vector<16xi32>, vector<16xi32>], vector<16xf32>,
      %mul3A_1144 = arith.constant 16 : i32
      %mul3A_1145 = arith.muli %mul3A_326, %mul3A_1144 : i32
      %add3A_1146 = arith.constant 15 : i32
      %add3A_1147 = arith.addi %mul3A_1145, %add3A_1146 : i32
      %broadcast_in_dim3A_1148 = vector.broadcast %add3A_1147 : i32 to vector<16xi32>
      tpu.vector_store_idx %arg8[%iota3A, %broadcast_in_dim3A_1148], %gather3A_1143 : memref<16x512xf32, #tpu.memory_space<vmem>>[vector<16xi32>, vector<16xi32>], vector<16xf32>,
      %lt3A = arith.constant 15 : i32
      %lt3A_1149 = arith.cmpi slt, %scan3A_324, %lt3A : i32
      %convert_element_type3A = arith.extui %lt3A_1149 : i1 to i32
      %cond3A = arith.constant 0 : i32
      %cond3A_1150 = arith.cmpi ne, %convert_element_type3A, %cond3A : i32
      scf.if %cond3A_1150 {
        %add3A_1653 = arith.constant 2 : i32
        %add3A_1654 = arith.addi %mul3A_326, %add3A_1653 : i32
        %mul3A_1655 = arith.constant 16 : i32
        %mul3A_1656 = arith.muli %add3A_1654, %mul3A_1655 : i32
        %get3A_1657 = arith.index_cast %mul3A_1656 : i32 to index
        %get3A_1658 = tpu.vector_load %arg5[%get3A_1657] {strides = array<i32>} : memref<512xi32, #tpu.memory_space<vmem>>, vector<16xi32>,
        %slice3A_1659 = vector.extract_strided_slice %get3A_1658 {offsets = [0], sizes = [1], strides = [1]} : vector<16xi32> to vector<1xi32>
        %squeeze3A_1660 = vector.extract %slice3A_1659[0] : i32 from vector<1xi32>
        %shift_right_arithmetic3A_1661 = arith.constant 7 : i32
        %shift_right_arithmetic3A_1662 = arith.shrsi %squeeze3A_1660, %shift_right_arithmetic3A_1661 : i32
        %mul3A_1663 = arith.constant 128 : i32
        %mul3A_1664 = arith.muli %shift_right_arithmetic3A_1662, %mul3A_1663 : i32
        %multiple_of3A_1665 = tpu.assume_multiple %mul3A_1664, 128 : i32
        %dma_start3A_1666 = arith.constant 0 : i32
        %dma_start3A_1667 = arith.constant 0 : i32
        %dma_start3A_1668 = arith.constant 0 : i32
        %dma_start3A_1669 = tpu.memref_slice %arg6[%dma_start3A_1666, %dma_start3A_1667, %dma_start3A_1668] : memref<16x16x128xf32, #tpu.memory_space<vmem>> -> memref<1x16x128xf32, #tpu.memory_space<vmem>>
        %dma_start3A_1670 = tpu.memref_squeeze %dma_start3A_1669 : memref<1x16x128xf32, #tpu.memory_space<vmem>> -> memref<16x128xf32, #tpu.memory_space<vmem>>
        %dma_start3A_1671 = arith.constant 0 : i32
        %dma_start3A_1672 = tpu.memref_slice %arg2[%dma_start3A_1671, %multiple_of3A_1665] : memref<16x1000000xf32, #tpu.memory_space<hbm>> -> memref<16x128xf32, #tpu.memory_space<hbm>>
        %dma_start3A_1673 = arith.constant 0 : i32
        %dma_start3A_1674 = arith.constant 0 : i32
        %dma_start3A_1675 = tpu.memref_slice %arg6[%dma_start3A_1666, %dma_start3A_1673, %dma_start3A_1674] : memref<16x16x128xf32, #tpu.memory_space<vmem>> -> memref<1x16x128xf32, #tpu.memory_space<vmem>>
        %dma_start3A_1676 = tpu.memref_squeeze %dma_start3A_1675 : memref<1x16x128xf32, #tpu.memory_space<vmem>> -> memref<16x128xf32, #tpu.memory_space<vmem>>
        %dma_start3A_1677 = arith.constant 0 : i32
        %dma_start3A_1678 = tpu.memref_slice %arg2[%dma_start3A_1677, %multiple_of3A_1665] : memref<16x1000000xf32, #tpu.memory_space<hbm>> -> memref<16x128xf32, #tpu.memory_space<hbm>>
        tpu.enqueue_dma source(%dma_start3A_1678 : memref<16x128xf32, #tpu.memory_space<hbm>>) target(%dma_start3A_1676 : memref<16x128xf32, #tpu.memory_space<vmem>>) target_semaphore(%arg9 : memref<!tpu.dma_semaphore, #tpu.memory_space<semaphore_mem>>)
        %slice3A_1679 = vector.extract_strided_slice %get3A_1658 {offsets = [1], sizes = [1], strides = [1]} : vector<16xi32> to vector<1xi32>
        %squeeze3A_1680 = vector.extract %slice3A_1679[0] : i32 from vector<1xi32>
        %shift_right_arithmetic3A_1681 = arith.constant 7 : i32
        %shift_right_arithmetic3A_1682 = arith.shrsi %squeeze3A_1680, %shift_right_arithmetic3A_1681 : i32
        %mul3A_1683 = arith.constant 128 : i32
        %mul3A_1684 = arith.muli %shift_right_arithmetic3A_1682, %mul3A_1683 : i32
        %multiple_of3A_1685 = tpu.assume_multiple %mul3A_1684, 128 : i32
        %dma_start3A_1686 = arith.constant 1 : i32
        %dma_start3A_1687 = arith.constant 0 : i32
        %dma_start3A_1688 = arith.constant 0 : i32
        %dma_start3A_1689 = tpu.memref_slice %arg6[%dma_start3A_1686, %dma_start3A_1687, %dma_start3A_1688] : memref<16x16x128xf32, #tpu.memory_space<vmem>> -> memref<1x16x128xf32, #tpu.memory_space<vmem>>
        %dma_start3A_1690 = tpu.memref_squeeze %dma_start3A_1689 : memref<1x16x128xf32, #tpu.memory_space<vmem>> -> memref<16x128xf32, #tpu.memory_space<vmem>>
        %dma_start3A_1691 = arith.constant 0 : i32
        %dma_start3A_1692 = tpu.memref_slice %arg2[%dma_start3A_1691, %multiple_of3A_1685] : memref<16x1000000xf32, #tpu.memory_space<hbm>> -> memref<16x128xf32, #tpu.memory_space<hbm>>
        %dma_start3A_1693 = arith.constant 0 : i32
        %dma_start3A_1694 = arith.constant 0 : i32
        %dma_start3A_1695 = tpu.memref_slice %arg6[%dma_start3A_1686, %dma_start3A_1693, %dma_start3A_1694] : memref<16x16x128xf32, #tpu.memory_space<vmem>> -> memref<1x16x128xf32, #tpu.memory_space<vmem>>
        %dma_start3A_1696 = tpu.memref_squeeze %dma_start3A_1695 : memref<1x16x128xf32, #tpu.memory_space<vmem>> -> memref<16x128xf32, #tpu.memory_space<vmem>>
        %dma_start3A_1697 = arith.constant 0 : i32
        %dma_start3A_1698 = tpu.memref_slice %arg2[%dma_start3A_1697, %multiple_of3A_1685] : memref<16x1000000xf32, #tpu.memory_space<hbm>> -> memref<16x128xf32, #tpu.memory_space<hbm>>
        tpu.enqueue_dma source(%dma_start3A_1698 : memref<16x128xf32, #tpu.memory_space<hbm>>) target(%dma_start3A_1696 : memref<16x128xf32, #tpu.memory_space<vmem>>) target_semaphore(%arg9 : memref<!tpu.dma_semaphore, #tpu.memory_space<semaphore_mem>>)
        %slice3A_1699 = vector.extract_strided_slice %get3A_1658 {offsets = [2], sizes = [1], strides = [1]} : vector<16xi32> to vector<1xi32>
        %squeeze3A_1700 = vector.extract %slice3A_1699[0] : i32 from vector<1xi32>
        %shift_right_arithmetic3A_1701 = arith.constant 7 : i32
        %shift_right_arithmetic3A_1702 = arith.shrsi %squeeze3A_1700, %shift_right_arithmetic3A_1701 : i32
        %mul3A_1703 = arith.constant 128 : i32
        %mul3A_1704 = arith.muli %shift_right_arithmetic3A_1702, %mul3A_1703 : i32
        %multiple_of3A_1705 = tpu.assume_multiple %mul3A_1704, 128 : i32
        %dma_start3A_1706 = arith.constant 2 : i32
        %dma_start3A_1707 = arith.constant 0 : i32
        %dma_start3A_1708 = arith.constant 0 : i32
        %dma_start3A_1709 = tpu.memref_slice %arg6[%dma_start3A_1706, %dma_start3A_1707, %dma_start3A_1708] : memref<16x16x128xf32, #tpu.memory_space<vmem>> -> memref<1x16x128xf32, #tpu.memory_space<vmem>>
        %dma_start3A_1710 = tpu.memref_squeeze %dma_start3A_1709 : memref<1x16x128xf32, #tpu.memory_space<vmem>> -> memref<16x128xf32, #tpu.memory_space<vmem>>
        %dma_start3A_1711 = arith.constant 0 : i32
        %dma_start3A_1712 = tpu.memref_slice %arg2[%dma_start3A_1711, %multiple_of3A_1705] : memref<16x1000000xf32, #tpu.memory_space<hbm>> -> memref<16x128xf32, #tpu.memory_space<hbm>>
        %dma_start3A_1713 = arith.constant 0 : i32
        %dma_start3A_1714 = arith.constant 0 : i32
        %dma_start3A_1715 = tpu.memref_slice %arg6[%dma_start3A_1706, %dma_start3A_1713, %dma_start3A_1714] : memref<16x16x128xf32, #tpu.memory_space<vmem>> -> memref<1x16x128xf32, #tpu.memory_space<vmem>>
        %dma_start3A_1716 = tpu.memref_squeeze %dma_start3A_1715 : memref<1x16x128xf32, #tpu.memory_space<vmem>> -> memref<16x128xf32, #tpu.memory_space<vmem>>
        %dma_start3A_1717 = arith.constant 0 : i32
        %dma_start3A_1718 = tpu.memref_slice %arg2[%dma_start3A_1717, %multiple_of3A_1705] : memref<16x1000000xf32, #tpu.memory_space<hbm>> -> memref<16x128xf32, #tpu.memory_space<hbm>>
        tpu.enqueue_dma source(%dma_start3A_1718 : memref<16x128xf32, #tpu.memory_space<hbm>>) target(%dma_start3A_1716 : memref<16x128xf32, #tpu.memory_space<vmem>>) target_semaphore(%arg9 : memref<!tpu.dma_semaphore, #tpu.memory_space<semaphore_mem>>)
        %slice3A_1719 = vector.extract_strided_slice %get3A_1658 {offsets = [3], sizes = [1], strides = [1]} : vector<16xi32> to vector<1xi32>
        %squeeze3A_1720 = vector.extract %slice3A_1719[0] : i32 from vector<1xi32>
        %shift_right_arithmetic3A_1721 = arith.constant 7 : i32
        %shift_right_arithmetic3A_1722 = arith.shrsi %squeeze3A_1720, %shift_right_arithmetic3A_1721 : i32
        %mul3A_1723 = arith.constant 128 : i32
        %mul3A_1724 = arith.muli %shift_right_arithmetic3A_1722, %mul3A_1723 : i32
        %multiple_of3A_1725 = tpu.assume_multiple %mul3A_1724, 128 : i32
        %dma_start3A_1726 = arith.constant 3 : i32
        %dma_start3A_1727 = arith.constant 0 : i32
        %dma_start3A_1728 = arith.constant 0 : i32
        %dma_start3A_1729 = tpu.memref_slice %arg6[%dma_start3A_1726, %dma_start3A_1727, %dma_start3A_1728] : memref<16x16x128xf32, #tpu.memory_space<vmem>> -> memref<1x16x128xf32, #tpu.memory_space<vmem>>
        %dma_start3A_1730 = tpu.memref_squeeze %dma_start3A_1729 : memref<1x16x128xf32, #tpu.memory_space<vmem>> -> memref<16x128xf32, #tpu.memory_space<vmem>>
        %dma_start3A_1731 = arith.constant 0 : i32
        %dma_start3A_1732 = tpu.memref_slice %arg2[%dma_start3A_1731, %multiple_of3A_1725] : memref<16x1000000xf32, #tpu.memory_space<hbm>> -> memref<16x128xf32, #tpu.memory_space<hbm>>
        %dma_start3A_1733 = arith.constant 0 : i32
        %dma_start3A_1734 = arith.constant 0 : i32
        %dma_start3A_1735 = tpu.memref_slice %arg6[%dma_start3A_1726, %dma_start3A_1733, %dma_start3A_1734] : memref<16x16x128xf32, #tpu.memory_space<vmem>> -> memref<1x16x128xf32, #tpu.memory_space<vmem>>
        %dma_start3A_1736 = tpu.memref_squeeze %dma_start3A_1735 : memref<1x16x128xf32, #tpu.memory_space<vmem>> -> memref<16x128xf32, #tpu.memory_space<vmem>>
        %dma_start3A_1737 = arith.constant 0 : i32
        %dma_start3A_1738 = tpu.memref_slice %arg2[%dma_start3A_1737, %multiple_of3A_1725] : memref<16x1000000xf32, #tpu.memory_space<hbm>> -> memref<16x128xf32, #tpu.memory_space<hbm>>
        tpu.enqueue_dma source(%dma_start3A_1738 : memref<16x128xf32, #tpu.memory_space<hbm>>) target(%dma_start3A_1736 : memref<16x128xf32, #tpu.memory_space<vmem>>) target_semaphore(%arg9 : memref<!tpu.dma_semaphore, #tpu.memory_space<semaphore_mem>>)
        %slice3A_1739 = vector.extract_strided_slice %get3A_1658 {offsets = [4], sizes = [1], strides = [1]} : vector<16xi32> to vector<1xi32>
        %squeeze3A_1740 = vector.extract %slice3A_1739[0] : i32 from vector<1xi32>
        %shift_right_arithmetic3A_1741 = arith.constant 7 : i32
        %shift_right_arithmetic3A_1742 = arith.shrsi %squeeze3A_1740, %shift_right_arithmetic3A_1741 : i32
        %mul3A_1743 = arith.constant 128 : i32
        %mul3A_1744 = arith.muli %shift_right_arithmetic3A_1742, %mul3A_1743 : i32
        %multiple_of3A_1745 = tpu.assume_multiple %mul3A_1744, 128 : i32
        %dma_start3A_1746 = arith.constant 4 : i32
        %dma_start3A_1747 = arith.constant 0 : i32
        %dma_start3A_1748 = arith.constant 0 : i32
        %dma_start3A_1749 = tpu.memref_slice %arg6[%dma_start3A_1746, %dma_start3A_1747, %dma_start3A_1748] : memref<16x16x128xf32, #tpu.memory_space<vmem>> -> memref<1x16x128xf32, #tpu.memory_space<vmem>>
        %dma_start3A_1750 = tpu.memref_squeeze %dma_start3A_1749 : memref<1x16x128xf32, #tpu.memory_space<vmem>> -> memref<16x128xf32, #tpu.memory_space<vmem>>
        %dma_start3A_1751 = arith.constant 0 : i32
        %dma_start3A_1752 = tpu.memref_slice %arg2[%dma_start3A_1751, %multiple_of3A_1745] : memref<16x1000000xf32, #tpu.memory_space<hbm>> -> memref<16x128xf32, #tpu.memory_space<hbm>>
        %dma_start3A_1753 = arith.constant 0 : i32
        %dma_start3A_1754 = arith.constant 0 : i32
        %dma_start3A_1755 = tpu.memref_slice %arg6[%dma_start3A_1746, %dma_start3A_1753, %dma_start3A_1754] : memref<16x16x128xf32, #tpu.memory_space<vmem>> -> memref<1x16x128xf32, #tpu.memory_space<vmem>>
        %dma_start3A_1756 = tpu.memref_squeeze %dma_start3A_1755 : memref<1x16x128xf32, #tpu.memory_space<vmem>> -> memref<16x128xf32, #tpu.memory_space<vmem>>
        %dma_start3A_1757 = arith.constant 0 : i32
        %dma_start3A_1758 = tpu.memref_slice %arg2[%dma_start3A_1757, %multiple_of3A_1745] : memref<16x1000000xf32, #tpu.memory_space<hbm>> -> memref<16x128xf32, #tpu.memory_space<hbm>>
        tpu.enqueue_dma source(%dma_start3A_1758 : memref<16x128xf32, #tpu.memory_space<hbm>>) target(%dma_start3A_1756 : memref<16x128xf32, #tpu.memory_space<vmem>>) target_semaphore(%arg9 : memref<!tpu.dma_semaphore, #tpu.memory_space<semaphore_mem>>)
        %slice3A_1759 = vector.extract_strided_slice %get3A_1658 {offsets = [5], sizes = [1], strides = [1]} : vector<16xi32> to vector<1xi32>
        %squeeze3A_1760 = vector.extract %slice3A_1759[0] : i32 from vector<1xi32>
        %shift_right_arithmetic3A_1761 = arith.constant 7 : i32
        %shift_right_arithmetic3A_1762 = arith.shrsi %squeeze3A_1760, %shift_right_arithmetic3A_1761 : i32
        %mul3A_1763 = arith.constant 128 : i32
        %mul3A_1764 = arith.muli %shift_right_arithmetic3A_1762, %mul3A_1763 : i32
        %multiple_of3A_1765 = tpu.assume_multiple %mul3A_1764, 128 : i32
        %dma_start3A_1766 = arith.constant 5 : i32
        %dma_start3A_1767 = arith.constant 0 : i32
        %dma_start3A_1768 = arith.constant 0 : i32
        %dma_start3A_1769 = tpu.memref_slice %arg6[%dma_start3A_1766, %dma_start3A_1767, %dma_start3A_1768] : memref<16x16x128xf32, #tpu.memory_space<vmem>> -> memref<1x16x128xf32, #tpu.memory_space<vmem>>
        %dma_start3A_1770 = tpu.memref_squeeze %dma_start3A_1769 : memref<1x16x128xf32, #tpu.memory_space<vmem>> -> memref<16x128xf32, #tpu.memory_space<vmem>>
        %dma_start3A_1771 = arith.constant 0 : i32
        %dma_start3A_1772 = tpu.memref_slice %arg2[%dma_start3A_1771, %multiple_of3A_1765] : memref<16x1000000xf32, #tpu.memory_space<hbm>> -> memref<16x128xf32, #tpu.memory_space<hbm>>
        %dma_start3A_1773 = arith.constant 0 : i32
        %dma_start3A_1774 = arith.constant 0 : i32
        %dma_start3A_1775 = tpu.memref_slice %arg6[%dma_start3A_1766, %dma_start3A_1773, %dma_start3A_1774] : memref<16x16x128xf32, #tpu.memory_space<vmem>> -> memref<1x16x128xf32, #tpu.memory_space<vmem>>
        %dma_start3A_1776 = tpu.memref_squeeze %dma_start3A_1775 : memref<1x16x128xf32, #tpu.memory_space<vmem>> -> memref<16x128xf32, #tpu.memory_space<vmem>>
        %dma_start3A_1777 = arith.constant 0 : i32
        %dma_start3A_1778 = tpu.memref_slice %arg2[%dma_start3A_1777, %multiple_of3A_1765] : memref<16x1000000xf32, #tpu.memory_space<hbm>> -> memref<16x128xf32, #tpu.memory_space<hbm>>
        tpu.enqueue_dma source(%dma_start3A_1778 : memref<16x128xf32, #tpu.memory_space<hbm>>) target(%dma_start3A_1776 : memref<16x128xf32, #tpu.memory_space<vmem>>) target_semaphore(%arg9 : memref<!tpu.dma_semaphore, #tpu.memory_space<semaphore_mem>>)
        %slice3A_1779 = vector.extract_strided_slice %get3A_1658 {offsets = [6], sizes = [1], strides = [1]} : vector<16xi32> to vector<1xi32>
        %squeeze3A_1780 = vector.extract %slice3A_1779[0] : i32 from vector<1xi32>
        %shift_right_arithmetic3A_1781 = arith.constant 7 : i32
        %shift_right_arithmetic3A_1782 = arith.shrsi %squeeze3A_1780, %shift_right_arithmetic3A_1781 : i32
        %mul3A_1783 = arith.constant 128 : i32
        %mul3A_1784 = arith.muli %shift_right_arithmetic3A_1782, %mul3A_1783 : i32
        %multiple_of3A_1785 = tpu.assume_multiple %mul3A_1784, 128 : i32
        %dma_start3A_1786 = arith.constant 6 : i32
        %dma_start3A_1787 = arith.constant 0 : i32
        %dma_start3A_1788 = arith.constant 0 : i32
        %dma_start3A_1789 = tpu.memref_slice %arg6[%dma_start3A_1786, %dma_start3A_1787, %dma_start3A_1788] : memref<16x16x128xf32, #tpu.memory_space<vmem>> -> memref<1x16x128xf32, #tpu.memory_space<vmem>>
        %dma_start3A_1790 = tpu.memref_squeeze %dma_start3A_1789 : memref<1x16x128xf32, #tpu.memory_space<vmem>> -> memref<16x128xf32, #tpu.memory_space<vmem>>
        %dma_start3A_1791 = arith.constant 0 : i32
        %dma_start3A_1792 = tpu.memref_slice %arg2[%dma_start3A_1791, %multiple_of3A_1785] : memref<16x1000000xf32, #tpu.memory_space<hbm>> -> memref<16x128xf32, #tpu.memory_space<hbm>>
        %dma_start3A_1793 = arith.constant 0 : i32
        %dma_start3A_1794 = arith.constant 0 : i32
        %dma_start3A_1795 = tpu.memref_slice %arg6[%dma_start3A_1786, %dma_start3A_1793, %dma_start3A_1794] : memref<16x16x128xf32, #tpu.memory_space<vmem>> -> memref<1x16x128xf32, #tpu.memory_space<vmem>>
        %dma_start3A_1796 = tpu.memref_squeeze %dma_start3A_1795 : memref<1x16x128xf32, #tpu.memory_space<vmem>> -> memref<16x128xf32, #tpu.memory_space<vmem>>
        %dma_start3A_1797 = arith.constant 0 : i32
        %dma_start3A_1798 = tpu.memref_slice %arg2[%dma_start3A_1797, %multiple_of3A_1785] : memref<16x1000000xf32, #tpu.memory_space<hbm>> -> memref<16x128xf32, #tpu.memory_space<hbm>>
        tpu.enqueue_dma source(%dma_start3A_1798 : memref<16x128xf32, #tpu.memory_space<hbm>>) target(%dma_start3A_1796 : memref<16x128xf32, #tpu.memory_space<vmem>>) target_semaphore(%arg9 : memref<!tpu.dma_semaphore, #tpu.memory_space<semaphore_mem>>)
        %slice3A_1799 = vector.extract_strided_slice %get3A_1658 {offsets = [7], sizes = [1], strides = [1]} : vector<16xi32> to vector<1xi32>
        %squeeze3A_1800 = vector.extract %slice3A_1799[0] : i32 from vector<1xi32>
        %shift_right_arithmetic3A_1801 = arith.constant 7 : i32
        %shift_right_arithmetic3A_1802 = arith.shrsi %squeeze3A_1800, %shift_right_arithmetic3A_1801 : i32
        %mul3A_1803 = arith.constant 128 : i32
        %mul3A_1804 = arith.muli %shift_right_arithmetic3A_1802, %mul3A_1803 : i32
        %multiple_of3A_1805 = tpu.assume_multiple %mul3A_1804, 128 : i32
        %dma_start3A_1806 = arith.constant 7 : i32
        %dma_start3A_1807 = arith.constant 0 : i32
        %dma_start3A_1808 = arith.constant 0 : i32
        %dma_start3A_1809 = tpu.memref_slice %arg6[%dma_start3A_1806, %dma_start3A_1807, %dma_start3A_1808] : memref<16x16x128xf32, #tpu.memory_space<vmem>> -> memref<1x16x128xf32, #tpu.memory_space<vmem>>
        %dma_start3A_1810 = tpu.memref_squeeze %dma_start3A_1809 : memref<1x16x128xf32, #tpu.memory_space<vmem>> -> memref<16x128xf32, #tpu.memory_space<vmem>>
        %dma_start3A_1811 = arith.constant 0 : i32
        %dma_start3A_1812 = tpu.memref_slice %arg2[%dma_start3A_1811, %multiple_of3A_1805] : memref<16x1000000xf32, #tpu.memory_space<hbm>> -> memref<16x128xf32, #tpu.memory_space<hbm>>
        %dma_start3A_1813 = arith.constant 0 : i32
        %dma_start3A_1814 = arith.constant 0 : i32
        %dma_start3A_1815 = tpu.memref_slice %arg6[%dma_start3A_1806, %dma_start3A_1813, %dma_start3A_1814] : memref<16x16x128xf32, #tpu.memory_space<vmem>> -> memref<1x16x128xf32, #tpu.memory_space<vmem>>
        %dma_start3A_1816 = tpu.memref_squeeze %dma_start3A_1815 : memref<1x16x128xf32, #tpu.memory_space<vmem>> -> memref<16x128xf32, #tpu.memory_space<vmem>>
        %dma_start3A_1817 = arith.constant 0 : i32
        %dma_start3A_1818 = tpu.memref_slice %arg2[%dma_start3A_1817, %multiple_of3A_1805] : memref<16x1000000xf32, #tpu.memory_space<hbm>> -> memref<16x128xf32, #tpu.memory_space<hbm>>
        tpu.enqueue_dma source(%dma_start3A_1818 : memref<16x128xf32, #tpu.memory_space<hbm>>) target(%dma_start3A_1816 : memref<16x128xf32, #tpu.memory_space<vmem>>) target_semaphore(%arg9 : memref<!tpu.dma_semaphore, #tpu.memory_space<semaphore_mem>>)
        %slice3A_1819 = vector.extract_strided_slice %get3A_1658 {offsets = [8], sizes = [1], strides = [1]} : vector<16xi32> to vector<1xi32>
        %squeeze3A_1820 = vector.extract %slice3A_1819[0] : i32 from vector<1xi32>
        %shift_right_arithmetic3A_1821 = arith.constant 7 : i32
        %shift_right_arithmetic3A_1822 = arith.shrsi %squeeze3A_1820, %shift_right_arithmetic3A_1821 : i32
        %mul3A_1823 = arith.constant 128 : i32
        %mul3A_1824 = arith.muli %shift_right_arithmetic3A_1822, %mul3A_1823 : i32
        %multiple_of3A_1825 = tpu.assume_multiple %mul3A_1824, 128 : i32
        %dma_start3A_1826 = arith.constant 8 : i32
        %dma_start3A_1827 = arith.constant 0 : i32
        %dma_start3A_1828 = arith.constant 0 : i32
        %dma_start3A_1829 = tpu.memref_slice %arg6[%dma_start3A_1826, %dma_start3A_1827, %dma_start3A_1828] : memref<16x16x128xf32, #tpu.memory_space<vmem>> -> memref<1x16x128xf32, #tpu.memory_space<vmem>>
        %dma_start3A_1830 = tpu.memref_squeeze %dma_start3A_1829 : memref<1x16x128xf32, #tpu.memory_space<vmem>> -> memref<16x128xf32, #tpu.memory_space<vmem>>
        %dma_start3A_1831 = arith.constant 0 : i32
        %dma_start3A_1832 = tpu.memref_slice %arg2[%dma_start3A_1831, %multiple_of3A_1825] : memref<16x1000000xf32, #tpu.memory_space<hbm>> -> memref<16x128xf32, #tpu.memory_space<hbm>>
        %dma_start3A_1833 = arith.constant 0 : i32
        %dma_start3A_1834 = arith.constant 0 : i32
        %dma_start3A_1835 = tpu.memref_slice %arg6[%dma_start3A_1826, %dma_start3A_1833, %dma_start3A_1834] : memref<16x16x128xf32, #tpu.memory_space<vmem>> -> memref<1x16x128xf32, #tpu.memory_space<vmem>>
        %dma_start3A_1836 = tpu.memref_squeeze %dma_start3A_1835 : memref<1x16x128xf32, #tpu.memory_space<vmem>> -> memref<16x128xf32, #tpu.memory_space<vmem>>
        %dma_start3A_1837 = arith.constant 0 : i32
        %dma_start3A_1838 = tpu.memref_slice %arg2[%dma_start3A_1837, %multiple_of3A_1825] : memref<16x1000000xf32, #tpu.memory_space<hbm>> -> memref<16x128xf32, #tpu.memory_space<hbm>>
        tpu.enqueue_dma source(%dma_start3A_1838 : memref<16x128xf32, #tpu.memory_space<hbm>>) target(%dma_start3A_1836 : memref<16x128xf32, #tpu.memory_space<vmem>>) target_semaphore(%arg9 : memref<!tpu.dma_semaphore, #tpu.memory_space<semaphore_mem>>)
        %slice3A_1839 = vector.extract_strided_slice %get3A_1658 {offsets = [9], sizes = [1], strides = [1]} : vector<16xi32> to vector<1xi32>
        %squeeze3A_1840 = vector.extract %slice3A_1839[0] : i32 from vector<1xi32>
        %shift_right_arithmetic3A_1841 = arith.constant 7 : i32
        %shift_right_arithmetic3A_1842 = arith.shrsi %squeeze3A_1840, %shift_right_arithmetic3A_1841 : i32
        %mul3A_1843 = arith.constant 128 : i32
        %mul3A_1844 = arith.muli %shift_right_arithmetic3A_1842, %mul3A_1843 : i32
        %multiple_of3A_1845 = tpu.assume_multiple %mul3A_1844, 128 : i32
        %dma_start3A_1846 = arith.constant 9 : i32
        %dma_start3A_1847 = arith.constant 0 : i32
        %dma_start3A_1848 = arith.constant 0 : i32
        %dma_start3A_1849 = tpu.memref_slice %arg6[%dma_start3A_1846, %dma_start3A_1847, %dma_start3A_1848] : memref<16x16x128xf32, #tpu.memory_space<vmem>> -> memref<1x16x128xf32, #tpu.memory_space<vmem>>
        %dma_start3A_1850 = tpu.memref_squeeze %dma_start3A_1849 : memref<1x16x128xf32, #tpu.memory_space<vmem>> -> memref<16x128xf32, #tpu.memory_space<vmem>>
        %dma_start3A_1851 = arith.constant 0 : i32
        %dma_start3A_1852 = tpu.memref_slice %arg2[%dma_start3A_1851, %multiple_of3A_1845] : memref<16x1000000xf32, #tpu.memory_space<hbm>> -> memref<16x128xf32, #tpu.memory_space<hbm>>
        %dma_start3A_1853 = arith.constant 0 : i32
        %dma_start3A_1854 = arith.constant 0 : i32
        %dma_start3A_1855 = tpu.memref_slice %arg6[%dma_start3A_1846, %dma_start3A_1853, %dma_start3A_1854] : memref<16x16x128xf32, #tpu.memory_space<vmem>> -> memref<1x16x128xf32, #tpu.memory_space<vmem>>
        %dma_start3A_1856 = tpu.memref_squeeze %dma_start3A_1855 : memref<1x16x128xf32, #tpu.memory_space<vmem>> -> memref<16x128xf32, #tpu.memory_space<vmem>>
        %dma_start3A_1857 = arith.constant 0 : i32
        %dma_start3A_1858 = tpu.memref_slice %arg2[%dma_start3A_1857, %multiple_of3A_1845] : memref<16x1000000xf32, #tpu.memory_space<hbm>> -> memref<16x128xf32, #tpu.memory_space<hbm>>
        tpu.enqueue_dma source(%dma_start3A_1858 : memref<16x128xf32, #tpu.memory_space<hbm>>) target(%dma_start3A_1856 : memref<16x128xf32, #tpu.memory_space<vmem>>) target_semaphore(%arg9 : memref<!tpu.dma_semaphore, #tpu.memory_space<semaphore_mem>>)
        %slice3A_1859 = vector.extract_strided_slice %get3A_1658 {offsets = [10], sizes = [1], strides = [1]} : vector<16xi32> to vector<1xi32>
        %squeeze3A_1860 = vector.extract %slice3A_1859[0] : i32 from vector<1xi32>
        %shift_right_arithmetic3A_1861 = arith.constant 7 : i32
        %shift_right_arithmetic3A_1862 = arith.shrsi %squeeze3A_1860, %shift_right_arithmetic3A_1861 : i32
        %mul3A_1863 = arith.constant 128 : i32
        %mul3A_1864 = arith.muli %shift_right_arithmetic3A_1862, %mul3A_1863 : i32
        %multiple_of3A_1865 = tpu.assume_multiple %mul3A_1864, 128 : i32
        %dma_start3A_1866 = arith.constant 10 : i32
        %dma_start3A_1867 = arith.constant 0 : i32
        %dma_start3A_1868 = arith.constant 0 : i32
        %dma_start3A_1869 = tpu.memref_slice %arg6[%dma_start3A_1866, %dma_start3A_1867, %dma_start3A_1868] : memref<16x16x128xf32, #tpu.memory_space<vmem>> -> memref<1x16x128xf32, #tpu.memory_space<vmem>>
        %dma_start3A_1870 = tpu.memref_squeeze %dma_start3A_1869 : memref<1x16x128xf32, #tpu.memory_space<vmem>> -> memref<16x128xf32, #tpu.memory_space<vmem>>
        %dma_start3A_1871 = arith.constant 0 : i32
        %dma_start3A_1872 = tpu.memref_slice %arg2[%dma_start3A_1871, %multiple_of3A_1865] : memref<16x1000000xf32, #tpu.memory_space<hbm>> -> memref<16x128xf32, #tpu.memory_space<hbm>>
        %dma_start3A_1873 = arith.constant 0 : i32
        %dma_start3A_1874 = arith.constant 0 : i32
        %dma_start3A_1875 = tpu.memref_slice %arg6[%dma_start3A_1866, %dma_start3A_1873, %dma_start3A_1874] : memref<16x16x128xf32, #tpu.memory_space<vmem>> -> memref<1x16x128xf32, #tpu.memory_space<vmem>>
        %dma_start3A_1876 = tpu.memref_squeeze %dma_start3A_1875 : memref<1x16x128xf32, #tpu.memory_space<vmem>> -> memref<16x128xf32, #tpu.memory_space<vmem>>
        %dma_start3A_1877 = arith.constant 0 : i32
        %dma_start3A_1878 = tpu.memref_slice %arg2[%dma_start3A_1877, %multiple_of3A_1865] : memref<16x1000000xf32, #tpu.memory_space<hbm>> -> memref<16x128xf32, #tpu.memory_space<hbm>>
        tpu.enqueue_dma source(%dma_start3A_1878 : memref<16x128xf32, #tpu.memory_space<hbm>>) target(%dma_start3A_1876 : memref<16x128xf32, #tpu.memory_space<vmem>>) target_semaphore(%arg9 : memref<!tpu.dma_semaphore, #tpu.memory_space<semaphore_mem>>)
        %slice3A_1879 = vector.extract_strided_slice %get3A_1658 {offsets = [11], sizes = [1], strides = [1]} : vector<16xi32> to vector<1xi32>
        %squeeze3A_1880 = vector.extract %slice3A_1879[0] : i32 from vector<1xi32>
        %shift_right_arithmetic3A_1881 = arith.constant 7 : i32
        %shift_right_arithmetic3A_1882 = arith.shrsi %squeeze3A_1880, %shift_right_arithmetic3A_1881 : i32
        %mul3A_1883 = arith.constant 128 : i32
        %mul3A_1884 = arith.muli %shift_right_arithmetic3A_1882, %mul3A_1883 : i32
        %multiple_of3A_1885 = tpu.assume_multiple %mul3A_1884, 128 : i32
        %dma_start3A_1886 = arith.constant 11 : i32
        %dma_start3A_1887 = arith.constant 0 : i32
        %dma_start3A_1888 = arith.constant 0 : i32
        %dma_start3A_1889 = tpu.memref_slice %arg6[%dma_start3A_1886, %dma_start3A_1887, %dma_start3A_1888] : memref<16x16x128xf32, #tpu.memory_space<vmem>> -> memref<1x16x128xf32, #tpu.memory_space<vmem>>
        %dma_start3A_1890 = tpu.memref_squeeze %dma_start3A_1889 : memref<1x16x128xf32, #tpu.memory_space<vmem>> -> memref<16x128xf32, #tpu.memory_space<vmem>>
        %dma_start3A_1891 = arith.constant 0 : i32
        %dma_start3A_1892 = tpu.memref_slice %arg2[%dma_start3A_1891, %multiple_of3A_1885] : memref<16x1000000xf32, #tpu.memory_space<hbm>> -> memref<16x128xf32, #tpu.memory_space<hbm>>
        %dma_start3A_1893 = arith.constant 0 : i32
        %dma_start3A_1894 = arith.constant 0 : i32
        %dma_start3A_1895 = tpu.memref_slice %arg6[%dma_start3A_1886, %dma_start3A_1893, %dma_start3A_1894] : memref<16x16x128xf32, #tpu.memory_space<vmem>> -> memref<1x16x128xf32, #tpu.memory_space<vmem>>
        %dma_start3A_1896 = tpu.memref_squeeze %dma_start3A_1895 : memref<1x16x128xf32, #tpu.memory_space<vmem>> -> memref<16x128xf32, #tpu.memory_space<vmem>>
        %dma_start3A_1897 = arith.constant 0 : i32
        %dma_start3A_1898 = tpu.memref_slice %arg2[%dma_start3A_1897, %multiple_of3A_1885] : memref<16x1000000xf32, #tpu.memory_space<hbm>> -> memref<16x128xf32, #tpu.memory_space<hbm>>
        tpu.enqueue_dma source(%dma_start3A_1898 : memref<16x128xf32, #tpu.memory_space<hbm>>) target(%dma_start3A_1896 : memref<16x128xf32, #tpu.memory_space<vmem>>) target_semaphore(%arg9 : memref<!tpu.dma_semaphore, #tpu.memory_space<semaphore_mem>>)
        %slice3A_1899 = vector.extract_strided_slice %get3A_1658 {offsets = [12], sizes = [1], strides = [1]} : vector<16xi32> to vector<1xi32>
        %squeeze3A_1900 = vector.extract %slice3A_1899[0] : i32 from vector<1xi32>
        %shift_right_arithmetic3A_1901 = arith.constant 7 : i32
        %shift_right_arithmetic3A_1902 = arith.shrsi %squeeze3A_1900, %shift_right_arithmetic3A_1901 : i32
        %mul3A_1903 = arith.constant 128 : i32
        %mul3A_1904 = arith.muli %shift_right_arithmetic3A_1902, %mul3A_1903 : i32
        %multiple_of3A_1905 = tpu.assume_multiple %mul3A_1904, 128 : i32
        %dma_start3A_1906 = arith.constant 12 : i32
        %dma_start3A_1907 = arith.constant 0 : i32
        %dma_start3A_1908 = arith.constant 0 : i32
        %dma_start3A_1909 = tpu.memref_slice %arg6[%dma_start3A_1906, %dma_start3A_1907, %dma_start3A_1908] : memref<16x16x128xf32, #tpu.memory_space<vmem>> -> memref<1x16x128xf32, #tpu.memory_space<vmem>>
        %dma_start3A_1910 = tpu.memref_squeeze %dma_start3A_1909 : memref<1x16x128xf32, #tpu.memory_space<vmem>> -> memref<16x128xf32, #tpu.memory_space<vmem>>
        %dma_start3A_1911 = arith.constant 0 : i32
        %dma_start3A_1912 = tpu.memref_slice %arg2[%dma_start3A_1911, %multiple_of3A_1905] : memref<16x1000000xf32, #tpu.memory_space<hbm>> -> memref<16x128xf32, #tpu.memory_space<hbm>>
        %dma_start3A_1913 = arith.constant 0 : i32
        %dma_start3A_1914 = arith.constant 0 : i32
        %dma_start3A_1915 = tpu.memref_slice %arg6[%dma_start3A_1906, %dma_start3A_1913, %dma_start3A_1914] : memref<16x16x128xf32, #tpu.memory_space<vmem>> -> memref<1x16x128xf32, #tpu.memory_space<vmem>>
        %dma_start3A_1916 = tpu.memref_squeeze %dma_start3A_1915 : memref<1x16x128xf32, #tpu.memory_space<vmem>> -> memref<16x128xf32, #tpu.memory_space<vmem>>
        %dma_start3A_1917 = arith.constant 0 : i32
        %dma_start3A_1918 = tpu.memref_slice %arg2[%dma_start3A_1917, %multiple_of3A_1905] : memref<16x1000000xf32, #tpu.memory_space<hbm>> -> memref<16x128xf32, #tpu.memory_space<hbm>>
        tpu.enqueue_dma source(%dma_start3A_1918 : memref<16x128xf32, #tpu.memory_space<hbm>>) target(%dma_start3A_1916 : memref<16x128xf32, #tpu.memory_space<vmem>>) target_semaphore(%arg9 : memref<!tpu.dma_semaphore, #tpu.memory_space<semaphore_mem>>)
        %slice3A_1919 = vector.extract_strided_slice %get3A_1658 {offsets = [13], sizes = [1], strides = [1]} : vector<16xi32> to vector<1xi32>
        %squeeze3A_1920 = vector.extract %slice3A_1919[0] : i32 from vector<1xi32>
        %shift_right_arithmetic3A_1921 = arith.constant 7 : i32
        %shift_right_arithmetic3A_1922 = arith.shrsi %squeeze3A_1920, %shift_right_arithmetic3A_1921 : i32
        %mul3A_1923 = arith.constant 128 : i32
        %mul3A_1924 = arith.muli %shift_right_arithmetic3A_1922, %mul3A_1923 : i32
        %multiple_of3A_1925 = tpu.assume_multiple %mul3A_1924, 128 : i32
        %dma_start3A_1926 = arith.constant 13 : i32
        %dma_start3A_1927 = arith.constant 0 : i32
        %dma_start3A_1928 = arith.constant 0 : i32
        %dma_start3A_1929 = tpu.memref_slice %arg6[%dma_start3A_1926, %dma_start3A_1927, %dma_start3A_1928] : memref<16x16x128xf32, #tpu.memory_space<vmem>> -> memref<1x16x128xf32, #tpu.memory_space<vmem>>
        %dma_start3A_1930 = tpu.memref_squeeze %dma_start3A_1929 : memref<1x16x128xf32, #tpu.memory_space<vmem>> -> memref<16x128xf32, #tpu.memory_space<vmem>>
        %dma_start3A_1931 = arith.constant 0 : i32
        %dma_start3A_1932 = tpu.memref_slice %arg2[%dma_start3A_1931, %multiple_of3A_1925] : memref<16x1000000xf32, #tpu.memory_space<hbm>> -> memref<16x128xf32, #tpu.memory_space<hbm>>
        %dma_start3A_1933 = arith.constant 0 : i32
        %dma_start3A_1934 = arith.constant 0 : i32
        %dma_start3A_1935 = tpu.memref_slice %arg6[%dma_start3A_1926, %dma_start3A_1933, %dma_start3A_1934] : memref<16x16x128xf32, #tpu.memory_space<vmem>> -> memref<1x16x128xf32, #tpu.memory_space<vmem>>
        %dma_start3A_1936 = tpu.memref_squeeze %dma_start3A_1935 : memref<1x16x128xf32, #tpu.memory_space<vmem>> -> memref<16x128xf32, #tpu.memory_space<vmem>>
        %dma_start3A_1937 = arith.constant 0 : i32
        %dma_start3A_1938 = tpu.memref_slice %arg2[%dma_start3A_1937, %multiple_of3A_1925] : memref<16x1000000xf32, #tpu.memory_space<hbm>> -> memref<16x128xf32, #tpu.memory_space<hbm>>
        tpu.enqueue_dma source(%dma_start3A_1938 : memref<16x128xf32, #tpu.memory_space<hbm>>) target(%dma_start3A_1936 : memref<16x128xf32, #tpu.memory_space<vmem>>) target_semaphore(%arg9 : memref<!tpu.dma_semaphore, #tpu.memory_space<semaphore_mem>>)
        %slice3A_1939 = vector.extract_strided_slice %get3A_1658 {offsets = [14], sizes = [1], strides = [1]} : vector<16xi32> to vector<1xi32>
        %squeeze3A_1940 = vector.extract %slice3A_1939[0] : i32 from vector<1xi32>
        %shift_right_arithmetic3A_1941 = arith.constant 7 : i32
        %shift_right_arithmetic3A_1942 = arith.shrsi %squeeze3A_1940, %shift_right_arithmetic3A_1941 : i32
        %mul3A_1943 = arith.constant 128 : i32
        %mul3A_1944 = arith.muli %shift_right_arithmetic3A_1942, %mul3A_1943 : i32
        %multiple_of3A_1945 = tpu.assume_multiple %mul3A_1944, 128 : i32
        %dma_start3A_1946 = arith.constant 14 : i32
        %dma_start3A_1947 = arith.constant 0 : i32
        %dma_start3A_1948 = arith.constant 0 : i32
        %dma_start3A_1949 = tpu.memref_slice %arg6[%dma_start3A_1946, %dma_start3A_1947, %dma_start3A_1948] : memref<16x16x128xf32, #tpu.memory_space<vmem>> -> memref<1x16x128xf32, #tpu.memory_space<vmem>>
        %dma_start3A_1950 = tpu.memref_squeeze %dma_start3A_1949 : memref<1x16x128xf32, #tpu.memory_space<vmem>> -> memref<16x128xf32, #tpu.memory_space<vmem>>
        %dma_start3A_1951 = arith.constant 0 : i32
        %dma_start3A_1952 = tpu.memref_slice %arg2[%dma_start3A_1951, %multiple_of3A_1945] : memref<16x1000000xf32, #tpu.memory_space<hbm>> -> memref<16x128xf32, #tpu.memory_space<hbm>>
        %dma_start3A_1953 = arith.constant 0 : i32
        %dma_start3A_1954 = arith.constant 0 : i32
        %dma_start3A_1955 = tpu.memref_slice %arg6[%dma_start3A_1946, %dma_start3A_1953, %dma_start3A_1954] : memref<16x16x128xf32, #tpu.memory_space<vmem>> -> memref<1x16x128xf32, #tpu.memory_space<vmem>>
        %dma_start3A_1956 = tpu.memref_squeeze %dma_start3A_1955 : memref<1x16x128xf32, #tpu.memory_space<vmem>> -> memref<16x128xf32, #tpu.memory_space<vmem>>
        %dma_start3A_1957 = arith.constant 0 : i32
        %dma_start3A_1958 = tpu.memref_slice %arg2[%dma_start3A_1957, %multiple_of3A_1945] : memref<16x1000000xf32, #tpu.memory_space<hbm>> -> memref<16x128xf32, #tpu.memory_space<hbm>>
        tpu.enqueue_dma source(%dma_start3A_1958 : memref<16x128xf32, #tpu.memory_space<hbm>>) target(%dma_start3A_1956 : memref<16x128xf32, #tpu.memory_space<vmem>>) target_semaphore(%arg9 : memref<!tpu.dma_semaphore, #tpu.memory_space<semaphore_mem>>)
        %slice3A_1959 = vector.extract_strided_slice %get3A_1658 {offsets = [15], sizes = [1], strides = [1]} : vector<16xi32> to vector<1xi32>
        %squeeze3A_1960 = vector.extract %slice3A_1959[0] : i32 from vector<1xi32>
        %shift_right_arithmetic3A_1961 = arith.constant 7 : i32
        %shift_right_arithmetic3A_1962 = arith.shrsi %squeeze3A_1960, %shift_right_arithmetic3A_1961 : i32
        %mul3A_1963 = arith.constant 128 : i32
        %mul3A_1964 = arith.muli %shift_right_arithmetic3A_1962, %mul3A_1963 : i32
        %multiple_of3A_1965 = tpu.assume_multiple %mul3A_1964, 128 : i32
        %dma_start3A_1966 = arith.constant 15 : i32
        %dma_start3A_1967 = arith.constant 0 : i32
        %dma_start3A_1968 = arith.constant 0 : i32
        %dma_start3A_1969 = tpu.memref_slice %arg6[%dma_start3A_1966, %dma_start3A_1967, %dma_start3A_1968] : memref<16x16x128xf32, #tpu.memory_space<vmem>> -> memref<1x16x128xf32, #tpu.memory_space<vmem>>
        %dma_start3A_1970 = tpu.memref_squeeze %dma_start3A_1969 : memref<1x16x128xf32, #tpu.memory_space<vmem>> -> memref<16x128xf32, #tpu.memory_space<vmem>>
        %dma_start3A_1971 = arith.constant 0 : i32
        %dma_start3A_1972 = tpu.memref_slice %arg2[%dma_start3A_1971, %multiple_of3A_1965] : memref<16x1000000xf32, #tpu.memory_space<hbm>> -> memref<16x128xf32, #tpu.memory_space<hbm>>
        %dma_start3A_1973 = arith.constant 0 : i32
        %dma_start3A_1974 = arith.constant 0 : i32
        %dma_start3A_1975 = tpu.memref_slice %arg6[%dma_start3A_1966, %dma_start3A_1973, %dma_start3A_1974] : memref<16x16x128xf32, #tpu.memory_space<vmem>> -> memref<1x16x128xf32, #tpu.memory_space<vmem>>
        %dma_start3A_1976 = tpu.memref_squeeze %dma_start3A_1975 : memref<1x16x128xf32, #tpu.memory_space<vmem>> -> memref<16x128xf32, #tpu.memory_space<vmem>>
        %dma_start3A_1977 = arith.constant 0 : i32
        %dma_start3A_1978 = tpu.memref_slice %arg2[%dma_start3A_1977, %multiple_of3A_1965] : memref<16x1000000xf32, #tpu.memory_space<hbm>> -> memref<16x128xf32, #tpu.memory_space<hbm>>
        tpu.enqueue_dma source(%dma_start3A_1978 : memref<16x128xf32, #tpu.memory_space<hbm>>) target(%dma_start3A_1976 : memref<16x128xf32, #tpu.memory_space<vmem>>) target_semaphore(%arg9 : memref<!tpu.dma_semaphore, #tpu.memory_space<semaphore_mem>>)
      } else {
      }
      %dma_wait3A_1151 = arith.constant 0 : i32
      %dma_wait3A_1152 = arith.constant 0 : i32
      %dma_wait3A_1153 = arith.constant 0 : i32
      %dma_wait3A_1154 = tpu.memref_slice %arg7[%dma_wait3A_1151, %dma_wait3A_1152, %dma_wait3A_1153] : memref<16x16x128xf32, #tpu.memory_space<vmem>> -> memref<1x16x128xf32, #tpu.memory_space<vmem>>
      %dma_wait3A_1155 = tpu.memref_squeeze %dma_wait3A_1154 : memref<1x16x128xf32, #tpu.memory_space<vmem>> -> memref<16x128xf32, #tpu.memory_space<vmem>>
      %dma_wait3A_1156 = arith.constant 0 : i32
      %dma_wait3A_1157 = arith.constant 0 : i32
      %dma_wait3A_1158 = tpu.memref_slice %arg2[%dma_wait3A_1156, %dma_wait3A_1157] : memref<16x1000000xf32, #tpu.memory_space<hbm>> -> memref<16x128xf32, #tpu.memory_space<hbm>>
      %dma_wait3A_1159 = arith.constant 0 : i32
      %dma_wait3A_1160 = arith.constant 0 : i32
      %dma_wait3A_1161 = tpu.memref_slice %arg7[%dma_wait3A_1151, %dma_wait3A_1159, %dma_wait3A_1160] : memref<16x16x128xf32, #tpu.memory_space<vmem>> -> memref<1x16x128xf32, #tpu.memory_space<vmem>>
      %dma_wait3A_1162 = tpu.memref_squeeze %dma_wait3A_1161 : memref<1x16x128xf32, #tpu.memory_space<vmem>> -> memref<16x128xf32, #tpu.memory_space<vmem>>
      %dma_wait3A_1163 = arith.constant 0 : i32
      %dma_wait3A_1164 = arith.constant 0 : i32
      %dma_wait3A_1165 = tpu.memref_slice %arg2[%dma_wait3A_1163, %dma_wait3A_1164] : memref<16x1000000xf32, #tpu.memory_space<hbm>> -> memref<16x128xf32, #tpu.memory_space<hbm>>
      tpu.wait_dma2 semaphore(%arg10 : memref<!tpu.dma_semaphore, #tpu.memory_space<semaphore_mem>>) src(%dma_wait3A_1165 : memref<16x128xf32, #tpu.memory_space<hbm>>) dst(%dma_wait3A_1162 : memref<16x128xf32, #tpu.memory_space<vmem>>)
      %dma_wait3A_1166 = arith.constant 1 : i32
      %dma_wait3A_1167 = arith.constant 0 : i32
      %dma_wait3A_1168 = arith.constant 0 : i32
      %dma_wait3A_1169 = tpu.memref_slice %arg7[%dma_wait3A_1166, %dma_wait3A_1167, %dma_wait3A_1168] : memref<16x16x128xf32, #tpu.memory_space<vmem>> -> memref<1x16x128xf32, #tpu.memory_space<vmem>>
      %dma_wait3A_1170 = tpu.memref_squeeze %dma_wait3A_1169 : memref<1x16x128xf32, #tpu.memory_space<vmem>> -> memref<16x128xf32, #tpu.memory_space<vmem>>
      %dma_wait3A_1171 = arith.constant 0 : i32
      %dma_wait3A_1172 = arith.constant 0 : i32
      %dma_wait3A_1173 = tpu.memref_slice %arg2[%dma_wait3A_1171, %dma_wait3A_1172] : memref<16x1000000xf32, #tpu.memory_space<hbm>> -> memref<16x128xf32, #tpu.memory_space<hbm>>
      %dma_wait3A_1174 = arith.constant 0 : i32
      %dma_wait3A_1175 = arith.constant 0 : i32
      %dma_wait3A_1176 = tpu.memref_slice %arg7[%dma_wait3A_1166, %dma_wait3A_1174, %dma_wait3A_1175] : memref<16x16x128xf32, #tpu.memory_space<vmem>> -> memref<1x16x128xf32, #tpu.memory_space<vmem>>
      %dma_wait3A_1177 = tpu.memref_squeeze %dma_wait3A_1176 : memref<1x16x128xf32, #tpu.memory_space<vmem>> -> memref<16x128xf32, #tpu.memory_space<vmem>>
      %dma_wait3A_1178 = arith.constant 0 : i32
      %dma_wait3A_1179 = arith.constant 0 : i32
      %dma_wait3A_1180 = tpu.memref_slice %arg2[%dma_wait3A_1178, %dma_wait3A_1179] : memref<16x1000000xf32, #tpu.memory_space<hbm>> -> memref<16x128xf32, #tpu.memory_space<hbm>>
      tpu.wait_dma2 semaphore(%arg10 : memref<!tpu.dma_semaphore, #tpu.memory_space<semaphore_mem>>) src(%dma_wait3A_1180 : memref<16x128xf32, #tpu.memory_space<hbm>>) dst(%dma_wait3A_1177 : memref<16x128xf32, #tpu.memory_space<vmem>>)
      %dma_wait3A_1181 = arith.constant 2 : i32
      %dma_wait3A_1182 = arith.constant 0 : i32
      %dma_wait3A_1183 = arith.constant 0 : i32
      %dma_wait3A_1184 = tpu.memref_slice %arg7[%dma_wait3A_1181, %dma_wait3A_1182, %dma_wait3A_1183] : memref<16x16x128xf32, #tpu.memory_space<vmem>> -> memref<1x16x128xf32, #tpu.memory_space<vmem>>
      %dma_wait3A_1185 = tpu.memref_squeeze %dma_wait3A_1184 : memref<1x16x128xf32, #tpu.memory_space<vmem>> -> memref<16x128xf32, #tpu.memory_space<vmem>>
      %dma_wait3A_1186 = arith.constant 0 : i32
      %dma_wait3A_1187 = arith.constant 0 : i32
      %dma_wait3A_1188 = tpu.memref_slice %arg2[%dma_wait3A_1186, %dma_wait3A_1187] : memref<16x1000000xf32, #tpu.memory_space<hbm>> -> memref<16x128xf32, #tpu.memory_space<hbm>>
      %dma_wait3A_1189 = arith.constant 0 : i32
      %dma_wait3A_1190 = arith.constant 0 : i32
      %dma_wait3A_1191 = tpu.memref_slice %arg7[%dma_wait3A_1181, %dma_wait3A_1189, %dma_wait3A_1190] : memref<16x16x128xf32, #tpu.memory_space<vmem>> -> memref<1x16x128xf32, #tpu.memory_space<vmem>>
      %dma_wait3A_1192 = tpu.memref_squeeze %dma_wait3A_1191 : memref<1x16x128xf32, #tpu.memory_space<vmem>> -> memref<16x128xf32, #tpu.memory_space<vmem>>
      %dma_wait3A_1193 = arith.constant 0 : i32
      %dma_wait3A_1194 = arith.constant 0 : i32
      %dma_wait3A_1195 = tpu.memref_slice %arg2[%dma_wait3A_1193, %dma_wait3A_1194] : memref<16x1000000xf32, #tpu.memory_space<hbm>> -> memref<16x128xf32, #tpu.memory_space<hbm>>
      tpu.wait_dma2 semaphore(%arg10 : memref<!tpu.dma_semaphore, #tpu.memory_space<semaphore_mem>>) src(%dma_wait3A_1195 : memref<16x128xf32, #tpu.memory_space<hbm>>) dst(%dma_wait3A_1192 : memref<16x128xf32, #tpu.memory_space<vmem>>)
      %dma_wait3A_1196 = arith.constant 3 : i32
      %dma_wait3A_1197 = arith.constant 0 : i32
      %dma_wait3A_1198 = arith.constant 0 : i32
      %dma_wait3A_1199 = tpu.memref_slice %arg7[%dma_wait3A_1196, %dma_wait3A_1197, %dma_wait3A_1198] : memref<16x16x128xf32, #tpu.memory_space<vmem>> -> memref<1x16x128xf32, #tpu.memory_space<vmem>>
      %dma_wait3A_1200 = tpu.memref_squeeze %dma_wait3A_1199 : memref<1x16x128xf32, #tpu.memory_space<vmem>> -> memref<16x128xf32, #tpu.memory_space<vmem>>
      %dma_wait3A_1201 = arith.constant 0 : i32
      %dma_wait3A_1202 = arith.constant 0 : i32
      %dma_wait3A_1203 = tpu.memref_slice %arg2[%dma_wait3A_1201, %dma_wait3A_1202] : memref<16x1000000xf32, #tpu.memory_space<hbm>> -> memref<16x128xf32, #tpu.memory_space<hbm>>
      %dma_wait3A_1204 = arith.constant 0 : i32
      %dma_wait3A_1205 = arith.constant 0 : i32
      %dma_wait3A_1206 = tpu.memref_slice %arg7[%dma_wait3A_1196, %dma_wait3A_1204, %dma_wait3A_1205] : memref<16x16x128xf32, #tpu.memory_space<vmem>> -> memref<1x16x128xf32, #tpu.memory_space<vmem>>
      %dma_wait3A_1207 = tpu.memref_squeeze %dma_wait3A_1206 : memref<1x16x128xf32, #tpu.memory_space<vmem>> -> memref<16x128xf32, #tpu.memory_space<vmem>>
      %dma_wait3A_1208 = arith.constant 0 : i32
      %dma_wait3A_1209 = arith.constant 0 : i32
      %dma_wait3A_1210 = tpu.memref_slice %arg2[%dma_wait3A_1208, %dma_wait3A_1209] : memref<16x1000000xf32, #tpu.memory_space<hbm>> -> memref<16x128xf32, #tpu.memory_space<hbm>>
      tpu.wait_dma2 semaphore(%arg10 : memref<!tpu.dma_semaphore, #tpu.memory_space<semaphore_mem>>) src(%dma_wait3A_1210 : memref<16x128xf32, #tpu.memory_space<hbm>>) dst(%dma_wait3A_1207 : memref<16x128xf32, #tpu.memory_space<vmem>>)
      %dma_wait3A_1211 = arith.constant 4 : i32
      %dma_wait3A_1212 = arith.constant 0 : i32
      %dma_wait3A_1213 = arith.constant 0 : i32
      %dma_wait3A_1214 = tpu.memref_slice %arg7[%dma_wait3A_1211, %dma_wait3A_1212, %dma_wait3A_1213] : memref<16x16x128xf32, #tpu.memory_space<vmem>> -> memref<1x16x128xf32, #tpu.memory_space<vmem>>
      %dma_wait3A_1215 = tpu.memref_squeeze %dma_wait3A_1214 : memref<1x16x128xf32, #tpu.memory_space<vmem>> -> memref<16x128xf32, #tpu.memory_space<vmem>>
      %dma_wait3A_1216 = arith.constant 0 : i32
      %dma_wait3A_1217 = arith.constant 0 : i32
      %dma_wait3A_1218 = tpu.memref_slice %arg2[%dma_wait3A_1216, %dma_wait3A_1217] : memref<16x1000000xf32, #tpu.memory_space<hbm>> -> memref<16x128xf32, #tpu.memory_space<hbm>>
      %dma_wait3A_1219 = arith.constant 0 : i32
      %dma_wait3A_1220 = arith.constant 0 : i32
      %dma_wait3A_1221 = tpu.memref_slice %arg7[%dma_wait3A_1211, %dma_wait3A_1219, %dma_wait3A_1220] : memref<16x16x128xf32, #tpu.memory_space<vmem>> -> memref<1x16x128xf32, #tpu.memory_space<vmem>>
      %dma_wait3A_1222 = tpu.memref_squeeze %dma_wait3A_1221 : memref<1x16x128xf32, #tpu.memory_space<vmem>> -> memref<16x128xf32, #tpu.memory_space<vmem>>
      %dma_wait3A_1223 = arith.constant 0 : i32
      %dma_wait3A_1224 = arith.constant 0 : i32
      %dma_wait3A_1225 = tpu.memref_slice %arg2[%dma_wait3A_1223, %dma_wait3A_1224] : memref<16x1000000xf32, #tpu.memory_space<hbm>> -> memref<16x128xf32, #tpu.memory_space<hbm>>
      tpu.wait_dma2 semaphore(%arg10 : memref<!tpu.dma_semaphore, #tpu.memory_space<semaphore_mem>>) src(%dma_wait3A_1225 : memref<16x128xf32, #tpu.memory_space<hbm>>) dst(%dma_wait3A_1222 : memref<16x128xf32, #tpu.memory_space<vmem>>)
      %dma_wait3A_1226 = arith.constant 5 : i32
      %dma_wait3A_1227 = arith.constant 0 : i32
      %dma_wait3A_1228 = arith.constant 0 : i32
      %dma_wait3A_1229 = tpu.memref_slice %arg7[%dma_wait3A_1226, %dma_wait3A_1227, %dma_wait3A_1228] : memref<16x16x128xf32, #tpu.memory_space<vmem>> -> memref<1x16x128xf32, #tpu.memory_space<vmem>>
      %dma_wait3A_1230 = tpu.memref_squeeze %dma_wait3A_1229 : memref<1x16x128xf32, #tpu.memory_space<vmem>> -> memref<16x128xf32, #tpu.memory_space<vmem>>
      %dma_wait3A_1231 = arith.constant 0 : i32
      %dma_wait3A_1232 = arith.constant 0 : i32
      %dma_wait3A_1233 = tpu.memref_slice %arg2[%dma_wait3A_1231, %dma_wait3A_1232] : memref<16x1000000xf32, #tpu.memory_space<hbm>> -> memref<16x128xf32, #tpu.memory_space<hbm>>
      %dma_wait3A_1234 = arith.constant 0 : i32
      %dma_wait3A_1235 = arith.constant 0 : i32
      %dma_wait3A_1236 = tpu.memref_slice %arg7[%dma_wait3A_1226, %dma_wait3A_1234, %dma_wait3A_1235] : memref<16x16x128xf32, #tpu.memory_space<vmem>> -> memref<1x16x128xf32, #tpu.memory_space<vmem>>
      %dma_wait3A_1237 = tpu.memref_squeeze %dma_wait3A_1236 : memref<1x16x128xf32, #tpu.memory_space<vmem>> -> memref<16x128xf32, #tpu.memory_space<vmem>>
      %dma_wait3A_1238 = arith.constant 0 : i32
      %dma_wait3A_1239 = arith.constant 0 : i32
      %dma_wait3A_1240 = tpu.memref_slice %arg2[%dma_wait3A_1238, %dma_wait3A_1239] : memref<16x1000000xf32, #tpu.memory_space<hbm>> -> memref<16x128xf32, #tpu.memory_space<hbm>>
      tpu.wait_dma2 semaphore(%arg10 : memref<!tpu.dma_semaphore, #tpu.memory_space<semaphore_mem>>) src(%dma_wait3A_1240 : memref<16x128xf32, #tpu.memory_space<hbm>>) dst(%dma_wait3A_1237 : memref<16x128xf32, #tpu.memory_space<vmem>>)
      %dma_wait3A_1241 = arith.constant 6 : i32
      %dma_wait3A_1242 = arith.constant 0 : i32
      %dma_wait3A_1243 = arith.constant 0 : i32
      %dma_wait3A_1244 = tpu.memref_slice %arg7[%dma_wait3A_1241, %dma_wait3A_1242, %dma_wait3A_1243] : memref<16x16x128xf32, #tpu.memory_space<vmem>> -> memref<1x16x128xf32, #tpu.memory_space<vmem>>
      %dma_wait3A_1245 = tpu.memref_squeeze %dma_wait3A_1244 : memref<1x16x128xf32, #tpu.memory_space<vmem>> -> memref<16x128xf32, #tpu.memory_space<vmem>>
      %dma_wait3A_1246 = arith.constant 0 : i32
      %dma_wait3A_1247 = arith.constant 0 : i32
      %dma_wait3A_1248 = tpu.memref_slice %arg2[%dma_wait3A_1246, %dma_wait3A_1247] : memref<16x1000000xf32, #tpu.memory_space<hbm>> -> memref<16x128xf32, #tpu.memory_space<hbm>>
      %dma_wait3A_1249 = arith.constant 0 : i32
      %dma_wait3A_1250 = arith.constant 0 : i32
      %dma_wait3A_1251 = tpu.memref_slice %arg7[%dma_wait3A_1241, %dma_wait3A_1249, %dma_wait3A_1250] : memref<16x16x128xf32, #tpu.memory_space<vmem>> -> memref<1x16x128xf32, #tpu.memory_space<vmem>>
      %dma_wait3A_1252 = tpu.memref_squeeze %dma_wait3A_1251 : memref<1x16x128xf32, #tpu.memory_space<vmem>> -> memref<16x128xf32, #tpu.memory_space<vmem>>
      %dma_wait3A_1253 = arith.constant 0 : i32
      %dma_wait3A_1254 = arith.constant 0 : i32
      %dma_wait3A_1255 = tpu.memref_slice %arg2[%dma_wait3A_1253, %dma_wait3A_1254] : memref<16x1000000xf32, #tpu.memory_space<hbm>> -> memref<16x128xf32, #tpu.memory_space<hbm>>
      tpu.wait_dma2 semaphore(%arg10 : memref<!tpu.dma_semaphore, #tpu.memory_space<semaphore_mem>>) src(%dma_wait3A_1255 : memref<16x128xf32, #tpu.memory_space<hbm>>) dst(%dma_wait3A_1252 : memref<16x128xf32, #tpu.memory_space<vmem>>)
      %dma_wait3A_1256 = arith.constant 7 : i32
      %dma_wait3A_1257 = arith.constant 0 : i32
      %dma_wait3A_1258 = arith.constant 0 : i32
      %dma_wait3A_1259 = tpu.memref_slice %arg7[%dma_wait3A_1256, %dma_wait3A_1257, %dma_wait3A_1258] : memref<16x16x128xf32, #tpu.memory_space<vmem>> -> memref<1x16x128xf32, #tpu.memory_space<vmem>>
      %dma_wait3A_1260 = tpu.memref_squeeze %dma_wait3A_1259 : memref<1x16x128xf32, #tpu.memory_space<vmem>> -> memref<16x128xf32, #tpu.memory_space<vmem>>
      %dma_wait3A_1261 = arith.constant 0 : i32
      %dma_wait3A_1262 = arith.constant 0 : i32
      %dma_wait3A_1263 = tpu.memref_slice %arg2[%dma_wait3A_1261, %dma_wait3A_1262] : memref<16x1000000xf32, #tpu.memory_space<hbm>> -> memref<16x128xf32, #tpu.memory_space<hbm>>
      %dma_wait3A_1264 = arith.constant 0 : i32
      %dma_wait3A_1265 = arith.constant 0 : i32
      %dma_wait3A_1266 = tpu.memref_slice %arg7[%dma_wait3A_1256, %dma_wait3A_1264, %dma_wait3A_1265] : memref<16x16x128xf32, #tpu.memory_space<vmem>> -> memref<1x16x128xf32, #tpu.memory_space<vmem>>
      %dma_wait3A_1267 = tpu.memref_squeeze %dma_wait3A_1266 : memref<1x16x128xf32, #tpu.memory_space<vmem>> -> memref<16x128xf32, #tpu.memory_space<vmem>>
      %dma_wait3A_1268 = arith.constant 0 : i32
      %dma_wait3A_1269 = arith.constant 0 : i32
      %dma_wait3A_1270 = tpu.memref_slice %arg2[%dma_wait3A_1268, %dma_wait3A_1269] : memref<16x1000000xf32, #tpu.memory_space<hbm>> -> memref<16x128xf32, #tpu.memory_space<hbm>>
      tpu.wait_dma2 semaphore(%arg10 : memref<!tpu.dma_semaphore, #tpu.memory_space<semaphore_mem>>) src(%dma_wait3A_1270 : memref<16x128xf32, #tpu.memory_space<hbm>>) dst(%dma_wait3A_1267 : memref<16x128xf32, #tpu.memory_space<vmem>>)
      %dma_wait3A_1271 = arith.constant 8 : i32
      %dma_wait3A_1272 = arith.constant 0 : i32
      %dma_wait3A_1273 = arith.constant 0 : i32
      %dma_wait3A_1274 = tpu.memref_slice %arg7[%dma_wait3A_1271, %dma_wait3A_1272, %dma_wait3A_1273] : memref<16x16x128xf32, #tpu.memory_space<vmem>> -> memref<1x16x128xf32, #tpu.memory_space<vmem>>
      %dma_wait3A_1275 = tpu.memref_squeeze %dma_wait3A_1274 : memref<1x16x128xf32, #tpu.memory_space<vmem>> -> memref<16x128xf32, #tpu.memory_space<vmem>>
      %dma_wait3A_1276 = arith.constant 0 : i32
      %dma_wait3A_1277 = arith.constant 0 : i32
      %dma_wait3A_1278 = tpu.memref_slice %arg2[%dma_wait3A_1276, %dma_wait3A_1277] : memref<16x1000000xf32, #tpu.memory_space<hbm>> -> memref<16x128xf32, #tpu.memory_space<hbm>>
      %dma_wait3A_1279 = arith.constant 0 : i32
      %dma_wait3A_1280 = arith.constant 0 : i32
      %dma_wait3A_1281 = tpu.memref_slice %arg7[%dma_wait3A_1271, %dma_wait3A_1279, %dma_wait3A_1280] : memref<16x16x128xf32, #tpu.memory_space<vmem>> -> memref<1x16x128xf32, #tpu.memory_space<vmem>>
      %dma_wait3A_1282 = tpu.memref_squeeze %dma_wait3A_1281 : memref<1x16x128xf32, #tpu.memory_space<vmem>> -> memref<16x128xf32, #tpu.memory_space<vmem>>
      %dma_wait3A_1283 = arith.constant 0 : i32
      %dma_wait3A_1284 = arith.constant 0 : i32
      %dma_wait3A_1285 = tpu.memref_slice %arg2[%dma_wait3A_1283, %dma_wait3A_1284] : memref<16x1000000xf32, #tpu.memory_space<hbm>> -> memref<16x128xf32, #tpu.memory_space<hbm>>
      tpu.wait_dma2 semaphore(%arg10 : memref<!tpu.dma_semaphore, #tpu.memory_space<semaphore_mem>>) src(%dma_wait3A_1285 : memref<16x128xf32, #tpu.memory_space<hbm>>) dst(%dma_wait3A_1282 : memref<16x128xf32, #tpu.memory_space<vmem>>)
      %dma_wait3A_1286 = arith.constant 9 : i32
      %dma_wait3A_1287 = arith.constant 0 : i32
      %dma_wait3A_1288 = arith.constant 0 : i32
      %dma_wait3A_1289 = tpu.memref_slice %arg7[%dma_wait3A_1286, %dma_wait3A_1287, %dma_wait3A_1288] : memref<16x16x128xf32, #tpu.memory_space<vmem>> -> memref<1x16x128xf32, #tpu.memory_space<vmem>>
      %dma_wait3A_1290 = tpu.memref_squeeze %dma_wait3A_1289 : memref<1x16x128xf32, #tpu.memory_space<vmem>> -> memref<16x128xf32, #tpu.memory_space<vmem>>
      %dma_wait3A_1291 = arith.constant 0 : i32
      %dma_wait3A_1292 = arith.constant 0 : i32
      %dma_wait3A_1293 = tpu.memref_slice %arg2[%dma_wait3A_1291, %dma_wait3A_1292] : memref<16x1000000xf32, #tpu.memory_space<hbm>> -> memref<16x128xf32, #tpu.memory_space<hbm>>
      %dma_wait3A_1294 = arith.constant 0 : i32
      %dma_wait3A_1295 = arith.constant 0 : i32
      %dma_wait3A_1296 = tpu.memref_slice %arg7[%dma_wait3A_1286, %dma_wait3A_1294, %dma_wait3A_1295] : memref<16x16x128xf32, #tpu.memory_space<vmem>> -> memref<1x16x128xf32, #tpu.memory_space<vmem>>
      %dma_wait3A_1297 = tpu.memref_squeeze %dma_wait3A_1296 : memref<1x16x128xf32, #tpu.memory_space<vmem>> -> memref<16x128xf32, #tpu.memory_space<vmem>>
      %dma_wait3A_1298 = arith.constant 0 : i32
      %dma_wait3A_1299 = arith.constant 0 : i32
      %dma_wait3A_1300 = tpu.memref_slice %arg2[%dma_wait3A_1298, %dma_wait3A_1299] : memref<16x1000000xf32, #tpu.memory_space<hbm>> -> memref<16x128xf32, #tpu.memory_space<hbm>>
      tpu.wait_dma2 semaphore(%arg10 : memref<!tpu.dma_semaphore, #tpu.memory_space<semaphore_mem>>) src(%dma_wait3A_1300 : memref<16x128xf32, #tpu.memory_space<hbm>>) dst(%dma_wait3A_1297 : memref<16x128xf32, #tpu.memory_space<vmem>>)
      %dma_wait3A_1301 = arith.constant 10 : i32
      %dma_wait3A_1302 = arith.constant 0 : i32
      %dma_wait3A_1303 = arith.constant 0 : i32
      %dma_wait3A_1304 = tpu.memref_slice %arg7[%dma_wait3A_1301, %dma_wait3A_1302, %dma_wait3A_1303] : memref<16x16x128xf32, #tpu.memory_space<vmem>> -> memref<1x16x128xf32, #tpu.memory_space<vmem>>
      %dma_wait3A_1305 = tpu.memref_squeeze %dma_wait3A_1304 : memref<1x16x128xf32, #tpu.memory_space<vmem>> -> memref<16x128xf32, #tpu.memory_space<vmem>>
      %dma_wait3A_1306 = arith.constant 0 : i32
      %dma_wait3A_1307 = arith.constant 0 : i32
      %dma_wait3A_1308 = tpu.memref_slice %arg2[%dma_wait3A_1306, %dma_wait3A_1307] : memref<16x1000000xf32, #tpu.memory_space<hbm>> -> memref<16x128xf32, #tpu.memory_space<hbm>>
      %dma_wait3A_1309 = arith.constant 0 : i32
      %dma_wait3A_1310 = arith.constant 0 : i32
      %dma_wait3A_1311 = tpu.memref_slice %arg7[%dma_wait3A_1301, %dma_wait3A_1309, %dma_wait3A_1310] : memref<16x16x128xf32, #tpu.memory_space<vmem>> -> memref<1x16x128xf32, #tpu.memory_space<vmem>>
      %dma_wait3A_1312 = tpu.memref_squeeze %dma_wait3A_1311 : memref<1x16x128xf32, #tpu.memory_space<vmem>> -> memref<16x128xf32, #tpu.memory_space<vmem>>
      %dma_wait3A_1313 = arith.constant 0 : i32
      %dma_wait3A_1314 = arith.constant 0 : i32
      %dma_wait3A_1315 = tpu.memref_slice %arg2[%dma_wait3A_1313, %dma_wait3A_1314] : memref<16x1000000xf32, #tpu.memory_space<hbm>> -> memref<16x128xf32, #tpu.memory_space<hbm>>
      tpu.wait_dma2 semaphore(%arg10 : memref<!tpu.dma_semaphore, #tpu.memory_space<semaphore_mem>>) src(%dma_wait3A_1315 : memref<16x128xf32, #tpu.memory_space<hbm>>) dst(%dma_wait3A_1312 : memref<16x128xf32, #tpu.memory_space<vmem>>)
      %dma_wait3A_1316 = arith.constant 11 : i32
      %dma_wait3A_1317 = arith.constant 0 : i32
      %dma_wait3A_1318 = arith.constant 0 : i32
      %dma_wait3A_1319 = tpu.memref_slice %arg7[%dma_wait3A_1316, %dma_wait3A_1317, %dma_wait3A_1318] : memref<16x16x128xf32, #tpu.memory_space<vmem>> -> memref<1x16x128xf32, #tpu.memory_space<vmem>>
      %dma_wait3A_1320 = tpu.memref_squeeze %dma_wait3A_1319 : memref<1x16x128xf32, #tpu.memory_space<vmem>> -> memref<16x128xf32, #tpu.memory_space<vmem>>
      %dma_wait3A_1321 = arith.constant 0 : i32
      %dma_wait3A_1322 = arith.constant 0 : i32
      %dma_wait3A_1323 = tpu.memref_slice %arg2[%dma_wait3A_1321, %dma_wait3A_1322] : memref<16x1000000xf32, #tpu.memory_space<hbm>> -> memref<16x128xf32, #tpu.memory_space<hbm>>
      %dma_wait3A_1324 = arith.constant 0 : i32
      %dma_wait3A_1325 = arith.constant 0 : i32
      %dma_wait3A_1326 = tpu.memref_slice %arg7[%dma_wait3A_1316, %dma_wait3A_1324, %dma_wait3A_1325] : memref<16x16x128xf32, #tpu.memory_space<vmem>> -> memref<1x16x128xf32, #tpu.memory_space<vmem>>
      %dma_wait3A_1327 = tpu.memref_squeeze %dma_wait3A_1326 : memref<1x16x128xf32, #tpu.memory_space<vmem>> -> memref<16x128xf32, #tpu.memory_space<vmem>>
      %dma_wait3A_1328 = arith.constant 0 : i32
      %dma_wait3A_1329 = arith.constant 0 : i32
      %dma_wait3A_1330 = tpu.memref_slice %arg2[%dma_wait3A_1328, %dma_wait3A_1329] : memref<16x1000000xf32, #tpu.memory_space<hbm>> -> memref<16x128xf32, #tpu.memory_space<hbm>>
      tpu.wait_dma2 semaphore(%arg10 : memref<!tpu.dma_semaphore, #tpu.memory_space<semaphore_mem>>) src(%dma_wait3A_1330 : memref<16x128xf32, #tpu.memory_space<hbm>>) dst(%dma_wait3A_1327 : memref<16x128xf32, #tpu.memory_space<vmem>>)
      %dma_wait3A_1331 = arith.constant 12 : i32
      %dma_wait3A_1332 = arith.constant 0 : i32
      %dma_wait3A_1333 = arith.constant 0 : i32
      %dma_wait3A_1334 = tpu.memref_slice %arg7[%dma_wait3A_1331, %dma_wait3A_1332, %dma_wait3A_1333] : memref<16x16x128xf32, #tpu.memory_space<vmem>> -> memref<1x16x128xf32, #tpu.memory_space<vmem>>
      %dma_wait3A_1335 = tpu.memref_squeeze %dma_wait3A_1334 : memref<1x16x128xf32, #tpu.memory_space<vmem>> -> memref<16x128xf32, #tpu.memory_space<vmem>>
      %dma_wait3A_1336 = arith.constant 0 : i32
      %dma_wait3A_1337 = arith.constant 0 : i32
      %dma_wait3A_1338 = tpu.memref_slice %arg2[%dma_wait3A_1336, %dma_wait3A_1337] : memref<16x1000000xf32, #tpu.memory_space<hbm>> -> memref<16x128xf32, #tpu.memory_space<hbm>>
      %dma_wait3A_1339 = arith.constant 0 : i32
      %dma_wait3A_1340 = arith.constant 0 : i32
      %dma_wait3A_1341 = tpu.memref_slice %arg7[%dma_wait3A_1331, %dma_wait3A_1339, %dma_wait3A_1340] : memref<16x16x128xf32, #tpu.memory_space<vmem>> -> memref<1x16x128xf32, #tpu.memory_space<vmem>>
      %dma_wait3A_1342 = tpu.memref_squeeze %dma_wait3A_1341 : memref<1x16x128xf32, #tpu.memory_space<vmem>> -> memref<16x128xf32, #tpu.memory_space<vmem>>
      %dma_wait3A_1343 = arith.constant 0 : i32
      %dma_wait3A_1344 = arith.constant 0 : i32
      %dma_wait3A_1345 = tpu.memref_slice %arg2[%dma_wait3A_1343, %dma_wait3A_1344] : memref<16x1000000xf32, #tpu.memory_space<hbm>> -> memref<16x128xf32, #tpu.memory_space<hbm>>
      tpu.wait_dma2 semaphore(%arg10 : memref<!tpu.dma_semaphore, #tpu.memory_space<semaphore_mem>>) src(%dma_wait3A_1345 : memref<16x128xf32, #tpu.memory_space<hbm>>) dst(%dma_wait3A_1342 : memref<16x128xf32, #tpu.memory_space<vmem>>)
      %dma_wait3A_1346 = arith.constant 13 : i32
      %dma_wait3A_1347 = arith.constant 0 : i32
      %dma_wait3A_1348 = arith.constant 0 : i32
      %dma_wait3A_1349 = tpu.memref_slice %arg7[%dma_wait3A_1346, %dma_wait3A_1347, %dma_wait3A_1348] : memref<16x16x128xf32, #tpu.memory_space<vmem>> -> memref<1x16x128xf32, #tpu.memory_space<vmem>>
      %dma_wait3A_1350 = tpu.memref_squeeze %dma_wait3A_1349 : memref<1x16x128xf32, #tpu.memory_space<vmem>> -> memref<16x128xf32, #tpu.memory_space<vmem>>
      %dma_wait3A_1351 = arith.constant 0 : i32
      %dma_wait3A_1352 = arith.constant 0 : i32
      %dma_wait3A_1353 = tpu.memref_slice %arg2[%dma_wait3A_1351, %dma_wait3A_1352] : memref<16x1000000xf32, #tpu.memory_space<hbm>> -> memref<16x128xf32, #tpu.memory_space<hbm>>
      %dma_wait3A_1354 = arith.constant 0 : i32
      %dma_wait3A_1355 = arith.constant 0 : i32
      %dma_wait3A_1356 = tpu.memref_slice %arg7[%dma_wait3A_1346, %dma_wait3A_1354, %dma_wait3A_1355] : memref<16x16x128xf32, #tpu.memory_space<vmem>> -> memref<1x16x128xf32, #tpu.memory_space<vmem>>
      %dma_wait3A_1357 = tpu.memref_squeeze %dma_wait3A_1356 : memref<1x16x128xf32, #tpu.memory_space<vmem>> -> memref<16x128xf32, #tpu.memory_space<vmem>>
      %dma_wait3A_1358 = arith.constant 0 : i32
      %dma_wait3A_1359 = arith.constant 0 : i32
      %dma_wait3A_1360 = tpu.memref_slice %arg2[%dma_wait3A_1358, %dma_wait3A_1359] : memref<16x1000000xf32, #tpu.memory_space<hbm>> -> memref<16x128xf32, #tpu.memory_space<hbm>>
      tpu.wait_dma2 semaphore(%arg10 : memref<!tpu.dma_semaphore, #tpu.memory_space<semaphore_mem>>) src(%dma_wait3A_1360 : memref<16x128xf32, #tpu.memory_space<hbm>>) dst(%dma_wait3A_1357 : memref<16x128xf32, #tpu.memory_space<vmem>>)
      %dma_wait3A_1361 = arith.constant 14 : i32
      %dma_wait3A_1362 = arith.constant 0 : i32
      %dma_wait3A_1363 = arith.constant 0 : i32
      %dma_wait3A_1364 = tpu.memref_slice %arg7[%dma_wait3A_1361, %dma_wait3A_1362, %dma_wait3A_1363] : memref<16x16x128xf32, #tpu.memory_space<vmem>> -> memref<1x16x128xf32, #tpu.memory_space<vmem>>
      %dma_wait3A_1365 = tpu.memref_squeeze %dma_wait3A_1364 : memref<1x16x128xf32, #tpu.memory_space<vmem>> -> memref<16x128xf32, #tpu.memory_space<vmem>>
      %dma_wait3A_1366 = arith.constant 0 : i32
      %dma_wait3A_1367 = arith.constant 0 : i32
      %dma_wait3A_1368 = tpu.memref_slice %arg2[%dma_wait3A_1366, %dma_wait3A_1367] : memref<16x1000000xf32, #tpu.memory_space<hbm>> -> memref<16x128xf32, #tpu.memory_space<hbm>>
      %dma_wait3A_1369 = arith.constant 0 : i32
      %dma_wait3A_1370 = arith.constant 0 : i32
      %dma_wait3A_1371 = tpu.memref_slice %arg7[%dma_wait3A_1361, %dma_wait3A_1369, %dma_wait3A_1370] : memref<16x16x128xf32, #tpu.memory_space<vmem>> -> memref<1x16x128xf32, #tpu.memory_space<vmem>>
      %dma_wait3A_1372 = tpu.memref_squeeze %dma_wait3A_1371 : memref<1x16x128xf32, #tpu.memory_space<vmem>> -> memref<16x128xf32, #tpu.memory_space<vmem>>
      %dma_wait3A_1373 = arith.constant 0 : i32
      %dma_wait3A_1374 = arith.constant 0 : i32
      %dma_wait3A_1375 = tpu.memref_slice %arg2[%dma_wait3A_1373, %dma_wait3A_1374] : memref<16x1000000xf32, #tpu.memory_space<hbm>> -> memref<16x128xf32, #tpu.memory_space<hbm>>
      tpu.wait_dma2 semaphore(%arg10 : memref<!tpu.dma_semaphore, #tpu.memory_space<semaphore_mem>>) src(%dma_wait3A_1375 : memref<16x128xf32, #tpu.memory_space<hbm>>) dst(%dma_wait3A_1372 : memref<16x128xf32, #tpu.memory_space<vmem>>)
      %dma_wait3A_1376 = arith.constant 15 : i32
      %dma_wait3A_1377 = arith.constant 0 : i32
      %dma_wait3A_1378 = arith.constant 0 : i32
      %dma_wait3A_1379 = tpu.memref_slice %arg7[%dma_wait3A_1376, %dma_wait3A_1377, %dma_wait3A_1378] : memref<16x16x128xf32, #tpu.memory_space<vmem>> -> memref<1x16x128xf32, #tpu.memory_space<vmem>>
      %dma_wait3A_1380 = tpu.memref_squeeze %dma_wait3A_1379 : memref<1x16x128xf32, #tpu.memory_space<vmem>> -> memref<16x128xf32, #tpu.memory_space<vmem>>
      %dma_wait3A_1381 = arith.constant 0 : i32
      %dma_wait3A_1382 = arith.constant 0 : i32
      %dma_wait3A_1383 = tpu.memref_slice %arg2[%dma_wait3A_1381, %dma_wait3A_1382] : memref<16x1000000xf32, #tpu.memory_space<hbm>> -> memref<16x128xf32, #tpu.memory_space<hbm>>
      %dma_wait3A_1384 = arith.constant 0 : i32
      %dma_wait3A_1385 = arith.constant 0 : i32
      %dma_wait3A_1386 = tpu.memref_slice %arg7[%dma_wait3A_1376, %dma_wait3A_1384, %dma_wait3A_1385] : memref<16x16x128xf32, #tpu.memory_space<vmem>> -> memref<1x16x128xf32, #tpu.memory_space<vmem>>
      %dma_wait3A_1387 = tpu.memref_squeeze %dma_wait3A_1386 : memref<1x16x128xf32, #tpu.memory_space<vmem>> -> memref<16x128xf32, #tpu.memory_space<vmem>>
      %dma_wait3A_1388 = arith.constant 0 : i32
      %dma_wait3A_1389 = arith.constant 0 : i32
      %dma_wait3A_1390 = tpu.memref_slice %arg2[%dma_wait3A_1388, %dma_wait3A_1389] : memref<16x1000000xf32, #tpu.memory_space<hbm>> -> memref<16x128xf32, #tpu.memory_space<hbm>>
      tpu.wait_dma2 semaphore(%arg10 : memref<!tpu.dma_semaphore, #tpu.memory_space<semaphore_mem>>) src(%dma_wait3A_1390 : memref<16x128xf32, #tpu.memory_space<hbm>>) dst(%dma_wait3A_1387 : memref<16x128xf32, #tpu.memory_space<vmem>>)
      %add3A_1391 = arith.constant 1 : i32
      %add3A_1392 = arith.addi %mul3A_326, %add3A_1391 : i32
      %mul3A_1393 = arith.constant 16 : i32
      %mul3A_1394 = arith.muli %add3A_1392, %mul3A_1393 : i32
      %get3A_1395 = arith.index_cast %mul3A_1394 : i32 to index
      %get3A_1396 = tpu.vector_load %arg5[%get3A_1395] {strides = array<i32>} : memref<512xi32, #tpu.memory_space<vmem>>, vector<16xi32>,
      %slice3A_1397 = vector.extract_strided_slice %get3A_1396 {offsets = [0], sizes = [1], strides = [1]} : vector<16xi32> to vector<1xi32>
      %squeeze3A_1398 = vector.extract %slice3A_1397[0] : i32 from vector<1xi32>
      %and3A_1399 = arith.constant 127 : i32
      %and3A_1400 = arith.andi %squeeze3A_1398, %and3A_1399 : i32
      %broadcast_in_dim3A_1401 = vector.broadcast %and3A_1400 : i32 to vector<16xi32>
      %gather3A_1402 = arith.constant 0 : i32
      %gather3A_1403 = arith.constant 0 : i32
      %gather3A_1404 = arith.constant 0 : i32
      %gather3A_1405 = tpu.memref_slice %arg7[%gather3A_1402, %gather3A_1403, %gather3A_1404] : memref<16x16x128xf32, #tpu.memory_space<vmem>> -> memref<1x16x128xf32, #tpu.memory_space<vmem>>
      %gather3A_1406 = tpu.memref_squeeze %gather3A_1405 : memref<1x16x128xf32, #tpu.memory_space<vmem>> -> memref<16x128xf32, #tpu.memory_space<vmem>>
      %gather3A_1407 = tpu.vector_load_idx %gather3A_1406[%iota3A, %broadcast_in_dim3A_1401] : memref<16x128xf32, #tpu.memory_space<vmem>>[vector<16xi32>, vector<16xi32>], vector<16xf32>,
      %mul3A_1408 = arith.constant 16 : i32
      %mul3A_1409 = arith.muli %add3A_1392, %mul3A_1408 : i32
      %add3A_1410 = arith.constant 0 : i32
      %add3A_1411 = arith.addi %mul3A_1409, %add3A_1410 : i32
      %broadcast_in_dim3A_1412 = vector.broadcast %add3A_1411 : i32 to vector<16xi32>
      tpu.vector_store_idx %arg8[%iota3A, %broadcast_in_dim3A_1412], %gather3A_1407 : memref<16x512xf32, #tpu.memory_space<vmem>>[vector<16xi32>, vector<16xi32>], vector<16xf32>,
      %slice3A_1413 = vector.extract_strided_slice %get3A_1396 {offsets = [1], sizes = [1], strides = [1]} : vector<16xi32> to vector<1xi32>
      %squeeze3A_1414 = vector.extract %slice3A_1413[0] : i32 from vector<1xi32>
      %and3A_1415 = arith.constant 127 : i32
      %and3A_1416 = arith.andi %squeeze3A_1414, %and3A_1415 : i32
      %broadcast_in_dim3A_1417 = vector.broadcast %and3A_1416 : i32 to vector<16xi32>
      %gather3A_1418 = arith.constant 1 : i32
      %gather3A_1419 = arith.constant 0 : i32
      %gather3A_1420 = arith.constant 0 : i32
      %gather3A_1421 = tpu.memref_slice %arg7[%gather3A_1418, %gather3A_1419, %gather3A_1420] : memref<16x16x128xf32, #tpu.memory_space<vmem>> -> memref<1x16x128xf32, #tpu.memory_space<vmem>>
      %gather3A_1422 = tpu.memref_squeeze %gather3A_1421 : memref<1x16x128xf32, #tpu.memory_space<vmem>> -> memref<16x128xf32, #tpu.memory_space<vmem>>
      %gather3A_1423 = tpu.vector_load_idx %gather3A_1422[%iota3A, %broadcast_in_dim3A_1417] : memref<16x128xf32, #tpu.memory_space<vmem>>[vector<16xi32>, vector<16xi32>], vector<16xf32>,
      %mul3A_1424 = arith.constant 16 : i32
      %mul3A_1425 = arith.muli %add3A_1392, %mul3A_1424 : i32
      %add3A_1426 = arith.constant 1 : i32
      %add3A_1427 = arith.addi %mul3A_1425, %add3A_1426 : i32
      %broadcast_in_dim3A_1428 = vector.broadcast %add3A_1427 : i32 to vector<16xi32>
      tpu.vector_store_idx %arg8[%iota3A, %broadcast_in_dim3A_1428], %gather3A_1423 : memref<16x512xf32, #tpu.memory_space<vmem>>[vector<16xi32>, vector<16xi32>], vector<16xf32>,
      %slice3A_1429 = vector.extract_strided_slice %get3A_1396 {offsets = [2], sizes = [1], strides = [1]} : vector<16xi32> to vector<1xi32>
      %squeeze3A_1430 = vector.extract %slice3A_1429[0] : i32 from vector<1xi32>
      %and3A_1431 = arith.constant 127 : i32
      %and3A_1432 = arith.andi %squeeze3A_1430, %and3A_1431 : i32
      %broadcast_in_dim3A_1433 = vector.broadcast %and3A_1432 : i32 to vector<16xi32>
      %gather3A_1434 = arith.constant 2 : i32
      %gather3A_1435 = arith.constant 0 : i32
      %gather3A_1436 = arith.constant 0 : i32
      %gather3A_1437 = tpu.memref_slice %arg7[%gather3A_1434, %gather3A_1435, %gather3A_1436] : memref<16x16x128xf32, #tpu.memory_space<vmem>> -> memref<1x16x128xf32, #tpu.memory_space<vmem>>
      %gather3A_1438 = tpu.memref_squeeze %gather3A_1437 : memref<1x16x128xf32, #tpu.memory_space<vmem>> -> memref<16x128xf32, #tpu.memory_space<vmem>>
      %gather3A_1439 = tpu.vector_load_idx %gather3A_1438[%iota3A, %broadcast_in_dim3A_1433] : memref<16x128xf32, #tpu.memory_space<vmem>>[vector<16xi32>, vector<16xi32>], vector<16xf32>,
      %mul3A_1440 = arith.constant 16 : i32
      %mul3A_1441 = arith.muli %add3A_1392, %mul3A_1440 : i32
      %add3A_1442 = arith.constant 2 : i32
      %add3A_1443 = arith.addi %mul3A_1441, %add3A_1442 : i32
      %broadcast_in_dim3A_1444 = vector.broadcast %add3A_1443 : i32 to vector<16xi32>
      tpu.vector_store_idx %arg8[%iota3A, %broadcast_in_dim3A_1444], %gather3A_1439 : memref<16x512xf32, #tpu.memory_space<vmem>>[vector<16xi32>, vector<16xi32>], vector<16xf32>,
      %slice3A_1445 = vector.extract_strided_slice %get3A_1396 {offsets = [3], sizes = [1], strides = [1]} : vector<16xi32> to vector<1xi32>
      %squeeze3A_1446 = vector.extract %slice3A_1445[0] : i32 from vector<1xi32>
      %and3A_1447 = arith.constant 127 : i32
      %and3A_1448 = arith.andi %squeeze3A_1446, %and3A_1447 : i32
      %broadcast_in_dim3A_1449 = vector.broadcast %and3A_1448 : i32 to vector<16xi32>
      %gather3A_1450 = arith.constant 3 : i32
      %gather3A_1451 = arith.constant 0 : i32
      %gather3A_1452 = arith.constant 0 : i32
      %gather3A_1453 = tpu.memref_slice %arg7[%gather3A_1450, %gather3A_1451, %gather3A_1452] : memref<16x16x128xf32, #tpu.memory_space<vmem>> -> memref<1x16x128xf32, #tpu.memory_space<vmem>>
      %gather3A_1454 = tpu.memref_squeeze %gather3A_1453 : memref<1x16x128xf32, #tpu.memory_space<vmem>> -> memref<16x128xf32, #tpu.memory_space<vmem>>
      %gather3A_1455 = tpu.vector_load_idx %gather3A_1454[%iota3A, %broadcast_in_dim3A_1449] : memref<16x128xf32, #tpu.memory_space<vmem>>[vector<16xi32>, vector<16xi32>], vector<16xf32>,
      %mul3A_1456 = arith.constant 16 : i32
      %mul3A_1457 = arith.muli %add3A_1392, %mul3A_1456 : i32
      %add3A_1458 = arith.constant 3 : i32
      %add3A_1459 = arith.addi %mul3A_1457, %add3A_1458 : i32
      %broadcast_in_dim3A_1460 = vector.broadcast %add3A_1459 : i32 to vector<16xi32>
      tpu.vector_store_idx %arg8[%iota3A, %broadcast_in_dim3A_1460], %gather3A_1455 : memref<16x512xf32, #tpu.memory_space<vmem>>[vector<16xi32>, vector<16xi32>], vector<16xf32>,
      %slice3A_1461 = vector.extract_strided_slice %get3A_1396 {offsets = [4], sizes = [1], strides = [1]} : vector<16xi32> to vector<1xi32>
      %squeeze3A_1462 = vector.extract %slice3A_1461[0] : i32 from vector<1xi32>
      %and3A_1463 = arith.constant 127 : i32
      %and3A_1464 = arith.andi %squeeze3A_1462, %and3A_1463 : i32
      %broadcast_in_dim3A_1465 = vector.broadcast %and3A_1464 : i32 to vector<16xi32>
      %gather3A_1466 = arith.constant 4 : i32
      %gather3A_1467 = arith.constant 0 : i32
      %gather3A_1468 = arith.constant 0 : i32
      %gather3A_1469 = tpu.memref_slice %arg7[%gather3A_1466, %gather3A_1467, %gather3A_1468] : memref<16x16x128xf32, #tpu.memory_space<vmem>> -> memref<1x16x128xf32, #tpu.memory_space<vmem>>
      %gather3A_1470 = tpu.memref_squeeze %gather3A_1469 : memref<1x16x128xf32, #tpu.memory_space<vmem>> -> memref<16x128xf32, #tpu.memory_space<vmem>>
      %gather3A_1471 = tpu.vector_load_idx %gather3A_1470[%iota3A, %broadcast_in_dim3A_1465] : memref<16x128xf32, #tpu.memory_space<vmem>>[vector<16xi32>, vector<16xi32>], vector<16xf32>,
      %mul3A_1472 = arith.constant 16 : i32
      %mul3A_1473 = arith.muli %add3A_1392, %mul3A_1472 : i32
      %add3A_1474 = arith.constant 4 : i32
      %add3A_1475 = arith.addi %mul3A_1473, %add3A_1474 : i32
      %broadcast_in_dim3A_1476 = vector.broadcast %add3A_1475 : i32 to vector<16xi32>
      tpu.vector_store_idx %arg8[%iota3A, %broadcast_in_dim3A_1476], %gather3A_1471 : memref<16x512xf32, #tpu.memory_space<vmem>>[vector<16xi32>, vector<16xi32>], vector<16xf32>,
      %slice3A_1477 = vector.extract_strided_slice %get3A_1396 {offsets = [5], sizes = [1], strides = [1]} : vector<16xi32> to vector<1xi32>
      %squeeze3A_1478 = vector.extract %slice3A_1477[0] : i32 from vector<1xi32>
      %and3A_1479 = arith.constant 127 : i32
      %and3A_1480 = arith.andi %squeeze3A_1478, %and3A_1479 : i32
      %broadcast_in_dim3A_1481 = vector.broadcast %and3A_1480 : i32 to vector<16xi32>
      %gather3A_1482 = arith.constant 5 : i32
      %gather3A_1483 = arith.constant 0 : i32
      %gather3A_1484 = arith.constant 0 : i32
      %gather3A_1485 = tpu.memref_slice %arg7[%gather3A_1482, %gather3A_1483, %gather3A_1484] : memref<16x16x128xf32, #tpu.memory_space<vmem>> -> memref<1x16x128xf32, #tpu.memory_space<vmem>>
      %gather3A_1486 = tpu.memref_squeeze %gather3A_1485 : memref<1x16x128xf32, #tpu.memory_space<vmem>> -> memref<16x128xf32, #tpu.memory_space<vmem>>
      %gather3A_1487 = tpu.vector_load_idx %gather3A_1486[%iota3A, %broadcast_in_dim3A_1481] : memref<16x128xf32, #tpu.memory_space<vmem>>[vector<16xi32>, vector<16xi32>], vector<16xf32>,
      %mul3A_1488 = arith.constant 16 : i32
      %mul3A_1489 = arith.muli %add3A_1392, %mul3A_1488 : i32
      %add3A_1490 = arith.constant 5 : i32
      %add3A_1491 = arith.addi %mul3A_1489, %add3A_1490 : i32
      %broadcast_in_dim3A_1492 = vector.broadcast %add3A_1491 : i32 to vector<16xi32>
      tpu.vector_store_idx %arg8[%iota3A, %broadcast_in_dim3A_1492], %gather3A_1487 : memref<16x512xf32, #tpu.memory_space<vmem>>[vector<16xi32>, vector<16xi32>], vector<16xf32>,
      %slice3A_1493 = vector.extract_strided_slice %get3A_1396 {offsets = [6], sizes = [1], strides = [1]} : vector<16xi32> to vector<1xi32>
      %squeeze3A_1494 = vector.extract %slice3A_1493[0] : i32 from vector<1xi32>
      %and3A_1495 = arith.constant 127 : i32
      %and3A_1496 = arith.andi %squeeze3A_1494, %and3A_1495 : i32
      %broadcast_in_dim3A_1497 = vector.broadcast %and3A_1496 : i32 to vector<16xi32>
      %gather3A_1498 = arith.constant 6 : i32
      %gather3A_1499 = arith.constant 0 : i32
      %gather3A_1500 = arith.constant 0 : i32
      %gather3A_1501 = tpu.memref_slice %arg7[%gather3A_1498, %gather3A_1499, %gather3A_1500] : memref<16x16x128xf32, #tpu.memory_space<vmem>> -> memref<1x16x128xf32, #tpu.memory_space<vmem>>
      %gather3A_1502 = tpu.memref_squeeze %gather3A_1501 : memref<1x16x128xf32, #tpu.memory_space<vmem>> -> memref<16x128xf32, #tpu.memory_space<vmem>>
      %gather3A_1503 = tpu.vector_load_idx %gather3A_1502[%iota3A, %broadcast_in_dim3A_1497] : memref<16x128xf32, #tpu.memory_space<vmem>>[vector<16xi32>, vector<16xi32>], vector<16xf32>,
      %mul3A_1504 = arith.constant 16 : i32
      %mul3A_1505 = arith.muli %add3A_1392, %mul3A_1504 : i32
      %add3A_1506 = arith.constant 6 : i32
      %add3A_1507 = arith.addi %mul3A_1505, %add3A_1506 : i32
      %broadcast_in_dim3A_1508 = vector.broadcast %add3A_1507 : i32 to vector<16xi32>
      tpu.vector_store_idx %arg8[%iota3A, %broadcast_in_dim3A_1508], %gather3A_1503 : memref<16x512xf32, #tpu.memory_space<vmem>>[vector<16xi32>, vector<16xi32>], vector<16xf32>,
      %slice3A_1509 = vector.extract_strided_slice %get3A_1396 {offsets = [7], sizes = [1], strides = [1]} : vector<16xi32> to vector<1xi32>
      %squeeze3A_1510 = vector.extract %slice3A_1509[0] : i32 from vector<1xi32>
      %and3A_1511 = arith.constant 127 : i32
      %and3A_1512 = arith.andi %squeeze3A_1510, %and3A_1511 : i32
      %broadcast_in_dim3A_1513 = vector.broadcast %and3A_1512 : i32 to vector<16xi32>
      %gather3A_1514 = arith.constant 7 : i32
      %gather3A_1515 = arith.constant 0 : i32
      %gather3A_1516 = arith.constant 0 : i32
      %gather3A_1517 = tpu.memref_slice %arg7[%gather3A_1514, %gather3A_1515, %gather3A_1516] : memref<16x16x128xf32, #tpu.memory_space<vmem>> -> memref<1x16x128xf32, #tpu.memory_space<vmem>>
      %gather3A_1518 = tpu.memref_squeeze %gather3A_1517 : memref<1x16x128xf32, #tpu.memory_space<vmem>> -> memref<16x128xf32, #tpu.memory_space<vmem>>
      %gather3A_1519 = tpu.vector_load_idx %gather3A_1518[%iota3A, %broadcast_in_dim3A_1513] : memref<16x128xf32, #tpu.memory_space<vmem>>[vector<16xi32>, vector<16xi32>], vector<16xf32>,
      %mul3A_1520 = arith.constant 16 : i32
      %mul3A_1521 = arith.muli %add3A_1392, %mul3A_1520 : i32
      %add3A_1522 = arith.constant 7 : i32
      %add3A_1523 = arith.addi %mul3A_1521, %add3A_1522 : i32
      %broadcast_in_dim3A_1524 = vector.broadcast %add3A_1523 : i32 to vector<16xi32>
      tpu.vector_store_idx %arg8[%iota3A, %broadcast_in_dim3A_1524], %gather3A_1519 : memref<16x512xf32, #tpu.memory_space<vmem>>[vector<16xi32>, vector<16xi32>], vector<16xf32>,
      %slice3A_1525 = vector.extract_strided_slice %get3A_1396 {offsets = [8], sizes = [1], strides = [1]} : vector<16xi32> to vector<1xi32>
      %squeeze3A_1526 = vector.extract %slice3A_1525[0] : i32 from vector<1xi32>
      %and3A_1527 = arith.constant 127 : i32
      %and3A_1528 = arith.andi %squeeze3A_1526, %and3A_1527 : i32
      %broadcast_in_dim3A_1529 = vector.broadcast %and3A_1528 : i32 to vector<16xi32>
      %gather3A_1530 = arith.constant 8 : i32
      %gather3A_1531 = arith.constant 0 : i32
      %gather3A_1532 = arith.constant 0 : i32
      %gather3A_1533 = tpu.memref_slice %arg7[%gather3A_1530, %gather3A_1531, %gather3A_1532] : memref<16x16x128xf32, #tpu.memory_space<vmem>> -> memref<1x16x128xf32, #tpu.memory_space<vmem>>
      %gather3A_1534 = tpu.memref_squeeze %gather3A_1533 : memref<1x16x128xf32, #tpu.memory_space<vmem>> -> memref<16x128xf32, #tpu.memory_space<vmem>>
      %gather3A_1535 = tpu.vector_load_idx %gather3A_1534[%iota3A, %broadcast_in_dim3A_1529] : memref<16x128xf32, #tpu.memory_space<vmem>>[vector<16xi32>, vector<16xi32>], vector<16xf32>,
      %mul3A_1536 = arith.constant 16 : i32
      %mul3A_1537 = arith.muli %add3A_1392, %mul3A_1536 : i32
      %add3A_1538 = arith.constant 8 : i32
      %add3A_1539 = arith.addi %mul3A_1537, %add3A_1538 : i32
      %broadcast_in_dim3A_1540 = vector.broadcast %add3A_1539 : i32 to vector<16xi32>
      tpu.vector_store_idx %arg8[%iota3A, %broadcast_in_dim3A_1540], %gather3A_1535 : memref<16x512xf32, #tpu.memory_space<vmem>>[vector<16xi32>, vector<16xi32>], vector<16xf32>,
      %slice3A_1541 = vector.extract_strided_slice %get3A_1396 {offsets = [9], sizes = [1], strides = [1]} : vector<16xi32> to vector<1xi32>
      %squeeze3A_1542 = vector.extract %slice3A_1541[0] : i32 from vector<1xi32>
      %and3A_1543 = arith.constant 127 : i32
      %and3A_1544 = arith.andi %squeeze3A_1542, %and3A_1543 : i32
      %broadcast_in_dim3A_1545 = vector.broadcast %and3A_1544 : i32 to vector<16xi32>
      %gather3A_1546 = arith.constant 9 : i32
      %gather3A_1547 = arith.constant 0 : i32
      %gather3A_1548 = arith.constant 0 : i32
      %gather3A_1549 = tpu.memref_slice %arg7[%gather3A_1546, %gather3A_1547, %gather3A_1548] : memref<16x16x128xf32, #tpu.memory_space<vmem>> -> memref<1x16x128xf32, #tpu.memory_space<vmem>>
      %gather3A_1550 = tpu.memref_squeeze %gather3A_1549 : memref<1x16x128xf32, #tpu.memory_space<vmem>> -> memref<16x128xf32, #tpu.memory_space<vmem>>
      %gather3A_1551 = tpu.vector_load_idx %gather3A_1550[%iota3A, %broadcast_in_dim3A_1545] : memref<16x128xf32, #tpu.memory_space<vmem>>[vector<16xi32>, vector<16xi32>], vector<16xf32>,
      %mul3A_1552 = arith.constant 16 : i32
      %mul3A_1553 = arith.muli %add3A_1392, %mul3A_1552 : i32
      %add3A_1554 = arith.constant 9 : i32
      %add3A_1555 = arith.addi %mul3A_1553, %add3A_1554 : i32
      %broadcast_in_dim3A_1556 = vector.broadcast %add3A_1555 : i32 to vector<16xi32>
      tpu.vector_store_idx %arg8[%iota3A, %broadcast_in_dim3A_1556], %gather3A_1551 : memref<16x512xf32, #tpu.memory_space<vmem>>[vector<16xi32>, vector<16xi32>], vector<16xf32>,
      %slice3A_1557 = vector.extract_strided_slice %get3A_1396 {offsets = [10], sizes = [1], strides = [1]} : vector<16xi32> to vector<1xi32>
      %squeeze3A_1558 = vector.extract %slice3A_1557[0] : i32 from vector<1xi32>
      %and3A_1559 = arith.constant 127 : i32
      %and3A_1560 = arith.andi %squeeze3A_1558, %and3A_1559 : i32
      %broadcast_in_dim3A_1561 = vector.broadcast %and3A_1560 : i32 to vector<16xi32>
      %gather3A_1562 = arith.constant 10 : i32
      %gather3A_1563 = arith.constant 0 : i32
      %gather3A_1564 = arith.constant 0 : i32
      %gather3A_1565 = tpu.memref_slice %arg7[%gather3A_1562, %gather3A_1563, %gather3A_1564] : memref<16x16x128xf32, #tpu.memory_space<vmem>> -> memref<1x16x128xf32, #tpu.memory_space<vmem>>
      %gather3A_1566 = tpu.memref_squeeze %gather3A_1565 : memref<1x16x128xf32, #tpu.memory_space<vmem>> -> memref<16x128xf32, #tpu.memory_space<vmem>>
      %gather3A_1567 = tpu.vector_load_idx %gather3A_1566[%iota3A, %broadcast_in_dim3A_1561] : memref<16x128xf32, #tpu.memory_space<vmem>>[vector<16xi32>, vector<16xi32>], vector<16xf32>,
      %mul3A_1568 = arith.constant 16 : i32
      %mul3A_1569 = arith.muli %add3A_1392, %mul3A_1568 : i32
      %add3A_1570 = arith.constant 10 : i32
      %add3A_1571 = arith.addi %mul3A_1569, %add3A_1570 : i32
      %broadcast_in_dim3A_1572 = vector.broadcast %add3A_1571 : i32 to vector<16xi32>
      tpu.vector_store_idx %arg8[%iota3A, %broadcast_in_dim3A_1572], %gather3A_1567 : memref<16x512xf32, #tpu.memory_space<vmem>>[vector<16xi32>, vector<16xi32>], vector<16xf32>,
      %slice3A_1573 = vector.extract_strided_slice %get3A_1396 {offsets = [11], sizes = [1], strides = [1]} : vector<16xi32> to vector<1xi32>
      %squeeze3A_1574 = vector.extract %slice3A_1573[0] : i32 from vector<1xi32>
      %and3A_1575 = arith.constant 127 : i32
      %and3A_1576 = arith.andi %squeeze3A_1574, %and3A_1575 : i32
      %broadcast_in_dim3A_1577 = vector.broadcast %and3A_1576 : i32 to vector<16xi32>
      %gather3A_1578 = arith.constant 11 : i32
      %gather3A_1579 = arith.constant 0 : i32
      %gather3A_1580 = arith.constant 0 : i32
      %gather3A_1581 = tpu.memref_slice %arg7[%gather3A_1578, %gather3A_1579, %gather3A_1580] : memref<16x16x128xf32, #tpu.memory_space<vmem>> -> memref<1x16x128xf32, #tpu.memory_space<vmem>>
      %gather3A_1582 = tpu.memref_squeeze %gather3A_1581 : memref<1x16x128xf32, #tpu.memory_space<vmem>> -> memref<16x128xf32, #tpu.memory_space<vmem>>
      %gather3A_1583 = tpu.vector_load_idx %gather3A_1582[%iota3A, %broadcast_in_dim3A_1577] : memref<16x128xf32, #tpu.memory_space<vmem>>[vector<16xi32>, vector<16xi32>], vector<16xf32>,
      %mul3A_1584 = arith.constant 16 : i32
      %mul3A_1585 = arith.muli %add3A_1392, %mul3A_1584 : i32
      %add3A_1586 = arith.constant 11 : i32
      %add3A_1587 = arith.addi %mul3A_1585, %add3A_1586 : i32
      %broadcast_in_dim3A_1588 = vector.broadcast %add3A_1587 : i32 to vector<16xi32>
      tpu.vector_store_idx %arg8[%iota3A, %broadcast_in_dim3A_1588], %gather3A_1583 : memref<16x512xf32, #tpu.memory_space<vmem>>[vector<16xi32>, vector<16xi32>], vector<16xf32>,
      %slice3A_1589 = vector.extract_strided_slice %get3A_1396 {offsets = [12], sizes = [1], strides = [1]} : vector<16xi32> to vector<1xi32>
      %squeeze3A_1590 = vector.extract %slice3A_1589[0] : i32 from vector<1xi32>
      %and3A_1591 = arith.constant 127 : i32
      %and3A_1592 = arith.andi %squeeze3A_1590, %and3A_1591 : i32
      %broadcast_in_dim3A_1593 = vector.broadcast %and3A_1592 : i32 to vector<16xi32>
      %gather3A_1594 = arith.constant 12 : i32
      %gather3A_1595 = arith.constant 0 : i32
      %gather3A_1596 = arith.constant 0 : i32
      %gather3A_1597 = tpu.memref_slice %arg7[%gather3A_1594, %gather3A_1595, %gather3A_1596] : memref<16x16x128xf32, #tpu.memory_space<vmem>> -> memref<1x16x128xf32, #tpu.memory_space<vmem>>
      %gather3A_1598 = tpu.memref_squeeze %gather3A_1597 : memref<1x16x128xf32, #tpu.memory_space<vmem>> -> memref<16x128xf32, #tpu.memory_space<vmem>>
      %gather3A_1599 = tpu.vector_load_idx %gather3A_1598[%iota3A, %broadcast_in_dim3A_1593] : memref<16x128xf32, #tpu.memory_space<vmem>>[vector<16xi32>, vector<16xi32>], vector<16xf32>,
      %mul3A_1600 = arith.constant 16 : i32
      %mul3A_1601 = arith.muli %add3A_1392, %mul3A_1600 : i32
      %add3A_1602 = arith.constant 12 : i32
      %add3A_1603 = arith.addi %mul3A_1601, %add3A_1602 : i32
      %broadcast_in_dim3A_1604 = vector.broadcast %add3A_1603 : i32 to vector<16xi32>
      tpu.vector_store_idx %arg8[%iota3A, %broadcast_in_dim3A_1604], %gather3A_1599 : memref<16x512xf32, #tpu.memory_space<vmem>>[vector<16xi32>, vector<16xi32>], vector<16xf32>,
      %slice3A_1605 = vector.extract_strided_slice %get3A_1396 {offsets = [13], sizes = [1], strides = [1]} : vector<16xi32> to vector<1xi32>
      %squeeze3A_1606 = vector.extract %slice3A_1605[0] : i32 from vector<1xi32>
      %and3A_1607 = arith.constant 127 : i32
      %and3A_1608 = arith.andi %squeeze3A_1606, %and3A_1607 : i32
      %broadcast_in_dim3A_1609 = vector.broadcast %and3A_1608 : i32 to vector<16xi32>
      %gather3A_1610 = arith.constant 13 : i32
      %gather3A_1611 = arith.constant 0 : i32
      %gather3A_1612 = arith.constant 0 : i32
      %gather3A_1613 = tpu.memref_slice %arg7[%gather3A_1610, %gather3A_1611, %gather3A_1612] : memref<16x16x128xf32, #tpu.memory_space<vmem>> -> memref<1x16x128xf32, #tpu.memory_space<vmem>>
      %gather3A_1614 = tpu.memref_squeeze %gather3A_1613 : memref<1x16x128xf32, #tpu.memory_space<vmem>> -> memref<16x128xf32, #tpu.memory_space<vmem>>
      %gather3A_1615 = tpu.vector_load_idx %gather3A_1614[%iota3A, %broadcast_in_dim3A_1609] : memref<16x128xf32, #tpu.memory_space<vmem>>[vector<16xi32>, vector<16xi32>], vector<16xf32>,
      %mul3A_1616 = arith.constant 16 : i32
      %mul3A_1617 = arith.muli %add3A_1392, %mul3A_1616 : i32
      %add3A_1618 = arith.constant 13 : i32
      %add3A_1619 = arith.addi %mul3A_1617, %add3A_1618 : i32
      %broadcast_in_dim3A_1620 = vector.broadcast %add3A_1619 : i32 to vector<16xi32>
      tpu.vector_store_idx %arg8[%iota3A, %broadcast_in_dim3A_1620], %gather3A_1615 : memref<16x512xf32, #tpu.memory_space<vmem>>[vector<16xi32>, vector<16xi32>], vector<16xf32>,
      %slice3A_1621 = vector.extract_strided_slice %get3A_1396 {offsets = [14], sizes = [1], strides = [1]} : vector<16xi32> to vector<1xi32>
      %squeeze3A_1622 = vector.extract %slice3A_1621[0] : i32 from vector<1xi32>
      %and3A_1623 = arith.constant 127 : i32
      %and3A_1624 = arith.andi %squeeze3A_1622, %and3A_1623 : i32
      %broadcast_in_dim3A_1625 = vector.broadcast %and3A_1624 : i32 to vector<16xi32>
      %gather3A_1626 = arith.constant 14 : i32
      %gather3A_1627 = arith.constant 0 : i32
      %gather3A_1628 = arith.constant 0 : i32
      %gather3A_1629 = tpu.memref_slice %arg7[%gather3A_1626, %gather3A_1627, %gather3A_1628] : memref<16x16x128xf32, #tpu.memory_space<vmem>> -> memref<1x16x128xf32, #tpu.memory_space<vmem>>
      %gather3A_1630 = tpu.memref_squeeze %gather3A_1629 : memref<1x16x128xf32, #tpu.memory_space<vmem>> -> memref<16x128xf32, #tpu.memory_space<vmem>>
      %gather3A_1631 = tpu.vector_load_idx %gather3A_1630[%iota3A, %broadcast_in_dim3A_1625] : memref<16x128xf32, #tpu.memory_space<vmem>>[vector<16xi32>, vector<16xi32>], vector<16xf32>,
      %mul3A_1632 = arith.constant 16 : i32
      %mul3A_1633 = arith.muli %add3A_1392, %mul3A_1632 : i32
      %add3A_1634 = arith.constant 14 : i32
      %add3A_1635 = arith.addi %mul3A_1633, %add3A_1634 : i32
      %broadcast_in_dim3A_1636 = vector.broadcast %add3A_1635 : i32 to vector<16xi32>
      tpu.vector_store_idx %arg8[%iota3A, %broadcast_in_dim3A_1636], %gather3A_1631 : memref<16x512xf32, #tpu.memory_space<vmem>>[vector<16xi32>, vector<16xi32>], vector<16xf32>,
      %slice3A_1637 = vector.extract_strided_slice %get3A_1396 {offsets = [15], sizes = [1], strides = [1]} : vector<16xi32> to vector<1xi32>
      %squeeze3A_1638 = vector.extract %slice3A_1637[0] : i32 from vector<1xi32>
      %and3A_1639 = arith.constant 127 : i32
      %and3A_1640 = arith.andi %squeeze3A_1638, %and3A_1639 : i32
      %broadcast_in_dim3A_1641 = vector.broadcast %and3A_1640 : i32 to vector<16xi32>
      %gather3A_1642 = arith.constant 15 : i32
      %gather3A_1643 = arith.constant 0 : i32
      %gather3A_1644 = arith.constant 0 : i32
      %gather3A_1645 = tpu.memref_slice %arg7[%gather3A_1642, %gather3A_1643, %gather3A_1644] : memref<16x16x128xf32, #tpu.memory_space<vmem>> -> memref<1x16x128xf32, #tpu.memory_space<vmem>>
      %gather3A_1646 = tpu.memref_squeeze %gather3A_1645 : memref<1x16x128xf32, #tpu.memory_space<vmem>> -> memref<16x128xf32, #tpu.memory_space<vmem>>
      %gather3A_1647 = tpu.vector_load_idx %gather3A_1646[%iota3A, %broadcast_in_dim3A_1641] : memref<16x128xf32, #tpu.memory_space<vmem>>[vector<16xi32>, vector<16xi32>], vector<16xf32>,
      %mul3A_1648 = arith.constant 16 : i32
      %mul3A_1649 = arith.muli %add3A_1392, %mul3A_1648 : i32
      %add3A_1650 = arith.constant 15 : i32
      %add3A_1651 = arith.addi %mul3A_1649, %add3A_1650 : i32
      %broadcast_in_dim3A_1652 = vector.broadcast %add3A_1651 : i32 to vector<16xi32>
      tpu.vector_store_idx %arg8[%iota3A, %broadcast_in_dim3A_1652], %gather3A_1647 : memref<16x512xf32, #tpu.memory_space<vmem>>[vector<16xi32>, vector<16xi32>], vector<16xf32>,
    }
    %scan3A_323 = arith.constant 16 : i32
    "tpu.region"() ({
      %run_scoped3A = tpu.sem_alloc : memref<!tpu.dma_semaphore, #tpu.memory_space<semaphore_mem>>
      %dma_start3A_324 = arith.constant 0 : i32
      %dma_start3A_325 = tpu.memref_slice %arg4[%dma_start3A_324, %mul3A_2] : memref<16x16384xf32, #tpu.memory_space<hbm>> -> memref<16x512xf32, #tpu.memory_space<hbm>>
      %dma_start3A_326 = arith.constant 0 : i32
      %dma_start3A_327 = tpu.memref_slice %arg4[%dma_start3A_326, %mul3A_2] : memref<16x16384xf32, #tpu.memory_space<hbm>> -> memref<16x512xf32, #tpu.memory_space<hbm>>
      tpu.enqueue_dma source(%arg8 : memref<16x512xf32, #tpu.memory_space<vmem>>) target(%dma_start3A_327 : memref<16x512xf32, #tpu.memory_space<hbm>>) target_semaphore(%run_scoped3A : memref<!tpu.dma_semaphore, #tpu.memory_space<semaphore_mem>>)
      %dma_wait3A = arith.constant 0 : i32
      %dma_wait3A_328 = tpu.memref_slice %arg4[%dma_wait3A, %mul3A_2] : memref<16x16384xf32, #tpu.memory_space<hbm>> -> memref<16x512xf32, #tpu.memory_space<hbm>>
      %dma_wait3A_329 = arith.constant 0 : i32
      %dma_wait3A_330 = tpu.memref_slice %arg4[%dma_wait3A_329, %mul3A_2] : memref<16x16384xf32, #tpu.memory_space<hbm>> -> memref<16x512xf32, #tpu.memory_space<hbm>>
      tpu.wait_dma2 semaphore(%run_scoped3A : memref<!tpu.dma_semaphore, #tpu.memory_space<semaphore_mem>>) src(%arg8 : memref<16x512xf32, #tpu.memory_space<vmem>>) dst(%dma_wait3A_330 : memref<16x512xf32, #tpu.memory_space<hbm>>)
      tpu.yield
    }) : () -> ()
    return
  }
}

</mosaic_0001>

<sc_bundles>
// kernel: kernel.3.cloned.1.call-start
scs
__scs_entry_jumppad:
0x0: {  	(pc) =	sbr.rel $0x88, $3  }
0x1: {  	(tag) =	ssettag $0x0;
	lr =	simm.s32 $0x1  }
0x2: {  	[smem:$0x3F9F] =	sst lr;
	_ =	strace $0xD0000000  }
0x3: {  	_ = 	snop  }
0x4: {  	_ = 	snop  }
0x5: {  	_ = 	snop  }
0x6: {  	_ = 	snop  }
0x7: {  	_ = 	snop  }
__scs_overlays_trampoline_lowered:
0x8: {  	[smem:$0x3FAE] =	sst s0  }
0x9: {  	[smem:$0x3FAF] =	sst s1  }
0xa: {  	[smem:$0x3FB0] =	sst s2  }
0xb: {  	[smem:$0x3FB1] =	sst s3  }
0xc: {  	[smem:$0x3FB2] =	sst s4  }
0xd: {  	[smem:$0x3FB3] =	sst s5  }
0xe: {  	[smem:$0x3FB4] =	sst s6  }
0xf: {  	[smem:$0x3FB5] =	sst s7  }
0x10: {  	[smem:$0x3FB6] =	sst s8  }
0x11: {  	[smem:$0x3FB7] =	sst s9;
	s0 =	simm.s32 @!p0 $0x0  }
0x12: {  	s1 =	sld [smem:$0x3F9D];
	s0 =	simm.s32 @p0 $0x1  }
0x13: {  	[smem:$0x3FB8] =	sst s0;
	s0 =	simm.s32 @!p1 $0x0  }
0x14: {  	s2 =	sld [smem:$0x3F9C];
	s0 =	simm.s32 @p1 $0x1  }
0x15: {  	[smem:$0x3FB9] =	sst s0;
	s0 =	simm.s32 @!p2 $0x0  }
0x16: {  	s3 =	sld [smem:$0x3FDB];
	s0 =	simm.s32 @p2 $0x1  }
0x17: {  	s4 =	simm.s32 $0x1BF5;
	[smem:$0x3FBB] =	sst s0  }
0x18: {  	s0 =	sld [smem:$0x3F9E];
	_ =	swait.ge [sflag:s4], $0x0  }
0x19: {  	s7 =	sld [smem:$0x3F9F]  }
0x1a: {  	s8 =	sadd.s32 $0xFFFFE003, lr  }
0x1b: {  	s9 =	sadd.s32 $0xFFFFFEF7, lr;
	s5 =	simm.s32 $0xFFFFFFFF;
	p2 =	slt.u32 s8, $0xFFFFF086  }
0x1c: {  	p1 =	slt.u32 s9, $0xF7A;
	s5 =	simm.s32 @!p2 $0x0  }
0x1d: {  	s5 =	simm.s32 @p1 $0x1;
	p0 =	seq.s32 s7, s2  }
0x1e: {  	s7 =	smul.u32 @!p0 $0xF7A, s2;
	p2 =	seq.s32 @!p0 s5, $0x0  }
0x1f: {  	s9 =	smul.u32 $0xF7A, s1;
	s8 =	simm.s32 @!p0 $0x1BF5;
	p2 =	por !p2, p0  }
0x20: {  	[sflag:s8] =	ssyncset.s32 @!p0 $0xFFFFF086;
	s6 =	sadd.s32 @!p0 s3, s7;
	s7 =	simm.s32 @!p0 $0x108  }
0x21: {  	s3 =	sadd.s32 s3, s9;
	s6 =	sadd.s32 @!p0 $0x88, s6;
	s7 =	simm.s32 @p2 $0x1082  }
0x22: {  	[simem:s7], [sflag:s8] =	dma.local @!p0 [hbm:s6], $0xF7A  }
0x23: {  	s9 =	sor.u32 $0xD0000000, s2;
	s6 =	simm.s32 $0x108;
	_ =	swait.ge @!p0 [sflag:s8], $0x0  }
0x24: {  	s3 =	sadd.s32 $0x88, s3;
	s6 =	simm.s32 @!p1 $0x1082;
	[sflag:s4] =	ssyncset.s32 $0xFFFFF086  }
0x25: {  	[simem:s6], [sflag:s4] =	dma.local [hbm:s3], $0xF7A  }
0x26: {  	[smem:$0x3F9F] =	sst s1;
	(tag) =	ssettag s2;
	_ =	strace s9  }
0x27: {  	s1 =	sld [smem:$0x3FAF]  }
0x28: {  	s2 =	sld [smem:$0x3FB0]  }
0x29: {  	s4 =	sld [smem:$0x3FB2]  }
0x2a: {  	p0 =	seq.s32 s5, $0x0;
	s5 =	sld [smem:$0x3FB3]  }
0x2b: {  	s6 =	sld [smem:$0x3FB4]  }
0x2c: {  	s7 =	sld [smem:$0x3FB5]  }
0x2d: {  	s3 =	simm.s32 $0x108;
	s8 =	sld [smem:$0x3FB6]  }
0x2e: {  	s3 =	simm.s32 @!p0 $0x1082;
	s9 =	sld [smem:$0x3FB7]  }
0x2f: {  	lr =	sadd.s32 s0, s3;
	s0 =	sld [smem:$0x3FAE]  }
0x30: {  	s3 =	sld [smem:$0x3FB1]  }
0x31: {  	[smem:$0x3FBA] =	sst s10  }
0x32: {  	s10 =	sld [smem:$0x3FB8];
	_ =	sdelay $0x3  }
0x33: {  	p0 =	seq.s32 s10, $0x1;
	s10 =	sld [smem:$0x3FBA];
	_ =	sdelay $0x3  }
0x34: {  	[smem:$0x3FBA] =	sst s10  }
0x35: {  	s10 =	sld [smem:$0x3FB9];
	_ =	sdelay $0x3  }
0x36: {  	p1 =	seq.s32 s10, $0x1;
	s10 =	sld [smem:$0x3FBA];
	_ =	sdelay $0x3  }
0x37: {  	[smem:$0x3FBA] =	sst s10  }
0x38: {  	s10 =	sld [smem:$0x3FBB]  }
0x39: {  	_ = 	snop;
	(pc) =	sbr.ind lr, $3  }
0x3a: {  	_ = 	snop  }
0x3b: {  	_ = 	snop  }
0x3c: {  	p2 =	seq.s32 s10, $0x1;
	s10 =	sld [smem:$0x3FBA]  }
0x3d: {  	_ =	shalt  }
0x3e: {  	_ =	shalt  }
0x3f: {  	_ =	shalt  }
0x40: {  	_ =	shalt  }
0x41: {  	_ =	shalt  }
0x42: {  	_ =	shalt  }
0x43: {  	_ =	shalt  }
0x44: {  	_ =	shalt  }
0x45: {  	_ =	shalt  }
0x46: {  	_ =	shalt  }
0x47: {  	_ =	shalt  }
0x48: {  	_ =	shalt  }
0x49: {  	_ =	shalt  }
0x4a: {  	_ =	shalt  }
0x4b: {  	_ =	shalt  }
0x4c: {  	_ =	shalt  }
0x4d: {  	_ =	shalt  }
0x4e: {  	_ =	shalt  }
0x4f: {  	_ =	shalt  }
0x50: {  	_ =	shalt  }
0x51: {  	_ =	shalt  }
0x52: {  	_ =	shalt  }
0x53: {  	_ =	shalt  }
0x54: {  	_ =	shalt  }
0x55: {  	_ =	shalt  }
0x56: {  	_ =	shalt  }
0x57: {  	_ =	shalt  }
0x58: {  	_ =	shalt  }
0x59: {  	_ =	shalt  }
0x5a: {  	_ =	shalt  }
0x5b: {  	_ =	shalt  }
0x5c: {  	_ =	shalt  }
0x5d: {  	_ =	shalt  }
0x5e: {  	_ =	shalt  }
0x5f: {  	_ =	shalt  }
0x60: {  	_ =	shalt  }
0x61: {  	_ =	shalt  }
0x62: {  	_ =	shalt  }
0x63: {  	_ =	shalt  }
0x64: {  	_ =	shalt  }
0x65: {  	_ =	shalt  }
0x66: {  	_ =	shalt  }
0x67: {  	_ =	shalt  }
0x68: {  	_ =	shalt  }
0x69: {  	_ =	shalt  }
0x6a: {  	_ =	shalt  }
0x6b: {  	_ =	shalt  }
0x6c: {  	_ =	shalt  }
0x6d: {  	_ =	shalt  }
0x6e: {  	_ =	shalt  }
0x6f: {  	_ =	shalt  }
0x70: {  	_ =	shalt  }
0x71: {  	_ =	shalt  }
0x72: {  	_ =	shalt  }
0x73: {  	_ =	shalt  }
0x74: {  	_ =	shalt  }
0x75: {  	_ =	shalt  }
0x76: {  	_ =	shalt  }
0x77: {  	_ =	shalt  }
0x78: {  	_ =	shalt  }
0x79: {  	_ =	shalt  }
0x7a: {  	_ =	shalt  }
0x7b: {  	_ =	shalt  }
0x7c: {  	_ =	shalt  }
0x7d: {  	_ =	shalt  }
0x7e: {  	_ =	shalt  }
0x7f: {  	_ =	shalt  }
0x80: {  	_ =	shalt  }
0x81: {  	_ =	shalt  }
0x82: {  	_ =	shalt  }
0x83: {  	_ =	shalt  }
0x84: {  	_ =	shalt  }
0x85: {  	_ =	shalt  }
0x86: {  	_ =	shalt  }
0x87: {  	_ =	shalt  }
.Lfunc_end0:
.L_simem_size_0:
called_computation_lowered:
.L_overlay_start_0:
0x88: {  	s2 =	sld [smem:$0x3FD9]  }
0x89: {  	s3 =	sld [smem:$0x3FFE];
	_ =	sdelay $0x1  }
0x8a: {  	s1 =	srdreg.scid  }
0x8b: {  	s0 =	sand.u32 $0x1, s1  }
0x8c: {  	s18 =	sshll.u32 s0, $0xA;
	s2 =	sadd.s32 s3, s2  }
0x8d: {  	s2 =	sadd.s32 s2, s18  }
0x8e: {  	[smem:$0x3FC6] =	sst s2  }
0x8f: {  	_ = 	snop  }
0x90: {  	s2 =	sld [smem:$0x3FC9]  }
0x91: {  	s19 =	sld [smem:$0x3FC8]  }
0x92: {  	s4 =	sld [smem:$0x3FD0];
	(tm) =	ssettm $0x1  }
0x93: {  	s5 =	sld [smem:$0x3FFB];
	_ =	sdelay $0x3  }
0x94: {  	_ =	strace s5  }
0x95: {  	s5 =	sld [smem:$0x3FFC];
	_ =	sdelay $0x3  }
0x96: {  	_ =	strace s5  }
0x97: {  	s5 =	sld [smem:$0x3FFD];
	_ =	sdelay $0x3  }
0x98: {  	_ =	strace s5  }
0x99: {  	_ =	strace $0x8FFFFFFF  }
0x9a: {  	s20 =	sld [smem:$0x3FDB];
	_ =	sdelay $0x1  }
0x9b: {  	s6 =	simm.s32 $_scs_section_size  }
0x9c: {  	s7 =	simm.s32 $_size__tile_overlayer_lowered;
	s8 =	simm.s32 $_tile_overlayer_lowered  }
0x9d: {  	s23 =	simm.s32 $0x1BFF;
	s22 =	sshll.u32 s8, $0x1;
	s5 =	sadd.s32 s6, s20  }
0x9e: {  	s9 =	simm.s32 $0x0;
	s21 =	sshll.u32 s7, $0x1;
	s7 =	sadd.s32 s22, s5  }
0x9f: {  	[timem:s9], [sflag:s23] =	dma.local [hbm:s7], s21  }
0xa0: {  	_ =	swait.ge [sflag:s23], s21  }
0xa1: {  	s6 =	ssub.s32 $0x0, s21;
	[sflag:s23] =	ssyncset.done $0x0  }
0xa2: {  	[sflag:s23] =	ssyncadd.s32 s6;
	_ =	sdelay $0x1  }
0xa3: {  	s24 =	simm.s32 $0x1B8B  }
0xa4: {  	_ =	swait.ge [sflag:s24], $0x1  }
0xa5: {  	[sflag:s24] =	ssyncset.done $0x0  }
0xa6: {  	s25 =	simm.s32 $0x1B8E;
	[sflag:s24] =	ssyncadd.s32 $0xFFFFFFFF  }
0xa7: {  	s26 =	simm.s32 $execute0_lowered;
	[smem:$0x3FD2] =	sst s25  }
0xa8: {  	s6 =	sshll.u32 s26, $0x1;
	_ =	strace $0x80000046;
	[dreg:$0x1] =	wrdreg $0xFFFFFFFF  }
0xa9: {  	s28 =	simm.s32 $_size_execute0_lowered;
	s5 =	sadd.s32 s5, s6;
	[dreg:$0x0] =	wrdreg $0x0  }
0xaa: {  	s6 =	sshll.u32 s28, $0x1;
	[dreg:$0x2] =	wrdreg s5  }
0xab: {  	[dreg:$0x3] =	wrdreg s6  }
0xac: {  	[dreg:$0x4] =	wrdreg $0xC0  }
0xad: {  	_ =	task [dreg:s9], $0x5FFFF  }
0xae: {  	[dreg:$0x1] =	wrdreg $0xFFFFFFFF  }
0xaf: {  	[dreg:$0x0] =	wrdreg $0x60  }
0xb0: {  	[dreg:$0x2] =	wrdreg s19  }
0xb1: {  	[dreg:$0x3] =	wrdreg s2  }
0xb2: {  	[dreg:$0x4] =	wrdreg s4  }
0xb3: {  	[dreg:$0x5] =	wrdreg $0x9  }
0xb4: {  	_ =	task.clear_ibuf [dreg:s9], $0x6FFFF;
	_ =	strace $0x90000046  }
0xb5: {  	s29 =	simm.s32 $0x9;
	_ =	strace $0x80000048  }
0xb6: {  	_ =	swait.ge [sflag:s29], $0x1  }
0xb7: {  	[sflag:s29] =	ssyncadd.s32 $0xFFFFFFFF  }
0xb8: {  	_ =	strace $0x90000048  }
0xb9: {  	_ =	sfence  }
0xba: {  	s30 =	sld [smem:$0x0];
	_ =	sdelay $0x2  }
0xbb: {  	s31 =	sshll.u32 s1, $0xD;
	s1 =	sshrl.u32 s1, $0x2  }
0xbc: {  	s3 =	sand.u32 $0x4000, s31;
	s1 =	sadd.s32 s1, s30  }
0xbd: {  	s0 =	sor.u32 s3, s0;
	s1 =	sshll.u32 s1, $0x11  }
0xbe: {  	s0 =	sor.u32 s1, s0  }
0xbf: {  	s0 =	sadd.s32 $0x8F2B, s0  }
0xc0: {  	[sflag:s0] =	ssyncadd.remote.s32 $0x1  }
0xc1: {  	_ =	sfence.sel $0xFFFF  }
0xc2: {  	[dreg:$0x0] =	wrdreg $0xFFFFFFFF;
	(pc) =	sbr.abs _section_cstart, $3  }
0xc3: {  	[dreg:$0x1] =	wrdreg $0xFFFFFFFF  }
0xc4: {  	_ =	task.clear_ibuf [dreg:s9], $0x2FFFF;
	_ =	strace $0x9FFFFFFF  }
0xc5: {  	(tm) =	ssettm $0x7FFFFFFF  }
tec
execute0_lowered:
.L_overlay_start_1:
0x0: {  	(tag) =	ssettag $0x1  }
0x1: {  	s1 =	rddreg [dreg:$0x0]  }
0x2: {  	s0 =	rddreg [dreg:$0x1]  }
0x3: {  	s2 =	rddreg [dreg:$0x2]  }
0x4: {  	s3 =	srdreg.scid;
	s4 =	stileid.u32;
	s6 =	simm.s32 $0x0;
	v0 =	vimm.s32 $0x1380;
	vm0 =	vcmask $0x300  }
0x5: {  	vm14 =	vcmask $0x704;
	s19 =	simm.s32 $0x3;
	s8 =	simm.s32 $0x400;
	s9 =	simm.s32 $0x7A1400;
	v0 =	vsel vm0, $0x0, v0  }
0x6: {  	vm15 =	vcmask $0xB08;
	s21 =	simm.s32 $0x5A00;
	s22 =	simm.s32 $0x6200;
	s28 =	simm.s32 $0x8A00;
	v0 =	vsel vm14, $0x80, v0  }
0x7: {  	vm4 =	vcmask $0xF0C;
	s29 =	simm.s32 $0x9200;
	s30 =	simm.s32 $0x9A00;
	s31 =	simm.s32 $0xA200;
	v0 =	vsel vm15, $0x100, v0  }
0x8: {  	vm5 =	vcmask $0x1310;
	s7 =	simm.s32 $0xDA00;
	s10 =	simm.s32 $0xE200;
	s11 =	simm.s32 $0xEA00;
	v0 =	vsel vm4, $0x180, v0  }
0x9: {  	vm6 =	vcmask $0x1714;
	s12 =	simm.s32 $0xF200;
	s13 =	simm.s32 $0xFA00;
	s14 =	simm.s32 $0x1;
	v0 =	vsel vm5, $0x200, v0  }
0xa: {  	vm7 =	vcmask $0x1B18;
	s15 =	simm.s32 $0x10200;
	s16 =	simm.s32 $0x2;
	s18 =	simm.s32 $0x0;
	v0 =	vsel vm6, $0x280, v0  }
0xb: {  	vm8 =	vcmask $0x1F1C;
	s3 =	sand.u32 $0x1, s3;
	s4 =	sshll.u32 s4, $0xA;
	[smem:$0x7FF] =	sst s6;
	v0 =	vsel vm7, $0x300, v0  }
0xc: {  	vm9 =	vcmask $0x2320;
	s6 =	simm.s32 $0xD200;
	s5 =	sshll.u32 s3, $0x9;
	s3 =	ssub.s32 $0x2, s3;
	v0 =	vsel vm8, $0x380, v0  }
0xd: {  	vm10 =	vcmask $0x2724;
	_ =	strace $0x80000047;
	s4 =	sor.u32 s5, s4;
	s23 =	sshrl.u32 s3, $0x1;
	v0 =	vsel vm9, $0x1000, v0  }
0xe: {  	vm11 =	vcmask $0x2B28;
	s5 =	simm.s32 $0xCA00;
	s24 =	sshrl.u32 s4, $0x3;
	s3 =	ssub.s32 s3, s23;
	v0 =	vsel vm10, $0x1080, v0  }
.Ltmp0:
0xf: {  	vm12 =	vcmask $0x2F2C;
	s25 =	sadd.s32 s2, s4;
	s23 =	simm.s32 $0x6A00;
	v0 =	vsel vm11, $0x1100, v0;
	(pc) =	sbr.rel .LBB2_1-.Ltmp0, $4  }
0x10: {  	vm13 =	vcmask $0x3330;
	s2 =	simm.s32 $0xB200;
	s4 =	simm.s32 $0xC200;
	s0 =	sadd.s32 s0, s24;
	v0 =	vsel vm12, $0x1180, v0  }
0x11: {  	vm14 =	vcmask $0x3734;
	[dreg:$0x5] =	wrdreg s25;
	s26 =	smax.u32 s3, $0x1;
	s24 =	simm.s32 $0x7200;
	v0 =	vsel vm13, $0x1200, v0  }
0x12: {  	v1 =	vlaneseq.u32;
	vm15 =	vcmask $0x3B38;
	s25 =	simm.s32 $0x7A00;
	s3 =	simm.s32 $0xBA00;
	[dreg:$0x4] =	wrdreg s0;
	v2 =	vsel vm14, $0x1280, v0  }
0x13: {  	[dreg:$0x6] =	wrdreg s26;
	s26 =	simm.s32 $0x8200;
	s0 =	simm.s32 $0xAA00;
	v0 =	vmul.u32 $0x80, v1;
	v1 =	vsel vm15, $0x1300, v2  }
.LBB2_5:
0x14: {  	s17 =	rddreg [dreg:$0x5];
	s18 =	simm.s32 $0x1000;
	s19 =	simm.s32 $0x20000  }
0x15: {  	[hbm4b:s17+s18] =	stream.strided.scatter [tilespmem:s15], [sflag:$0x3], $0x2000, s19, s18, $0x38;
	[tilespmem:$0x12200] =	vst v63  }
0x16: {  	s19 =	simm.s32 $0x3  }
0x17: {  	_ =	swait.ge [sflag:s19], $0x2000  }
0x18: {  	s17 =	rddreg [dreg:$0x7]  }
0x19: {  	s20 =	rddreg [dreg:$0x6];
	s18 =	sadd.s32 $0x1, s17  }
0x1a: {  	p0 =	sne.s32 s18, s20  }
.Ltmp1:
0x1b: {  	_ = 	snop;
	(pc) =	sbr.rel @!p0 .LBB2_6-.Ltmp1, $3  }
0x1c: {  	_ =	sdelay $0x1  }
0x1d: {  	[sflag:s19] =	ssyncset.done $0x0  }
0x1e: {  	[sflag:s19] =	ssyncadd.s32 $0xFFFFE000  }
.LBB2_1:
0x1f: {  	[dreg:$0x7] =	wrdreg s18  }
0x20: {  	s17 =	simm.s32 $0x0;
	s20 =	rddreg [dreg:$0x4]  }
0x21: {  	[tilespmem:s17], [sflag:$0x3] =	stream.linear.gather [hbm4b:s20+s17], $0x200, $0x38;
	[tilespmem:$0x12200] =	vst v63  }
0x22: {  	_ =	swait.ge [sflag:s19], $0x200  }
0x23: {  	[sflag:s19] =	ssyncset.done $0x0  }
0x24: {  	[sflag:s19] =	ssyncadd.s32 $0xFFFFFE00  }
0x25: {  	v2 =	vld [tilespmem:$0x0];
	_ =	sdelay $0x4  }
0x26: {  	(v2sf) =	vpush v2, $0x0  }
0x27: {  	(v2sf) =	vpush v2, $0x1;
	_ =	sdelay $0x5  }
0x28: {  	(v2sf) =	vpush v2, $0x2;
	_ =	sdelay $0x2  }
0x29: {  	(v2sf) =	vpush v2, $0x3;
	_ =	sdelay $0x4  }
0x2a: {  	s19 =	spop (v2sf);
	(v2sf) =	vpush v2, $0x4  }
0x2b: {  	s17 =	sand.u32 $0xFFFFF80, s19;
	s19 =	spop (v2sf);
	(v2sf) =	vpush v2, $0x5;
	_ =	sdelay $0x2  }
0x2c: {  	s20 =	simm.s32 $0x200;
	s17 =	sadd.s32 s1, s17  }
0x2d: {  	[tilespmem:s20], [sflag:$0x1] =	stream.strided.gather [hbm4b:s17+s8], $0x800, s9, s8, $0x38;
	[tilespmem:$0x12200] =	vst v63  }
0x2e: {  	s17 =	sand.u32 $0xFFFFF80, s19  }
0x2f: {  	(v2sf) =	vpush v2, $0x6;
	s20 =	simm.s32 $0xA00;
	s19 =	spop (v2sf);
	s17 =	sadd.s32 s1, s17  }
0x30: {  	[tilespmem:s20], [sflag:$0x1] =	stream.strided.gather [hbm4b:s17+s8], $0x800, s9, s8, $0x38;
	[tilespmem:$0x12200] =	vst v63  }
0x31: {  	s17 =	sand.u32 $0xFFFFF80, s19  }
0x32: {  	s20 =	simm.s32 $0x1200;
	s19 =	spop (v2sf);
	(v2sf) =	vpush v2, $0x7;
	s17 =	sadd.s32 s1, s17  }
0x33: {  	[tilespmem:s20], [sflag:$0x1] =	stream.strided.gather [hbm4b:s17+s8], $0x800, s9, s8, $0x38;
	[tilespmem:$0x12200] =	vst v63  }
0x34: {  	s17 =	sand.u32 $0xFFFFF80, s19  }
0x35: {  	s20 =	simm.s32 $0x1A00;
	s17 =	sadd.s32 s1, s17  }
0x36: {  	[tilespmem:s20], [sflag:$0x1] =	stream.strided.gather [hbm4b:s17+s8], $0x800, s9, s8, $0x38;
	[tilespmem:$0x12200] =	vst v63  }
0x37: {  	s19 =	spop (v2sf);
	(v2sf) =	vpush v2, $0x8  }
0x38: {  	s17 =	sand.u32 $0xFFFFF80, s19;
	s19 =	spop (v2sf);
	(v2sf) =	vpush v2, $0x9;
	_ =	sdelay $0x2  }
0x39: {  	s20 =	simm.s32 $0x2200;
	s17 =	sadd.s32 s1, s17  }
0x3a: {  	(v2sf) =	vpush v2, $0xA;
	[tilespmem:s20], [sflag:$0x1] =	stream.strided.gather [hbm4b:s17+s8], $0x800, s9, s8, $0x38;
	[tilespmem:$0x12200] =	vst v63  }
0x3b: {  	s17 =	sand.u32 $0xFFFFF80, s19  }
0x3c: {  	s20 =	simm.s32 $0x2A00;
	s19 =	spop (v2sf);
	s17 =	sadd.s32 s1, s17  }
0x3d: {  	(v2sf) =	vpush v2, $0xB;
	[tilespmem:s20], [sflag:$0x1] =	stream.strided.gather [hbm4b:s17+s8], $0x800, s9, s8, $0x38;
	[tilespmem:$0x12200] =	vst v63  }
0x3e: {  	s17 =	sand.u32 $0xFFFFF80, s19  }
0x3f: {  	s20 =	simm.s32 $0x3200;
	s19 =	spop (v2sf);
	(v2sf) =	vpush v2, $0xC;
	s17 =	sadd.s32 s1, s17  }
0x40: {  	[tilespmem:s20], [sflag:$0x1] =	stream.strided.gather [hbm4b:s17+s8], $0x800, s9, s8, $0x38;
	[tilespmem:$0x12200] =	vst v63  }
0x41: {  	s17 =	sand.u32 $0xFFFFF80, s19  }
0x42: {  	s20 =	simm.s32 $0x3A00;
	s17 =	sadd.s32 s1, s17  }
0x43: {  	[tilespmem:s20], [sflag:$0x1] =	stream.strided.gather [hbm4b:s17+s8], $0x800, s9, s8, $0x38;
	[tilespmem:$0x12200] =	vst v63  }
0x44: {  	s19 =	spop (v2sf);
	(v2sf) =	vpush v2, $0xD  }
0x45: {  	s17 =	sand.u32 $0xFFFFF80, s19;
	s19 =	spop (v2sf);
	(v2sf) =	vpush v2, $0xE  }
0x46: {  	s20 =	simm.s32 $0x4200;
	s17 =	sadd.s32 s1, s17  }
0x47: {  	[tilespmem:s20], [sflag:$0x1] =	stream.strided.gather [hbm4b:s17+s8], $0x800, s9, s8, $0x38;
	[tilespmem:$0x12200] =	vst v63  }
0x48: {  	s17 =	sand.u32 $0xFFFFF80, s19  }
0x49: {  	s20 =	simm.s32 $0x4A00;
	s19 =	spop (v2sf);
	s17 =	sadd.s32 s1, s17  }
0x4a: {  	(v2sf) =	vpush v2, $0xF;
	[tilespmem:s20], [sflag:$0x1] =	stream.strided.gather [hbm4b:s17+s8], $0x800, s9, s8, $0x38;
	[tilespmem:$0x12200] =	vst v63  }
0x4b: {  	s17 =	sand.u32 $0xFFFFF80, s19  }
0x4c: {  	s18 =	spop (v2sf);
	s20 =	simm.s32 $0x5200;
	s17 =	sadd.s32 s1, s17  }
0x4d: {  	[tilespmem:s20], [sflag:$0x1] =	stream.strided.gather [hbm4b:s17+s8], $0x800, s9, s8, $0x38;
	[tilespmem:$0x12200] =	vst v63  }
0x4e: {  	s19 =	sand.u32 $0xFFFFF80, s18;
	s20 =	spop (v2sf)  }
0x4f: {  	s17 =	sadd.s32 s1, s19;
	s19 =	sand.u32 $0xFFFFF80, s20  }
0x50: {  	[tilespmem:s21], [sflag:$0x1] =	stream.strided.gather [hbm4b:s17+s8], $0x800, s9, s8, $0x38;
	[tilespmem:$0x12200] =	vst v63  }
0x51: {  	s17 =	sadd.s32 s1, s19  }
0x52: {  	[tilespmem:s22], [sflag:$0x1] =	stream.strided.gather [hbm4b:s17+s8], $0x800, s9, s8, $0x38;
	[tilespmem:$0x12200] =	vst v63  }
0x53: {  	s20 =	spop (v2sf)  }
0x54: {  	s19 =	sand.u32 $0xFFFFF80, s20;
	s20 =	spop (v2sf)  }
0x55: {  	s17 =	sadd.s32 s1, s19;
	s19 =	sand.u32 $0xFFFFF80, s20  }
0x56: {  	[tilespmem:s23], [sflag:$0x1] =	stream.strided.gather [hbm4b:s17+s8], $0x800, s9, s8, $0x38;
	[tilespmem:$0x12200] =	vst v63  }
0x57: {  	s17 =	sadd.s32 s1, s19  }
0x58: {  	[tilespmem:s24], [sflag:$0x1] =	stream.strided.gather [hbm4b:s17+s8], $0x800, s9, s8, $0x38;
	[tilespmem:$0x12200] =	vst v63  }
.Ltmp2:
0x59: {  	s20 =	spop (v2sf);
	(pc) =	sbr.rel .LBB2_2-.Ltmp2, $4  }
0x5a: {  	s17 =	sand.u32 $0xFFFFF80, s20  }
0x5b: {  	s17 =	sadd.s32 s1, s17  }
0x5c: {  	[tilespmem:s25], [sflag:$0x1] =	stream.strided.gather [hbm4b:s17+s8], $0x800, s9, s8, $0x38;
	[tilespmem:$0x12200] =	vst v63  }
0x5d: {  	s18 =	simm.s32 $0x0;
	s17 =	simm.s32 $0x10  }
.LBB2_4:
0x5e: {  	_ =	swait.ge [sflag:s16], $0x800  }
0x5f: {  	[sflag:s16] =	ssyncset.done $0x0  }
0x60: {  	[sflag:s16] =	ssyncadd.s32 $0xFFFFF800  }
0x61: {  	_ =	swait.ge [sflag:s16], $0x800  }
0x62: {  	[sflag:s16] =	ssyncset.done $0x0  }
0x63: {  	[sflag:s16] =	ssyncadd.s32 $0xFFFFF800  }
0x64: {  	_ =	swait.ge [sflag:s16], $0x800  }
0x65: {  	[sflag:s16] =	ssyncset.done $0x0  }
0x66: {  	[sflag:s16] =	ssyncadd.s32 $0xFFFFF800  }
0x67: {  	_ =	swait.ge [sflag:s16], $0x800  }
0x68: {  	[sflag:s16] =	ssyncset.done $0x0  }
0x69: {  	[sflag:s16] =	ssyncadd.s32 $0xFFFFF800  }
0x6a: {  	_ =	swait.ge [sflag:s16], $0x800  }
0x6b: {  	[sflag:s16] =	ssyncset.done $0x0  }
0x6c: {  	[sflag:s16] =	ssyncadd.s32 $0xFFFFF800  }
0x6d: {  	_ =	swait.ge [sflag:s16], $0x800  }
0x6e: {  	[sflag:s16] =	ssyncset.done $0x0  }
0x6f: {  	[sflag:s16] =	ssyncadd.s32 $0xFFFFF800  }
0x70: {  	_ =	swait.ge [sflag:s16], $0x800  }
0x71: {  	[sflag:s16] =	ssyncset.done $0x0  }
0x72: {  	[sflag:s16] =	ssyncadd.s32 $0xFFFFF800  }
0x73: {  	_ =	swait.ge [sflag:s16], $0x800  }
0x74: {  	[sflag:s16] =	ssyncset.done $0x0  }
0x75: {  	[sflag:s16] =	ssyncadd.s32 $0xFFFFF800  }
0x76: {  	_ =	swait.ge [sflag:s16], $0x800  }
0x77: {  	[sflag:s16] =	ssyncset.done $0x0  }
0x78: {  	[sflag:s16] =	ssyncadd.s32 $0xFFFFF800  }
0x79: {  	_ =	swait.ge [sflag:s16], $0x800  }
0x7a: {  	[sflag:s16] =	ssyncset.done $0x0  }
0x7b: {  	[sflag:s16] =	ssyncadd.s32 $0xFFFFF800  }
0x7c: {  	_ =	swait.ge [sflag:s16], $0x800  }
0x7d: {  	[sflag:s16] =	ssyncset.done $0x0  }
0x7e: {  	[sflag:s16] =	ssyncadd.s32 $0xFFFFF800  }
0x7f: {  	_ =	swait.ge [sflag:s16], $0x800  }
0x80: {  	[sflag:s16] =	ssyncset.done $0x0  }
0x81: {  	[sflag:s16] =	ssyncadd.s32 $0xFFFFF800  }
0x82: {  	_ =	swait.ge [sflag:s16], $0x800  }
0x83: {  	[sflag:s16] =	ssyncset.done $0x0  }
0x84: {  	[sflag:s16] =	ssyncadd.s32 $0xFFFFF800  }
0x85: {  	_ =	swait.ge [sflag:s16], $0x800  }
0x86: {  	[sflag:s16] =	ssyncset.done $0x0  }
0x87: {  	[sflag:s16] =	ssyncadd.s32 $0xFFFFF800  }
0x88: {  	_ =	swait.ge [sflag:s16], $0x800  }
0x89: {  	[sflag:s16] =	ssyncset.done $0x0  }
0x8a: {  	[sflag:s16] =	ssyncadd.s32 $0xFFFFF800  }
0x8b: {  	_ =	swait.ge [sflag:s16], $0x800  }
0x8c: {  	[sflag:s16] =	ssyncset.done $0x0  }
0x8d: {  	[sflag:s16] =	ssyncadd.s32 $0xFFFFF800  }
0x8e: {  	v2 =	vld [tilespmem:s17+$0x0];
	_ =	sdelay $0x4  }
0x8f: {  	(v2sf) =	vpush v2, $0x0;
	_ =	sdelay $0x5  }
0x90: {  	(v2sf) =	vpush v2, $0x1;
	_ =	sdelay $0x5  }
0x91: {  	(v2sf) =	vpush v2, $0x2;
	_ =	sdelay $0x2  }
0x92: {  	s19 =	spop (v2sf)  }
0x93: {  	s19 =	sand.u32 $0x7F, s19  }
0x94: {  	s20 =	sadd.s32 $0x10, s18;
	v3 =	vor.u32 s19, v0  }
0x95: {  	v4 =	vmov s20;
	(v2sf) =	vpush v2, $0x3  }
0x96: {  	v5 =	vshll.u32 v4, $0x3  }
0x97: {  	v4 =	vand.u32 $0x70, v4;
	v5 =	vand.u32 $0xC00, v5  }
0x98: {  	v4 =	vor.u32 v5, v4;
	s20 =	spop (v2sf)  }
0x99: {  	v4 =	vor.u32 v1, v4;
	s19 =	sand.u32 $0x7F, s20;
	v3 =	vld.idx.msk [tilespmem:v3+s26+$0x0], $0xffff  }
0x9a: {  	s20 =	sadd.s32 $0x11, s18;
	v22 =	vor.u32 s19, v0  }
0x9b: {  	(v2sf) =	vpush v2, $0x4;
	v6 =	vmov s20  }
0x9c: {  	v7 =	vshll.u32 v6, $0x3  }
0x9d: {  	v6 =	vand.u32 $0x71, v6;
	v7 =	vand.u32 $0xC00, v7  }
0x9e: {  	s20 =	spop (v2sf);
	[tilespmem:v4+s15+$0x0] =	vst.idx.msk $0xffff, v3;
	v3 =	vor.u32 v7, v6  }
0x9f: {  	s19 =	sand.u32 $0x7F, s20;
	v4 =	vld.idx.msk [tilespmem:v22+s28+$0x0], $0xffff;
	v3 =	vor.u32 v1, v3  }
0xa0: {  	s20 =	sadd.s32 $0x12, s18;
	v23 =	vor.u32 s19, v0  }
0xa1: {  	(v2sf) =	vpush v2, $0x5;
	v24 =	vmov s20  }
0xa2: {  	v25 =	vshll.u32 v24, $0x3  }
0xa3: {  	v6 =	vand.u32 $0x72, v24;
	v7 =	vand.u32 $0xC00, v25  }
0xa4: {  	s20 =	spop (v2sf);
	[tilespmem:v3+s15+$0x0] =	vst.idx.msk $0xffff, v4;
	v3 =	vor.u32 v7, v6  }
0xa5: {  	s19 =	sand.u32 $0x7F, s20;
	v4 =	vld.idx.msk [tilespmem:v23+s29+$0x0], $0xffff;
	v3 =	vor.u32 v1, v3  }
0xa6: {  	s20 =	sadd.s32 $0x13, s18;
	v26 =	vor.u32 s19, v0  }
0xa7: {  	(v2sf) =	vpush v2, $0x6;
	v27 =	vmov s20  }
0xa8: {  	v28 =	vshll.u32 v27, $0x3  }
0xa9: {  	v6 =	vand.u32 $0x73, v27;
	v7 =	vand.u32 $0xC00, v28  }
0xaa: {  	s20 =	spop (v2sf);
	[tilespmem:v3+s15+$0x0] =	vst.idx.msk $0xffff, v4;
	v3 =	vor.u32 v7, v6  }
0xab: {  	s19 =	sand.u32 $0x7F, s20;
	v4 =	vld.idx.msk [tilespmem:v26+s30+$0x0], $0xffff;
	v3 =	vor.u32 v1, v3  }
0xac: {  	s20 =	sadd.s32 $0x14, s18;
	v29 =	vor.u32 s19, v0  }
0xad: {  	(v2sf) =	vpush v2, $0x7;
	v30 =	vmov s20  }
0xae: {  	v31 =	vshll.u32 v30, $0x3  }
0xaf: {  	v6 =	vand.u32 $0x74, v30;
	v7 =	vand.u32 $0xC00, v31  }
0xb0: {  	s20 =	spop (v2sf);
	[tilespmem:v3+s15+$0x0] =	vst.idx.msk $0xffff, v4;
	v3 =	vor.u32 v7, v6  }
0xb1: {  	s19 =	sand.u32 $0x7F, s20;
	v4 =	vld.idx.msk [tilespmem:v29+s31+$0x0], $0xffff;
	v3 =	vor.u32 v1, v3  }
0xb2: {  	s20 =	sadd.s32 $0x15, s18;
	v32 =	vor.u32 s19, v0  }
0xb3: {  	(v2sf) =	vpush v2, $0x8;
	v33 =	vmov s20  }
0xb4: {  	v34 =	vshll.u32 v33, $0x3  }
0xb5: {  	v6 =	vand.u32 $0x75, v33;
	v7 =	vand.u32 $0xC00, v34  }
0xb6: {  	s20 =	spop (v2sf);
	[tilespmem:v3+s15+$0x0] =	vst.idx.msk $0xffff, v4;
	v3 =	vor.u32 v7, v6  }
0xb7: {  	s19 =	sand.u32 $0x7F, s20;
	v4 =	vld.idx.msk [tilespmem:v32+s0+$0x0], $0xffff;
	v3 =	vor.u32 v1, v3  }
0xb8: {  	s20 =	sadd.s32 $0x16, s18;
	v35 =	vor.u32 s19, v0  }
0xb9: {  	(v2sf) =	vpush v2, $0x9;
	v36 =	vmov s20  }
0xba: {  	v37 =	vshll.u32 v36, $0x3  }
0xbb: {  	v6 =	vand.u32 $0x76, v36;
	v7 =	vand.u32 $0xC00, v37  }
0xbc: {  	s20 =	spop (v2sf);
	[tilespmem:v3+s15+$0x0] =	vst.idx.msk $0xffff, v4;
	v3 =	vor.u32 v7, v6  }
0xbd: {  	s19 =	sand.u32 $0x7F, s20;
	v4 =	vld.idx.msk [tilespmem:v35+s2+$0x0], $0xffff;
	v3 =	vor.u32 v1, v3  }
0xbe: {  	s20 =	sadd.s32 $0x17, s18;
	v38 =	vor.u32 s19, v0  }
0xbf: {  	(v2sf) =	vpush v2, $0xA;
	v39 =	vmov s20  }
0xc0: {  	v40 =	vshll.u32 v39, $0x3  }
0xc1: {  	v6 =	vand.u32 $0x77, v39;
	v7 =	vand.u32 $0xC00, v40  }
0xc2: {  	s20 =	spop (v2sf);
	[tilespmem:v3+s15+$0x0] =	vst.idx.msk $0xffff, v4;
	v3 =	vor.u32 v7, v6  }
0xc3: {  	s19 =	sand.u32 $0x7F, s20;
	v4 =	vld.idx.msk [tilespmem:v38+s3+$0x0], $0xffff;
	v3 =	vor.u32 v1, v3  }
0xc4: {  	s20 =	sadd.s32 $0x18, s18;
	v41 =	vor.u32 s19, v0  }
0xc5: {  	(v2sf) =	vpush v2, $0xB;
	v42 =	vmov s20  }
0xc6: {  	v43 =	vshll.u32 v42, $0x3  }
0xc7: {  	v6 =	vand.u32 $0x78, v42;
	v7 =	vand.u32 $0xC00, v43  }
0xc8: {  	s20 =	spop (v2sf);
	[tilespmem:v3+s15+$0x0] =	vst.idx.msk $0xffff, v4;
	v3 =	vor.u32 v7, v6  }
0xc9: {  	s19 =	sand.u32 $0x7F, s20;
	v4 =	vld.idx.msk [tilespmem:v41+s4+$0x0], $0xffff;
	v3 =	vor.u32 v1, v3  }
0xca: {  	s20 =	sadd.s32 $0x19, s18;
	v44 =	vor.u32 s19, v0  }
0xcb: {  	(v2sf) =	vpush v2, $0xC;
	v45 =	vmov s20  }
0xcc: {  	v46 =	vshll.u32 v45, $0x3  }
0xcd: {  	v6 =	vand.u32 $0x79, v45;
	v7 =	vand.u32 $0xC00, v46  }
0xce: {  	s20 =	spop (v2sf);
	[tilespmem:v3+s15+$0x0] =	vst.idx.msk $0xffff, v4;
	v3 =	vor.u32 v7, v6  }
0xcf: {  	s19 =	sand.u32 $0x7F, s20;
	v4 =	vld.idx.msk [tilespmem:v44+s5+$0x0], $0xffff;
	v3 =	vor.u32 v1, v3  }
0xd0: {  	s20 =	sadd.s32 $0x1A, s18;
	v47 =	vor.u32 s19, v0  }
0xd1: {  	(v2sf) =	vpush v2, $0xD;
	v48 =	vmov s20  }
0xd2: {  	v49 =	vshll.u32 v48, $0x3  }
0xd3: {  	v6 =	vand.u32 $0x7A, v48;
	v7 =	vand.u32 $0xC00, v49  }
0xd4: {  	s20 =	spop (v2sf);
	[tilespmem:v3+s15+$0x0] =	vst.idx.msk $0xffff, v4;
	v3 =	vor.u32 v7, v6  }
0xd5: {  	s19 =	sand.u32 $0x7F, s20;
	v4 =	vld.idx.msk [tilespmem:v47+s6+$0x0], $0xffff;
	v3 =	vor.u32 v1, v3  }
0xd6: {  	s20 =	sadd.s32 $0x1B, s18;
	v50 =	vor.u32 s19, v0  }
0xd7: {  	(v2sf) =	vpush v2, $0xE;
	v51 =	vmov s20  }
0xd8: {  	v52 =	vshll.u32 v51, $0x3  }
0xd9: {  	v6 =	vand.u32 $0x7B, v51;
	v7 =	vand.u32 $0xC00, v52  }
0xda: {  	s20 =	spop (v2sf);
	[tilespmem:v3+s15+$0x0] =	vst.idx.msk $0xffff, v4;
	v3 =	vor.u32 v7, v6  }
0xdb: {  	s19 =	sand.u32 $0x7F, s20;
	v4 =	vld.idx.msk [tilespmem:v50+s7+$0x0], $0xffff;
	v3 =	vor.u32 v1, v3  }
0xdc: {  	s20 =	sadd.s32 $0x1C, s18;
	v53 =	vor.u32 s19, v0  }
0xdd: {  	(v2sf) =	vpush v2, $0xF;
	v54 =	vmov s20  }
0xde: {  	v2 =	vshll.u32 v54, $0x3  }
0xdf: {  	v2 =	vand.u32 $0xC00, v2;
	v6 =	vand.u32 $0x7C, v54  }
0xe0: {  	s20 =	spop (v2sf);
	v2 =	vor.u32 v2, v6;
	[tilespmem:v3+s15+$0x0] =	vst.idx.msk $0xffff, v4  }
0xe1: {  	s19 =	sand.u32 $0x7F, s20;
	v2 =	vor.u32 v1, v2;
	v3 =	vld.idx.msk [tilespmem:v53+s10+$0x0], $0xffff  }
0xe2: {  	s20 =	sadd.s32 $0x1D, s18;
	v55 =	vor.u32 s19, v0  }
0xe3: {  	v56 =	vmov s20  }
0xe4: {  	v57 =	vshll.u32 v56, $0x3  }
0xe5: {  	v5 =	vand.u32 $0x7D, v56;
	v6 =	vand.u32 $0xC00, v57  }
0xe6: {  	s20 =	spop (v2sf);
	[tilespmem:v2+s15+$0x0] =	vst.idx.msk $0xffff, v3;
	v2 =	vor.u32 v6, v5  }
0xe7: {  	s19 =	sand.u32 $0x7F, s20;
	v3 =	vld.idx.msk [tilespmem:v55+s11+$0x0], $0xffff;
	v2 =	vor.u32 v1, v2  }
0xe8: {  	s20 =	sadd.s32 $0x1E, s18;
	v58 =	vor.u32 s19, v0  }
0xe9: {  	v59 =	vmov s20  }
0xea: {  	v60 =	vshll.u32 v59, $0x3  }
0xeb: {  	v5 =	vand.u32 $0x7E, v59;
	v6 =	vand.u32 $0xC00, v60  }
0xec: {  	s20 =	spop (v2sf);
	[tilespmem:v2+s15+$0x0] =	vst.idx.msk $0xffff, v3;
	v2 =	vor.u32 v6, v5  }
0xed: {  	s19 =	sand.u32 $0x7F, s20;
	v3 =	vld.idx.msk [tilespmem:v58+s12+$0x0], $0xffff;
	v2 =	vor.u32 v1, v2  }
0xee: {  	s20 =	sadd.s32 $0x1F, s18;
	v61 =	vor.u32 s19, v0  }
0xef: {  	v62 =	vmov s20  }
0xf0: {  	v63 =	vshll.u32 v62, $0x3  }
0xf1: {  	v5 =	vand.u32 $0x7F, v62;
	v6 =	vand.u32 $0xC00, v63  }
0xf2: {  	s18 =	sadd.s32 $0x20, s18;
	[tilespmem:v2+s15+$0x0] =	vst.idx.msk $0xffff, v3;
	v2 =	vor.u32 v6, v5  }
0xf3: {  	p0 =	sne.s32 s18, $0x200;
	v3 =	vld.idx.msk [tilespmem:v61+s13+$0x0], $0xffff;
	v2 =	vor.u32 v1, v2  }
.Ltmp3:
0xf4: {  	_ = 	snop;
	(pc) =	sbr.rel @!p0 .LBB2_5-.Ltmp3, $2  }
0xf5: {  	_ =	sdelay $0x2  }
0xf6: {  	s17 =	sadd.s32 $0x20, s17;
	[tilespmem:v2+s15+$0x0] =	vst.idx.msk $0xffff, v3  }
.LBB2_2:
0xf7: {  	v2 =	vld [tilespmem:s17+$0x0];
	_ =	sdelay $0x4  }
0xf8: {  	(v2sf) =	vpush v2, $0x0;
	_ =	sdelay $0x1  }
0xf9: {  	(v2sf) =	vpush v2, $0x1;
	_ =	sdelay $0x2  }
0xfa: {  	(v2sf) =	vpush v2, $0x2;
	_ =	sdelay $0x2  }
0xfb: {  	(v2sf) =	vpush v2, $0x3;
	_ =	sdelay $0x6  }
0xfc: {  	s19 =	spop (v2sf);
	(v2sf) =	vpush v2, $0x4;
	_ =	sdelay $0x1  }
0xfd: {  	s19 =	sand.u32 $0xFFFFF80, s19;
	s20 =	spop (v2sf);
	(v2sf) =	vpush v2, $0x5  }
0xfe: {  	s19 =	sadd.s32 s1, s19  }
0xff: {  	[tilespmem:s26], [sflag:$0x2] =	stream.strided.gather [hbm4b:s19+s8], $0x800, s9, s8, $0x38;
	[tilespmem:$0x12200] =	vst v63  }
0x100: {  	s19 =	sand.u32 $0xFFFFF80, s20;
	s20 =	spop (v2sf);
	(v2sf) =	vpush v2, $0x6  }
0x101: {  	s19 =	sadd.s32 s1, s19  }
0x102: {  	[tilespmem:s28], [sflag:$0x2] =	stream.strided.gather [hbm4b:s19+s8], $0x800, s9, s8, $0x38;
	[tilespmem:$0x12200] =	vst v63  }
0x103: {  	s19 =	sand.u32 $0xFFFFF80, s20;
	s20 =	spop (v2sf);
	(v2sf) =	vpush v2, $0x7;
	_ =	sdelay $0x3  }
0x104: {  	s19 =	sadd.s32 s1, s19  }
0x105: {  	[tilespmem:s29], [sflag:$0x2] =	stream.strided.gather [hbm4b:s19+s8], $0x800, s9, s8, $0x38;
	[tilespmem:$0x12200] =	vst v63  }
0x106: {  	s19 =	sand.u32 $0xFFFFF80, s20  }
0x107: {  	s19 =	sadd.s32 s1, s19;
	s20 =	spop (v2sf);
	(v2sf) =	vpush v2, $0x8  }
0x108: {  	[tilespmem:s30], [sflag:$0x2] =	stream.strided.gather [hbm4b:s19+s8], $0x800, s9, s8, $0x38;
	[tilespmem:$0x12200] =	vst v63  }
0x109: {  	s19 =	sand.u32 $0xFFFFF80, s20;
	s20 =	spop (v2sf);
	(v2sf) =	vpush v2, $0x9  }
0x10a: {  	s19 =	sadd.s32 s1, s19  }
0x10b: {  	[tilespmem:s31], [sflag:$0x2] =	stream.strided.gather [hbm4b:s19+s8], $0x800, s9, s8, $0x38;
	[tilespmem:$0x12200] =	vst v63  }
0x10c: {  	s19 =	sand.u32 $0xFFFFF80, s20;
	s20 =	spop (v2sf);
	(v2sf) =	vpush v2, $0xA  }
0x10d: {  	s19 =	sadd.s32 s1, s19  }
0x10e: {  	[tilespmem:s0], [sflag:$0x2] =	stream.strided.gather [hbm4b:s19+s8], $0x800, s9, s8, $0x38;
	[tilespmem:$0x12200] =	vst v63  }
0x10f: {  	s19 =	sand.u32 $0xFFFFF80, s20;
	s20 =	spop (v2sf);
	(v2sf) =	vpush v2, $0xB;
	_ =	sdelay $0x3  }
0x110: {  	s19 =	sadd.s32 s1, s19  }
0x111: {  	[tilespmem:s2], [sflag:$0x2] =	stream.strided.gather [hbm4b:s19+s8], $0x800, s9, s8, $0x38;
	[tilespmem:$0x12200] =	vst v63  }
0x112: {  	s19 =	sand.u32 $0xFFFFF80, s20  }
0x113: {  	s19 =	sadd.s32 s1, s19;
	s20 =	spop (v2sf);
	(v2sf) =	vpush v2, $0xC  }
0x114: {  	[tilespmem:s3], [sflag:$0x2] =	stream.strided.gather [hbm4b:s19+s8], $0x800, s9, s8, $0x38;
	[tilespmem:$0x12200] =	vst v63  }
0x115: {  	s19 =	sand.u32 $0xFFFFF80, s20;
	s20 =	spop (v2sf);
	(v2sf) =	vpush v2, $0xD  }
0x116: {  	s19 =	sadd.s32 s1, s19  }
0x117: {  	[tilespmem:s4], [sflag:$0x2] =	stream.strided.gather [hbm4b:s19+s8], $0x800, s9, s8, $0x38;
	[tilespmem:$0x12200] =	vst v63  }
0x118: {  	s19 =	sand.u32 $0xFFFFF80, s20;
	s20 =	spop (v2sf);
	(v2sf) =	vpush v2, $0xE  }
0x119: {  	s19 =	sadd.s32 s1, s19  }
0x11a: {  	[tilespmem:s5], [sflag:$0x2] =	stream.strided.gather [hbm4b:s19+s8], $0x800, s9, s8, $0x38;
	[tilespmem:$0x12200] =	vst v63  }
0x11b: {  	s19 =	sand.u32 $0xFFFFF80, s20;
	s20 =	spop (v2sf);
	(v2sf) =	vpush v2, $0xF;
	_ =	sdelay $0x1  }
0x11c: {  	s19 =	sadd.s32 s1, s19  }
0x11d: {  	[tilespmem:s6], [sflag:$0x2] =	stream.strided.gather [hbm4b:s19+s8], $0x800, s9, s8, $0x38;
	[tilespmem:$0x12200] =	vst v63  }
0x11e: {  	s19 =	sand.u32 $0xFFFFF80, s20  }
0x11f: {  	s19 =	sadd.s32 s1, s19  }
0x120: {  	[tilespmem:s7], [sflag:$0x2] =	stream.strided.gather [hbm4b:s19+s8], $0x800, s9, s8, $0x38;
	[tilespmem:$0x12200] =	vst v63  }
0x121: {  	s20 =	spop (v2sf)  }
0x122: {  	s19 =	sand.u32 $0xFFFFF80, s20  }
0x123: {  	s20 =	spop (v2sf);
	s19 =	sadd.s32 s1, s19  }
0x124: {  	[tilespmem:s10], [sflag:$0x2] =	stream.strided.gather [hbm4b:s19+s8], $0x800, s9, s8, $0x38;
	[tilespmem:$0x12200] =	vst v63  }
0x125: {  	s19 =	sand.u32 $0xFFFFF80, s20  }
0x126: {  	s20 =	spop (v2sf);
	s19 =	sadd.s32 s1, s19  }
0x127: {  	[tilespmem:s11], [sflag:$0x2] =	stream.strided.gather [hbm4b:s19+s8], $0x800, s9, s8, $0x38;
	[tilespmem:$0x12200] =	vst v63  }
0x128: {  	s19 =	sand.u32 $0xFFFFF80, s20  }
0x129: {  	s20 =	spop (v2sf);
	s19 =	sadd.s32 s1, s19  }
0x12a: {  	[tilespmem:s12], [sflag:$0x2] =	stream.strided.gather [hbm4b:s19+s8], $0x800, s9, s8, $0x38;
	[tilespmem:$0x12200] =	vst v63  }
0x12b: {  	s19 =	sand.u32 $0xFFFFF80, s20  }
0x12c: {  	s19 =	sadd.s32 s1, s19  }
0x12d: {  	[tilespmem:s13], [sflag:$0x2] =	stream.strided.gather [hbm4b:s19+s8], $0x800, s9, s8, $0x38;
	[tilespmem:$0x12200] =	vst v63  }
0x12e: {  	_ =	swait.ge [sflag:s14], $0x800  }
0x12f: {  	[sflag:s14] =	ssyncset.done $0x0  }
0x130: {  	[sflag:s14] =	ssyncadd.s32 $0xFFFFF800  }
0x131: {  	_ =	swait.ge [sflag:s14], $0x800  }
0x132: {  	[sflag:s14] =	ssyncset.done $0x0  }
0x133: {  	[sflag:s14] =	ssyncadd.s32 $0xFFFFF800  }
0x134: {  	_ =	swait.ge [sflag:s14], $0x800  }
0x135: {  	[sflag:s14] =	ssyncset.done $0x0  }
0x136: {  	[sflag:s14] =	ssyncadd.s32 $0xFFFFF800  }
0x137: {  	_ =	swait.ge [sflag:s14], $0x800  }
0x138: {  	[sflag:s14] =	ssyncset.done $0x0  }
0x139: {  	[sflag:s14] =	ssyncadd.s32 $0xFFFFF800  }
0x13a: {  	_ =	swait.ge [sflag:s14], $0x800  }
0x13b: {  	[sflag:s14] =	ssyncset.done $0x0  }
0x13c: {  	[sflag:s14] =	ssyncadd.s32 $0xFFFFF800  }
0x13d: {  	_ =	swait.ge [sflag:s14], $0x800  }
0x13e: {  	[sflag:s14] =	ssyncset.done $0x0  }
0x13f: {  	[sflag:s14] =	ssyncadd.s32 $0xFFFFF800  }
0x140: {  	_ =	swait.ge [sflag:s14], $0x800  }
0x141: {  	[sflag:s14] =	ssyncset.done $0x0  }
0x142: {  	[sflag:s14] =	ssyncadd.s32 $0xFFFFF800  }
0x143: {  	_ =	swait.ge [sflag:s14], $0x800  }
0x144: {  	[sflag:s14] =	ssyncset.done $0x0  }
0x145: {  	[sflag:s14] =	ssyncadd.s32 $0xFFFFF800  }
0x146: {  	_ =	swait.ge [sflag:s14], $0x800  }
0x147: {  	[sflag:s14] =	ssyncset.done $0x0  }
0x148: {  	[sflag:s14] =	ssyncadd.s32 $0xFFFFF800  }
0x149: {  	_ =	swait.ge [sflag:s14], $0x800  }
0x14a: {  	[sflag:s14] =	ssyncset.done $0x0  }
0x14b: {  	[sflag:s14] =	ssyncadd.s32 $0xFFFFF800  }
0x14c: {  	_ =	swait.ge [sflag:s14], $0x800  }
0x14d: {  	[sflag:s14] =	ssyncset.done $0x0  }
0x14e: {  	[sflag:s14] =	ssyncadd.s32 $0xFFFFF800  }
0x14f: {  	_ =	swait.ge [sflag:s14], $0x800  }
0x150: {  	[sflag:s14] =	ssyncset.done $0x0  }
0x151: {  	[sflag:s14] =	ssyncadd.s32 $0xFFFFF800  }
0x152: {  	_ =	swait.ge [sflag:s14], $0x800  }
0x153: {  	[sflag:s14] =	ssyncset.done $0x0  }
0x154: {  	[sflag:s14] =	ssyncadd.s32 $0xFFFFF800  }
0x155: {  	_ =	swait.ge [sflag:s14], $0x800  }
0x156: {  	[sflag:s14] =	ssyncset.done $0x0  }
0x157: {  	[sflag:s14] =	ssyncadd.s32 $0xFFFFF800  }
0x158: {  	_ =	swait.ge [sflag:s14], $0x800  }
0x159: {  	[sflag:s14] =	ssyncset.done $0x0  }
0x15a: {  	[sflag:s14] =	ssyncadd.s32 $0xFFFFF800  }
0x15b: {  	_ =	swait.ge [sflag:s14], $0x800  }
0x15c: {  	[sflag:s14] =	ssyncset.done $0x0  }
0x15d: {  	[sflag:s14] =	ssyncadd.s32 $0xFFFFF800  }
0x15e: {  	v2 =	vld [tilespmem:s17+$0xFFFFFFF0];
	_ =	sdelay $0x4  }
0x15f: {  	(v2sf) =	vpush v2, $0x0;
	_ =	sdelay $0x5  }
0x160: {  	(v2sf) =	vpush v2, $0x1;
	_ =	sdelay $0x5  }
0x161: {  	(v2sf) =	vpush v2, $0x2;
	_ =	sdelay $0x2  }
0x162: {  	s20 =	spop (v2sf)  }
0x163: {  	s19 =	sand.u32 $0x7F, s20  }
0x164: {  	v3 =	vor.u32 s19, v0  }
0x165: {  	v4 =	vmov s18;
	(v2sf) =	vpush v2, $0x3  }
0x166: {  	v5 =	vshll.u32 v4, $0x3  }
0x167: {  	v4 =	vand.u32 $0x60, v4;
	v5 =	vand.u32 $0xC00, v5  }
0x168: {  	v4 =	vor.u32 v5, v4;
	s20 =	simm.s32 $0x200;
	s19 =	spop (v2sf)  }
0x169: {  	v4 =	vor.u32 v1, v4;
	s19 =	sand.u32 $0x7F, s19;
	v3 =	vld.idx.msk [tilespmem:v3+s20+$0x0], $0xffff  }
0x16a: {  	v22 =	vor.u32 s19, v0;
	s20 =	sadd.s32 $0x1, s18  }
0x16b: {  	(v2sf) =	vpush v2, $0x4;
	v6 =	vmov s20  }
0x16c: {  	v7 =	vshll.u32 v6, $0x3  }
0x16d: {  	v6 =	vand.u32 $0x61, v6;
	v7 =	vand.u32 $0xC00, v7  }
0x16e: {  	s19 =	spop (v2sf);
	s20 =	simm.s32 $0xA00;
	[tilespmem:v4+s15+$0x0] =	vst.idx.msk $0xffff, v3;
	v3 =	vor.u32 v7, v6  }
0x16f: {  	s19 =	sand.u32 $0x7F, s19;
	v4 =	vld.idx.msk [tilespmem:v22+s20+$0x0], $0xffff;
	v3 =	vor.u32 v1, v3  }
0x170: {  	v23 =	vor.u32 s19, v0;
	s20 =	sadd.s32 $0x2, s18  }
0x171: {  	(v2sf) =	vpush v2, $0x5;
	v24 =	vmov s20  }
0x172: {  	v25 =	vshll.u32 v24, $0x3  }
0x173: {  	v6 =	vand.u32 $0x62, v24;
	v7 =	vand.u32 $0xC00, v25  }
0x174: {  	s20 =	simm.s32 $0x1200;
	s19 =	spop (v2sf);
	[tilespmem:v3+s15+$0x0] =	vst.idx.msk $0xffff, v4;
	v3 =	vor.u32 v7, v6  }
0x175: {  	s19 =	sand.u32 $0x7F, s19;
	v4 =	vld.idx.msk [tilespmem:v23+s20+$0x0], $0xffff;
	v3 =	vor.u32 v1, v3  }
0x176: {  	v26 =	vor.u32 s19, v0;
	s20 =	sadd.s32 $0x3, s18  }
0x177: {  	(v2sf) =	vpush v2, $0x6;
	v27 =	vmov s20  }
0x178: {  	v28 =	vshll.u32 v27, $0x3  }
0x179: {  	v6 =	vand.u32 $0x63, v27;
	v7 =	vand.u32 $0xC00, v28  }
0x17a: {  	s19 =	spop (v2sf);
	s20 =	simm.s32 $0x1A00;
	[tilespmem:v3+s15+$0x0] =	vst.idx.msk $0xffff, v4;
	v3 =	vor.u32 v7, v6  }
0x17b: {  	s19 =	sand.u32 $0x7F, s19;
	v4 =	vld.idx.msk [tilespmem:v26+s20+$0x0], $0xffff;
	v3 =	vor.u32 v1, v3  }
0x17c: {  	v29 =	vor.u32 s19, v0;
	s20 =	sadd.s32 $0x4, s18  }
0x17d: {  	(v2sf) =	vpush v2, $0x7;
	v30 =	vmov s20  }
0x17e: {  	v31 =	vshll.u32 v30, $0x3  }
0x17f: {  	v6 =	vand.u32 $0x64, v30;
	v7 =	vand.u32 $0xC00, v31  }
0x180: {  	s19 =	spop (v2sf);
	s20 =	simm.s32 $0x2200;
	[tilespmem:v3+s15+$0x0] =	vst.idx.msk $0xffff, v4;
	v3 =	vor.u32 v7, v6  }
0x181: {  	s19 =	sand.u32 $0x7F, s19;
	v4 =	vld.idx.msk [tilespmem:v29+s20+$0x0], $0xffff;
	v3 =	vor.u32 v1, v3  }
0x182: {  	v32 =	vor.u32 s19, v0;
	s20 =	sadd.s32 $0x5, s18  }
0x183: {  	(v2sf) =	vpush v2, $0x8;
	v33 =	vmov s20  }
0x184: {  	v34 =	vshll.u32 v33, $0x3  }
0x185: {  	v6 =	vand.u32 $0x65, v33;
	v7 =	vand.u32 $0xC00, v34  }
0x186: {  	s19 =	spop (v2sf);
	s20 =	simm.s32 $0x2A00;
	[tilespmem:v3+s15+$0x0] =	vst.idx.msk $0xffff, v4;
	v3 =	vor.u32 v7, v6  }
0x187: {  	s19 =	sand.u32 $0x7F, s19;
	v4 =	vld.idx.msk [tilespmem:v32+s20+$0x0], $0xffff;
	v3 =	vor.u32 v1, v3  }
0x188: {  	v35 =	vor.u32 s19, v0;
	s20 =	sadd.s32 $0x6, s18  }
0x189: {  	(v2sf) =	vpush v2, $0x9;
	v36 =	vmov s20  }
0x18a: {  	v37 =	vshll.u32 v36, $0x3  }
0x18b: {  	v6 =	vand.u32 $0x66, v36;
	v7 =	vand.u32 $0xC00, v37  }
0x18c: {  	s19 =	spop (v2sf);
	s20 =	simm.s32 $0x3200;
	[tilespmem:v3+s15+$0x0] =	vst.idx.msk $0xffff, v4;
	v3 =	vor.u32 v7, v6  }
0x18d: {  	s19 =	sand.u32 $0x7F, s19;
	v4 =	vld.idx.msk [tilespmem:v35+s20+$0x0], $0xffff;
	v3 =	vor.u32 v1, v3  }
0x18e: {  	v38 =	vor.u32 s19, v0;
	s20 =	sadd.s32 $0x7, s18  }
0x18f: {  	(v2sf) =	vpush v2, $0xA;
	v39 =	vmov s20  }
0x190: {  	v40 =	vshll.u32 v39, $0x3  }
0x191: {  	v6 =	vand.u32 $0x67, v39;
	v7 =	vand.u32 $0xC00, v40  }
0x192: {  	s19 =	spop (v2sf);
	s20 =	simm.s32 $0x3A00;
	[tilespmem:v3+s15+$0x0] =	vst.idx.msk $0xffff, v4;
	v3 =	vor.u32 v7, v6  }
0x193: {  	s19 =	sand.u32 $0x7F, s19;
	v4 =	vld.idx.msk [tilespmem:v38+s20+$0x0], $0xffff;
	v3 =	vor.u32 v1, v3  }
0x194: {  	v41 =	vor.u32 s19, v0;
	s20 =	sadd.s32 $0x8, s18  }
0x195: {  	(v2sf) =	vpush v2, $0xB;
	v42 =	vmov s20  }
0x196: {  	v43 =	vshll.u32 v42, $0x3  }
0x197: {  	v6 =	vand.u32 $0x68, v42;
	v7 =	vand.u32 $0xC00, v43  }
0x198: {  	s19 =	spop (v2sf);
	s20 =	simm.s32 $0x4200;
	[tilespmem:v3+s15+$0x0] =	vst.idx.msk $0xffff, v4;
	v3 =	vor.u32 v7, v6  }
0x199: {  	s19 =	sand.u32 $0x7F, s19;
	v4 =	vld.idx.msk [tilespmem:v41+s20+$0x0], $0xffff;
	v3 =	vor.u32 v1, v3  }
0x19a: {  	v44 =	vor.u32 s19, v0;
	s20 =	sadd.s32 $0x9, s18  }
0x19b: {  	(v2sf) =	vpush v2, $0xC;
	v45 =	vmov s20  }
0x19c: {  	v46 =	vshll.u32 v45, $0x3  }
0x19d: {  	v6 =	vand.u32 $0x69, v45;
	v7 =	vand.u32 $0xC00, v46  }
0x19e: {  	s19 =	spop (v2sf);
	s20 =	simm.s32 $0x4A00;
	[tilespmem:v3+s15+$0x0] =	vst.idx.msk $0xffff, v4;
	v3 =	vor.u32 v7, v6  }
0x19f: {  	s19 =	sand.u32 $0x7F, s19;
	v4 =	vld.idx.msk [tilespmem:v44+s20+$0x0], $0xffff;
	v3 =	vor.u32 v1, v3  }
0x1a0: {  	v47 =	vor.u32 s19, v0;
	s20 =	sadd.s32 $0xA, s18  }
0x1a1: {  	(v2sf) =	vpush v2, $0xD;
	v48 =	vmov s20  }
0x1a2: {  	v49 =	vshll.u32 v48, $0x3  }
0x1a3: {  	v6 =	vand.u32 $0x6A, v48;
	v7 =	vand.u32 $0xC00, v49  }
0x1a4: {  	s19 =	spop (v2sf);
	s20 =	simm.s32 $0x5200;
	[tilespmem:v3+s15+$0x0] =	vst.idx.msk $0xffff, v4;
	v3 =	vor.u32 v7, v6  }
0x1a5: {  	s19 =	sand.u32 $0x7F, s19;
	v4 =	vld.idx.msk [tilespmem:v47+s20+$0x0], $0xffff;
	v3 =	vor.u32 v1, v3  }
0x1a6: {  	v50 =	vor.u32 s19, v0;
	s20 =	sadd.s32 $0xB, s18  }
0x1a7: {  	(v2sf) =	vpush v2, $0xE;
	v51 =	vmov s20  }
0x1a8: {  	v52 =	vshll.u32 v51, $0x3  }
0x1a9: {  	v6 =	vand.u32 $0x6B, v51;
	v7 =	vand.u32 $0xC00, v52  }
0x1aa: {  	s20 =	spop (v2sf);
	[tilespmem:v3+s15+$0x0] =	vst.idx.msk $0xffff, v4;
	v3 =	vor.u32 v7, v6  }
0x1ab: {  	s19 =	sand.u32 $0x7F, s20;
	v4 =	vld.idx.msk [tilespmem:v50+s21+$0x0], $0xffff;
	v3 =	vor.u32 v1, v3  }
0x1ac: {  	s20 =	sadd.s32 $0xC, s18;
	v53 =	vor.u32 s19, v0  }
0x1ad: {  	(v2sf) =	vpush v2, $0xF;
	v54 =	vmov s20  }
0x1ae: {  	v2 =	vshll.u32 v54, $0x3  }
0x1af: {  	v6 =	vand.u32 $0x6C, v54;
	v2 =	vand.u32 $0xC00, v2  }
0x1b0: {  	s20 =	spop (v2sf);
	v2 =	vor.u32 v2, v6;
	[tilespmem:v3+s15+$0x0] =	vst.idx.msk $0xffff, v4  }
0x1b1: {  	s19 =	sand.u32 $0x7F, s20;
	v2 =	vor.u32 v1, v2;
	v3 =	vld.idx.msk [tilespmem:v53+s22+$0x0], $0xffff  }
0x1b2: {  	s20 =	sadd.s32 $0xD, s18;
	v55 =	vor.u32 s19, v0  }
0x1b3: {  	v56 =	vmov s20  }
0x1b4: {  	v57 =	vshll.u32 v56, $0x3  }
0x1b5: {  	v5 =	vand.u32 $0x6D, v56;
	v6 =	vand.u32 $0xC00, v57  }
0x1b6: {  	s20 =	spop (v2sf);
	[tilespmem:v2+s15+$0x0] =	vst.idx.msk $0xffff, v3;
	v2 =	vor.u32 v6, v5  }
0x1b7: {  	s19 =	sand.u32 $0x7F, s20;
	v3 =	vld.idx.msk [tilespmem:v55+s23+$0x0], $0xffff;
	v2 =	vor.u32 v1, v2  }
0x1b8: {  	s20 =	sadd.s32 $0xE, s18;
	v58 =	vor.u32 s19, v0  }
0x1b9: {  	v59 =	vmov s20  }
0x1ba: {  	v60 =	vshll.u32 v59, $0x3  }
0x1bb: {  	v5 =	vand.u32 $0x6E, v59;
	v6 =	vand.u32 $0xC00, v60  }
0x1bc: {  	s20 =	spop (v2sf);
	[tilespmem:v2+s15+$0x0] =	vst.idx.msk $0xffff, v3;
	v2 =	vor.u32 v6, v5  }
0x1bd: {  	s19 =	sand.u32 $0x7F, s20;
	v3 =	vld.idx.msk [tilespmem:v58+s24+$0x0], $0xffff;
	v2 =	vor.u32 v1, v2  }
0x1be: {  	s20 =	sadd.s32 $0xF, s18;
	v61 =	vor.u32 s19, v0  }
0x1bf: {  	v62 =	vmov s20  }
0x1c0: {  	v63 =	vshll.u32 v62, $0x3  }
0x1c1: {  	v5 =	vand.u32 $0x6F, v62;
	v6 =	vand.u32 $0xC00, v63  }
0x1c2: {  	[tilespmem:v2+s15+$0x0] =	vst.idx.msk $0xffff, v3;
	v2 =	vor.u32 v6, v5  }
0x1c3: {  	p0 =	seq.s32 s18, $0x1E0;
	v3 =	vld.idx.msk [tilespmem:v61+s25+$0x0], $0xffff;
	v2 =	vor.u32 v1, v2  }
.Ltmp4:
0x1c4: {  	_ = 	snop;
	(pc) =	sbr.rel @p0 .LBB2_4-.Ltmp4, $2  }
0x1c5: {  	_ =	sdelay $0x2  }
0x1c6: {  	[tilespmem:v2+s15+$0x0] =	vst.idx.msk $0xffff, v3  }
0x1c7: {  	v2 =	vld [tilespmem:s17+$0x10];
	_ =	sdelay $0x4  }
0x1c8: {  	(v2sf) =	vpush v2, $0x0;
	_ =	sdelay $0x3  }
0x1c9: {  	(v2sf) =	vpush v2, $0x1;
	_ =	sdelay $0x3  }
0x1ca: {  	(v2sf) =	vpush v2, $0x2;
	_ =	sdelay $0x3  }
0x1cb: {  	(v2sf) =	vpush v2, $0x3;
	_ =	sdelay $0x2  }
0x1cc: {  	s19 =	spop (v2sf)  }
0x1cd: {  	(v2sf) =	vpush v2, $0x4;
	s19 =	sand.u32 $0xFFFFF80, s19  }
0x1ce: {  	s20 =	simm.s32 $0x200;
	s19 =	sadd.s32 s1, s19  }
0x1cf: {  	[tilespmem:s20], [sflag:$0x1] =	stream.strided.gather [hbm4b:s19+s8], $0x800, s9, s8, $0x38;
	[tilespmem:$0x12200] =	vst v63  }
0x1d0: {  	s20 =	spop (v2sf)  }
0x1d1: {  	(v2sf) =	vpush v2, $0x5;
	s19 =	sand.u32 $0xFFFFF80, s20  }
0x1d2: {  	s20 =	simm.s32 $0xA00;
	s19 =	sadd.s32 s1, s19  }
0x1d3: {  	[tilespmem:s20], [sflag:$0x1] =	stream.strided.gather [hbm4b:s19+s8], $0x800, s9, s8, $0x38;
	[tilespmem:$0x12200] =	vst v63  }
0x1d4: {  	s20 =	spop (v2sf)  }
0x1d5: {  	(v2sf) =	vpush v2, $0x6;
	s19 =	sand.u32 $0xFFFFF80, s20  }
0x1d6: {  	s20 =	simm.s32 $0x1200;
	s19 =	sadd.s32 s1, s19  }
0x1d7: {  	[tilespmem:s20], [sflag:$0x1] =	stream.strided.gather [hbm4b:s19+s8], $0x800, s9, s8, $0x38;
	[tilespmem:$0x12200] =	vst v63  }
0x1d8: {  	s20 =	spop (v2sf)  }
0x1d9: {  	(v2sf) =	vpush v2, $0x7;
	s19 =	sand.u32 $0xFFFFF80, s20  }
0x1da: {  	s20 =	simm.s32 $0x1A00;
	s19 =	sadd.s32 s1, s19  }
0x1db: {  	[tilespmem:s20], [sflag:$0x1] =	stream.strided.gather [hbm4b:s19+s8], $0x800, s9, s8, $0x38;
	[tilespmem:$0x12200] =	vst v63  }
0x1dc: {  	s20 =	spop (v2sf)  }
0x1dd: {  	(v2sf) =	vpush v2, $0x8;
	s19 =	sand.u32 $0xFFFFF80, s20  }
0x1de: {  	s20 =	simm.s32 $0x2200;
	s19 =	sadd.s32 s1, s19  }
0x1df: {  	[tilespmem:s20], [sflag:$0x1] =	stream.strided.gather [hbm4b:s19+s8], $0x800, s9, s8, $0x38;
	[tilespmem:$0x12200] =	vst v63  }
0x1e0: {  	s20 =	spop (v2sf)  }
0x1e1: {  	(v2sf) =	vpush v2, $0x9;
	s19 =	sand.u32 $0xFFFFF80, s20  }
0x1e2: {  	s20 =	simm.s32 $0x2A00;
	s19 =	sadd.s32 s1, s19  }
0x1e3: {  	[tilespmem:s20], [sflag:$0x1] =	stream.strided.gather [hbm4b:s19+s8], $0x800, s9, s8, $0x38;
	[tilespmem:$0x12200] =	vst v63  }
0x1e4: {  	s20 =	spop (v2sf)  }
0x1e5: {  	(v2sf) =	vpush v2, $0xA;
	s19 =	sand.u32 $0xFFFFF80, s20  }
0x1e6: {  	s20 =	simm.s32 $0x3200;
	s19 =	sadd.s32 s1, s19  }
0x1e7: {  	[tilespmem:s20], [sflag:$0x1] =	stream.strided.gather [hbm4b:s19+s8], $0x800, s9, s8, $0x38;
	[tilespmem:$0x12200] =	vst v63  }
0x1e8: {  	s20 =	spop (v2sf)  }
0x1e9: {  	(v2sf) =	vpush v2, $0xB;
	s19 =	sand.u32 $0xFFFFF80, s20  }
0x1ea: {  	s20 =	simm.s32 $0x3A00;
	s19 =	sadd.s32 s1, s19  }
0x1eb: {  	[tilespmem:s20], [sflag:$0x1] =	stream.strided.gather [hbm4b:s19+s8], $0x800, s9, s8, $0x38;
	[tilespmem:$0x12200] =	vst v63  }
0x1ec: {  	s20 =	spop (v2sf)  }
0x1ed: {  	(v2sf) =	vpush v2, $0xC;
	s19 =	sand.u32 $0xFFFFF80, s20  }
0x1ee: {  	s20 =	simm.s32 $0x4200;
	s19 =	sadd.s32 s1, s19  }
0x1ef: {  	[tilespmem:s20], [sflag:$0x1] =	stream.strided.gather [hbm4b:s19+s8], $0x800, s9, s8, $0x38;
	[tilespmem:$0x12200] =	vst v63  }
0x1f0: {  	s20 =	spop (v2sf)  }
0x1f1: {  	(v2sf) =	vpush v2, $0xD;
	s19 =	sand.u32 $0xFFFFF80, s20  }
0x1f2: {  	s20 =	simm.s32 $0x4A00;
	s19 =	sadd.s32 s1, s19  }
0x1f3: {  	[tilespmem:s20], [sflag:$0x1] =	stream.strided.gather [hbm4b:s19+s8], $0x800, s9, s8, $0x38;
	[tilespmem:$0x12200] =	vst v63  }
0x1f4: {  	s20 =	spop (v2sf)  }
0x1f5: {  	(v2sf) =	vpush v2, $0xE;
	s19 =	sand.u32 $0xFFFFF80, s20  }
0x1f6: {  	s20 =	simm.s32 $0x5200;
	s19 =	sadd.s32 s1, s19  }
0x1f7: {  	[tilespmem:s20], [sflag:$0x1] =	stream.strided.gather [hbm4b:s19+s8], $0x800, s9, s8, $0x38;
	[tilespmem:$0x12200] =	vst v63  }
0x1f8: {  	s20 =	spop (v2sf)  }
0x1f9: {  	s19 =	sand.u32 $0xFFFFF80, s20  }
0x1fa: {  	(v2sf) =	vpush v2, $0xF;
	s19 =	sadd.s32 s1, s19  }
0x1fb: {  	[tilespmem:s21], [sflag:$0x1] =	stream.strided.gather [hbm4b:s19+s8], $0x800, s9, s8, $0x38;
	[tilespmem:$0x12200] =	vst v63  }
0x1fc: {  	s20 =	spop (v2sf)  }
0x1fd: {  	s19 =	sand.u32 $0xFFFFF80, s20  }
0x1fe: {  	s19 =	sadd.s32 s1, s19  }
0x1ff: {  	[tilespmem:s22], [sflag:$0x1] =	stream.strided.gather [hbm4b:s19+s8], $0x800, s9, s8, $0x38;
	[tilespmem:$0x12200] =	vst v63  }
0x200: {  	s20 =	spop (v2sf)  }
0x201: {  	s19 =	sand.u32 $0xFFFFF80, s20  }
0x202: {  	s19 =	sadd.s32 s1, s19  }
0x203: {  	[tilespmem:s23], [sflag:$0x1] =	stream.strided.gather [hbm4b:s19+s8], $0x800, s9, s8, $0x38;
	[tilespmem:$0x12200] =	vst v63  }
0x204: {  	s20 =	spop (v2sf)  }
0x205: {  	s19 =	sand.u32 $0xFFFFF80, s20  }
0x206: {  	s19 =	sadd.s32 s1, s19  }
0x207: {  	[tilespmem:s24], [sflag:$0x1] =	stream.strided.gather [hbm4b:s19+s8], $0x800, s9, s8, $0x38;
	[tilespmem:$0x12200] =	vst v63  }
.Ltmp5:
0x208: {  	_ = 	snop;
	(pc) =	sbr.rel .LBB2_4-.Ltmp5, $4  }
0x209: {  	s20 =	spop (v2sf)  }
0x20a: {  	s19 =	sand.u32 $0xFFFFF80, s20  }
0x20b: {  	s19 =	sadd.s32 s1, s19  }
0x20c: {  	[tilespmem:s25], [sflag:$0x1] =	stream.strided.gather [hbm4b:s19+s8], $0x800, s9, s8, $0x38;
	[tilespmem:$0x12200] =	vst v63  }
.LBB2_6:
0x20d: {  	_ =	sfence.sel $0x180000  }
0x20e: {  	[bflag:$0x0] =	sbarrier.arrive $0xFFFF  }
0x20f: {  	_ =	strace $0x90000047  }
0x210: {  	s0 =	stileid.u32;
	[bflag:$0x2] =	sbarrier.arrive $0xFFFF  }
0x211: {  	p0 =	sne.s32 s0, $0x0;
	s0 =	rddreg [dreg:$0x3]  }
0x212: {  	s0 =	sadd.s32 @!p0 $0x100000, s0  }
0x213: {  	[sflag:s0] =	ssyncadd.tile.s32 @!p0 $0x1;
	_ =	shalt  }
.Lfunc_end2:
_tile_overlayer_lowered:
.L_overlay_start_2:
0x214: {  	(tag) =	ssettag $0x2  }
0x215: {  	s0 =	rddreg [dreg:$0x0];
	s2 =	stileid.u32  }
0x216: {  	s1 =	rddreg [dreg:$0x1];
	p0 =	sne.s32 s2, $0x0  }
0x217: {  	s3 =	rddreg [dreg:$0x2];
	[bflag:$0x3] =	sbarrier.arrive $0xFFFF;
	s2 =	simm.s32 @!p0 $0x1C03  }
0x218: {  	[timem:s3], [sflag:s2] =	dma.local @!p0 [hbm:s0], s1  }
0x219: {  	s0 =	simm.s32 @!p0 $0x3  }
0x21a: {  	_ =	swait.ge @!p0 [sflag:s0], s1  }
0x21b: {  	s1 =	ssub.s32 @!p0 $0x0, s1;
	[sflag:s0] =	ssyncset.done @!p0 $0x0  }
0x21c: {  	[sflag:s0] =	ssyncadd.s32 @!p0 s1  }
0x21d: {  	[bflag:$0x3] =	sbarrier.arrive $0xFFFF  }
0x21e: {  	_ =	shalt  }

</sc_bundles>
